<compile_context>
chip_gen: v7x
topology: tpu7x:2x2x1
jax: 0.10.2.dev20260603
libtpu: 0.0.44.dev20260713+nightly
codegen_flags: <defaults>
</compile_context>

<pallas_src>
import functools

import jax
import jax.numpy as jnp
from jax import lax
from jax.experimental import pallas as pl
from jax.experimental.pallas import tpu as pltpu
from jax.experimental.pallas import tpu_sc as plsc

N = 10000
D = 128
E = 320000
ED = 16
H = 128
ESEL = 160000
HSEL = ESEL // 2

NPAD = 10240

NC, NS = 2, 16
NW = NC * NS
CH = 128
NCH_E = E // CH
NCH_A = HSEL // CH
NZR = NPAD // NS

def _cdiv(a, b):
  return (a + b - 1) // b


def _sc_mesh():
  return plsc.VectorSubcoreMesh(
      core_axis_name="c", subcore_axis_name="s", num_cores=NC, num_subcores=NS)




_KG = 2


@functools.cache
def _sc_gather2_kernel():
  per_set = [pltpu.VMEM((CH,), jnp.int32),
             pltpu.VMEM((CH,), jnp.int32),
             pltpu.VMEM((CH, D), jnp.float32),
             pltpu.VMEM((CH, D), jnp.float32),
             pltpu.SemaphoreType.DMA,
             pltpu.SemaphoreType.DMA]
  return pl.kernel(
      _sc_gather2_body,
      out_type=[jax.ShapeDtypeStruct((E, D), jnp.float32),
                jax.ShapeDtypeStruct((E, D), jnp.float32)],
      mesh=_sc_mesh(),
      scratch_types=per_set * _KG)


def _sc_gather2(*args):
  return _sc_gather2_kernel()(*args)


def _sc_gather2_body(p_hbm, q_hbm, ir_hbm, is_hbm, gr_hbm, gs_hbm, *scratch):
  sets = [scratch[i * 6:(i + 1) * 6] for i in range(_KG)]
  wid = lax.axis_index("s") * NC + lax.axis_index("c")

  def step(g, carry):
    cs = [(g * _KG + b) * NW + wid for b in range(_KG)]
    for b in range(_KG):
      ir_v, is_v, rr_v, rs_v, sem_r, sem_s = sets[b]

      @pl.when(cs[b] < NCH_E)
      def _(b=b, ir_v=ir_v, is_v=is_v, rr_v=rr_v, rs_v=rs_v,
            sem_r=sem_r, sem_s=sem_s):
        base = cs[b] * CH
        pltpu.sync_copy(ir_hbm.at[pl.ds(base, CH)], ir_v)
        pltpu.sync_copy(is_hbm.at[pl.ds(base, CH)], is_v)
        pltpu.async_copy(p_hbm.at[ir_v], rr_v, sem_r)
        pltpu.async_copy(q_hbm.at[is_v], rs_v, sem_s)

    for b in range(_KG):
      ir_v, is_v, rr_v, rs_v, sem_r, sem_s = sets[b]

      @pl.when(cs[b] < NCH_E)
      def _(b=b, ir_v=ir_v, is_v=is_v, rr_v=rr_v, rs_v=rs_v,
            sem_r=sem_r, sem_s=sem_s):
        base = cs[b] * CH
        pltpu.make_async_copy(p_hbm.at[ir_v], rr_v, sem_r).wait()
        pltpu.make_async_copy(q_hbm.at[is_v], rs_v, sem_s).wait()
        pltpu.sync_copy(rr_v, gr_hbm.at[pl.ds(base, CH)])
        pltpu.sync_copy(rs_v, gs_hbm.at[pl.ds(base, CH)])

    return carry

  lax.fori_loop(0, _cdiv(_cdiv(NCH_E, NW), _KG), step, 0)


_KS = 2


@functools.cache
def _sc_scatter_add_kernel():
  per_set = [pltpu.VMEM((CH,), jnp.int32),
             pltpu.VMEM((CH, D), jnp.float32),
             pltpu.SemaphoreType.DMA]
  return pl.kernel(
      _sc_scatter_add_body,
      out_type=jax.ShapeDtypeStruct((NC, NPAD, D), jnp.float32),
      mesh=_sc_mesh(),
      scratch_types=per_set * _KS + [pltpu.VMEM_SHARED((NPAD, D), jnp.float32)])


def _sc_scatter_add(*args):
  return _sc_scatter_add_kernel()(*args)


def _sc_scatter_add_body(msg_hbm, ir_hbm, zeros_hbm, agg_hbm, *scratch):
  sets = [scratch[i * 3:(i + 1) * 3] for i in range(_KS)]
  acc_sh = scratch[-1]
  cid = lax.axis_index("c")
  sid = lax.axis_index("s")
  wid = sid * NC + cid
  pltpu.sync_copy(zeros_hbm.at[pl.ds(sid * NZR, NZR)],
                  acc_sh.at[pl.ds(sid * NZR, NZR)])
  plsc.subcore_barrier()

  def step(g, carry):
    cs = [(g * _KS + b) * NW + wid for b in range(_KS)]
    for b in range(_KS):
      idx_v, row_v, sem = sets[b]

      @pl.when(cs[b] < NCH_E)
      def _(b=b, idx_v=idx_v, row_v=row_v, sem=sem):
        base = cs[b] * CH
        pltpu.sync_copy(ir_hbm.at[pl.ds(base, CH)], idx_v)
        pltpu.async_copy(msg_hbm.at[pl.ds(base, CH)], row_v, sem)

    for b in range(_KS):
      idx_v, row_v, sem = sets[b]

      @pl.when(cs[b] < NCH_E)
      def _(b=b, idx_v=idx_v, row_v=row_v, sem=sem):
        base = cs[b] * CH
        pltpu.make_async_copy(msg_hbm.at[pl.ds(base, CH)], row_v, sem).wait()
        pltpu.sync_copy(row_v, acc_sh.at[idx_v], add=True)

    return carry

  lax.fori_loop(0, _cdiv(_cdiv(NCH_E, NW), _KS), step, 0)
  plsc.subcore_barrier()
  pltpu.sync_copy(acc_sh.at[pl.ds(sid * NZR, NZR)],
                  agg_hbm.at[cid, pl.ds(sid * NZR, NZR)])


_KA = 2


@functools.cache
def _sc_actor_gather_kernel():
  per_set = [pltpu.VMEM((CH,), jnp.int32),
             pltpu.VMEM((CH,), jnp.int32),
             pltpu.VMEM((CH,), jnp.int32),
             pltpu.VMEM((CH, D), jnp.float32),
             pltpu.VMEM((CH, D), jnp.float32),
             pltpu.VMEM((CH, D), jnp.float32),
             pltpu.SemaphoreType.DMA,
             pltpu.SemaphoreType.DMA,
             pltpu.SemaphoreType.DMA]
  return pl.kernel(
      _sc_actor_gather_body,
      out_type=[jax.ShapeDtypeStruct((HSEL, D), jnp.float32),
                jax.ShapeDtypeStruct((HSEL, D), jnp.float32),
                jax.ShapeDtypeStruct((HSEL, D), jnp.float32)],
      mesh=_sc_mesh(),
      scratch_types=per_set * _KA)


def _sc_actor_gather(*args):
  return _sc_actor_gather_kernel()(*args)


def _sc_actor_gather_body(qr_hbm, qs_hbm, ir_hbm, is_hbm, mask_hbm, ea_hbm,
                          ar_hbm, as_hbm, eao_hbm, *scratch):
  sets = [scratch[i * 9:(i + 1) * 9] for i in range(_KA)]
  wid = lax.axis_index("s") * NC + lax.axis_index("c")

  def step(g, carry):
    cs = [(g * _KA + b) * NW + wid for b in range(_KA)]

    for b in range(_KA):
      m_v, ir_v, is_v, rr_v, rs_v, ea_v, sem0, sem1, sem2 = sets[b]

      @pl.when(cs[b] < NCH_A)
      def _(b=b, m_v=m_v, ir_v=ir_v, is_v=is_v, ea_v=ea_v,
            sem0=sem0, sem1=sem1, sem2=sem2):
        base = cs[b] * CH
        pltpu.sync_copy(mask_hbm.at[pl.ds(base, CH)], m_v)
        pltpu.async_copy(ir_hbm.at[m_v], ir_v, sem0)
        pltpu.async_copy(is_hbm.at[m_v], is_v, sem1)
        pltpu.async_copy(ea_hbm.at[m_v], ea_v, sem2)

    for b in range(_KA):
      m_v, ir_v, is_v, rr_v, rs_v, ea_v, sem0, sem1, sem2 = sets[b]

      @pl.when(cs[b] < NCH_A)
      def _(b=b, m_v=m_v, ir_v=ir_v, is_v=is_v, rr_v=rr_v, rs_v=rs_v,
            sem0=sem0, sem1=sem1):
        pltpu.make_async_copy(ir_hbm.at[m_v], ir_v, sem0).wait()
        pltpu.make_async_copy(is_hbm.at[m_v], is_v, sem1).wait()
        pltpu.async_copy(qr_hbm.at[ir_v], rr_v, sem0)
        pltpu.async_copy(qs_hbm.at[is_v], rs_v, sem1)

    for b in range(_KA):
      m_v, ir_v, is_v, rr_v, rs_v, ea_v, sem0, sem1, sem2 = sets[b]

      @pl.when(cs[b] < NCH_A)
      def _(b=b, m_v=m_v, ir_v=ir_v, is_v=is_v, rr_v=rr_v, rs_v=rs_v,
            ea_v=ea_v, sem0=sem0, sem1=sem1, sem2=sem2):
        base = cs[b] * CH
        pltpu.make_async_copy(qr_hbm.at[ir_v], rr_v, sem0).wait()
        pltpu.make_async_copy(qs_hbm.at[is_v], rs_v, sem1).wait()
        pltpu.make_async_copy(ea_hbm.at[m_v], ea_v, sem2).wait()
        pltpu.sync_copy(rr_v, ar_hbm.at[pl.ds(base, CH)])
        pltpu.sync_copy(rs_v, as_hbm.at[pl.ds(base, CH)])
        pltpu.sync_copy(ea_v, eao_hbm.at[pl.ds(base, CH)])

    return carry

  lax.fori_loop(0, _cdiv(_cdiv(NCH_A, NW), _KA), step, 0)



RP = 2048
RM = 2000
RA = 2000


def _dual_proj_body(x_ref, wr_ref, ws_ref, p_ref, q_ref):
  x = x_ref[...]
  p_ref[...] = jnp.dot(x, wr_ref[...])
  q_ref[...] = jnp.dot(x, ws_ref[...])


def _tc_dual_proj(x, wr, ws):
  return pl.pallas_call(
      _dual_proj_body,
      grid=(NPAD // RP,),
      in_specs=[pl.BlockSpec((RP, D), lambda i: (i, 0)),
                pl.BlockSpec((D, H), lambda i: (0, 0)),
                pl.BlockSpec((D, H), lambda i: (0, 0))],
      out_specs=[pl.BlockSpec((RP, H), lambda i: (i, 0)),
                 pl.BlockSpec((RP, H), lambda i: (i, 0))],
      out_shape=[jax.ShapeDtypeStruct((NPAD, H), jnp.float32),
                 jax.ShapeDtypeStruct((NPAD, H), jnp.float32)],
  )(x, wr, ws)


def _msg_body(gr_ref, gs_ref, ea_ref, w1_ref, b1_ref, w2_ref, b2_ref, out_ref):
  xcat = jnp.concatenate([gr_ref[...], gs_ref[...], ea_ref[...]], axis=-1)
  pre = jnp.dot(xcat, w1_ref[...]) + b1_ref[...]
  out_ref[...] = jnp.dot(jnp.maximum(pre, 0.0), w2_ref[...]) + b2_ref[...]


def _tc_msg(gr, gs, ea, w1, b1, w2, b2):
  return pl.pallas_call(
      _msg_body,
      grid=(E // RM,),
      in_specs=[pl.BlockSpec((RM, H), lambda i: (i, 0)),
                pl.BlockSpec((RM, H), lambda i: (i, 0)),
                pl.BlockSpec((RM, ED), lambda i: (i, 0)),
                pl.BlockSpec((2 * D + ED, H), lambda i: (0, 0)),
                pl.BlockSpec((1, H), lambda i: (0, 0)),
                pl.BlockSpec((H, H), lambda i: (0, 0)),
                pl.BlockSpec((1, H), lambda i: (0, 0))],
      out_specs=pl.BlockSpec((RM, H), lambda i: (i, 0)),
      out_shape=jax.ShapeDtypeStruct((E, H), jnp.float32),
  )(gr, gs, ea, w1, b1, w2, b2)


def _update_body(x_ref, a0_ref, a1_ref, wu_ref, bu_ref, out_ref):
  xcat = jnp.concatenate([x_ref[...], a0_ref[...] + a1_ref[...]], axis=-1)
  out_ref[...] = jnp.maximum(jnp.dot(xcat, wu_ref[...]) + bu_ref[...], 0.0)


def _tc_node_update(x, a0, a1, wu, bu):
  return pl.pallas_call(
      _update_body,
      grid=(NPAD // RP,),
      in_specs=[pl.BlockSpec((RP, D), lambda i: (i, 0)),
                pl.BlockSpec((RP, H), lambda i: (i, 0)),
                pl.BlockSpec((RP, H), lambda i: (i, 0)),
                pl.BlockSpec((D + H, H), lambda i: (0, 0)),
                pl.BlockSpec((1, H), lambda i: (0, 0))],
      out_specs=pl.BlockSpec((RP, H), lambda i: (i, 0)),
      out_shape=jax.ShapeDtypeStruct((NPAD, H), jnp.float32),
  )(x, a0, a1, wu, bu)


def _ea_body(ea_ref, we_ref, b1_ref, out_ref):
  out_ref[...] = (jnp.dot(ea_ref[...], we_ref[...],
                          ) + b1_ref[...])


def _tc_ea_proj(ea, we, b1):
  return pl.pallas_call(
      _ea_body,
      grid=(E // RM,),
      in_specs=[pl.BlockSpec((RM, ED), lambda i: (i, 0)),
                pl.BlockSpec((ED, H), lambda i: (0, 0)),
                pl.BlockSpec((1, H), lambda i: (0, 0))],
      out_specs=pl.BlockSpec((RM, H), lambda i: (i, 0)),
      out_shape=jax.ShapeDtypeStruct((E, H), jnp.float32),
  )(ea, we, b1)


def _actor_body(are_ref, ase_ref, eae_ref, aro_ref, aso_ref, eao_ref,
                w1_ref, b1_ref, w2_ref, b2_ref, out_ref):
  w1 = w1_ref[...]
  b1 = b1_ref[...]
  ce = jnp.concatenate([are_ref[...], ase_ref[...], eae_ref[..., :ED]], axis=-1)
  co = jnp.concatenate([aro_ref[...], aso_ref[...], eao_ref[..., :ED]], axis=-1)
  pre_e = jnp.dot(ce, w1) + b1
  pre_o = jnp.dot(co, w1) + b1
  m = 0.5 * (jnp.dot(jnp.maximum(pre_e, 0.0), w2_ref[...])
             + jnp.dot(jnp.maximum(pre_o, 0.0), w2_ref[...])) + b2_ref[...]
  lane = lax.broadcasted_iota(jnp.int32, m.shape, 1)
  out_ref[...] = jnp.where(lane == 0, m,
                           jnp.exp(jnp.clip(m, -20.0, 2.0)))


def _tc_actor_head(are, ase, eae, aro, aso, eao, w1, b1, w2, b2):
  return pl.pallas_call(
      _actor_body,
      grid=(HSEL // RA,),
      in_specs=[pl.BlockSpec((RA, H), lambda i: (i, 0)),
                pl.BlockSpec((RA, H), lambda i: (i, 0)),
                pl.BlockSpec((RA, H), lambda i: (i, 0)),
                pl.BlockSpec((RA, H), lambda i: (i, 0)),
                pl.BlockSpec((RA, H), lambda i: (i, 0)),
                pl.BlockSpec((RA, H), lambda i: (i, 0)),
                pl.BlockSpec((2 * H + ED, H), lambda i: (0, 0)),
                pl.BlockSpec((1, H), lambda i: (0, 0)),
                pl.BlockSpec((H, 2), lambda i: (0, 0)),
                pl.BlockSpec((1, 2), lambda i: (0, 0))],
      out_specs=pl.BlockSpec((RA, 2), lambda i: (i, 0)),
      out_shape=jax.ShapeDtypeStruct((HSEL, 2), jnp.float32),
  )(are, ase, eae, aro, aso, eao, w1, b1, w2, b2)




def _encoder_layer(x, idx_r, idx_s, ea, wm1, bm1, wm2, bm2, wu, bu, zeros):
  gr, gs = _sc_gather2(x, x, idx_r, idx_s)
  msg = _tc_msg(gr, gs, ea, wm1, bm1.reshape(1, H), wm2, bm2.reshape(1, H))
  agg = _sc_scatter_add(msg, idx_r, zeros)
  return _tc_node_update(x, agg[0], agg[1], wu, bu.reshape(1, H))


def kernel(nodes, edge_index, edge_attr, edge_type_mask,
           g1_Wm1, g1_bm1, g1_Wm2, g1_bm2, g1_Wu, g1_bu,
           g2_Wm1, g2_bm1, g2_Wm2, g2_bm2, g2_Wu, g2_bu,
           a_W1, a_b1, a_W2, a_b2):
  idx_r = edge_index[0].astype(jnp.int32)
  idx_s = edge_index[1].astype(jnp.int32)
  ea = edge_attr[0]
  mask = edge_type_mask.astype(jnp.int32)
  x = jnp.pad(nodes[0], ((0, NPAD - N), (0, 0)))
  zeros = jnp.zeros((NPAD, D), jnp.float32)

  h = _encoder_layer(x, idx_r, idx_s, ea, g1_Wm1, g1_bm1, g1_Wm2, g1_bm2,
                     g1_Wu, g1_bu, zeros)
  h = _encoder_layer(h, idx_r, idx_s, ea, g2_Wm1, g2_bm1, g2_Wm2, g2_bm2,
                     g2_Wu, g2_bu, zeros)

  ea128 = jnp.pad(ea, ((0, 0), (0, D - ED)))
  mask_e = mask[0::2]
  mask_o = mask[1::2]
  are, ase, eae = _sc_actor_gather(h, h, idx_r, idx_s, mask_e, ea128)
  aro, aso, eao = _sc_actor_gather(h, h, idx_r, idx_s, mask_o, ea128)
  out2 = _tc_actor_head(are, ase, eae, aro, aso, eao, a_W1,
                        a_b1.reshape(1, H), a_W2, a_b2.reshape(1, 2))
  mean = out2[:, 0].reshape(1, HSEL)
  std = out2[:, 1].reshape(1, HSEL)
  return (mean, std)

# --- scband reference (transcript-rebuilt; emitter-appended) ---
"""Pipeline reference for scband-gnnpolicy-network-16355235463220 (READ-ONLY COPY).

The authoritative reference and input builder live on the scoring server;
editing this copy changes nothing except your own understanding.
"""

import jax, jax.numpy as jnp
import numpy as np

B, N, D = 1, 10000, 128
E = 320000
ED = 16
H = 128
ESEL = 160000


def _mlp2(x, W1, b1, W2, b2):
    return jnp.maximum(x @ W1 + b1, 0.0) @ W2 + b2


def _encoder(node_attr, idx_r, idx_s, edge_attr, Wm1, bm1, Wm2, bm2, Wu, bu):
    node_r = node_attr[:, idx_r, :]
    node_s = node_attr[:, idx_s, :]
    msg_in = jnp.concatenate([node_r, node_s, edge_attr], axis=-1)
    msg = _mlp2(msg_in, Wm1, bm1, Wm2, bm2)
    b, n, _ = node_attr.shape
    agg = jnp.zeros((b, n, msg.shape[-1]), dtype=msg.dtype).at[:, idx_r, :].add(msg)
    upd_in = jnp.concatenate([node_attr, agg], axis=-1)
    return jnp.maximum(upd_in @ Wu + bu, 0.0)


def setup_inputs(seed: int = 0) -> dict:
    key = jax.random.key(seed)
    ks = jax.random.split(key, 20)
    inp = {}
    inp['nodes'] = jax.random.normal(ks[0], (B, N, D), dtype=jnp.float32)
    inp['edge_index'] = jax.random.randint(ks[1], (2, E), 0, N, dtype=jnp.int64 if jax.config.jax_enable_x64 else jnp.int32)
    inp['edge_attr'] = jax.random.normal(ks[2], (B, E, ED), dtype=jnp.float32)
    inp['edge_type_mask'] = jnp.sort(jax.random.randint(ks[3], (ESEL,), 0, E, dtype=jnp.int64 if jax.config.jax_enable_x64 else jnp.int32))
    def xav(k, shape):
        fan_in, fan_out = shape
        lim = float(np.sqrt(6.0 / (fan_in + fan_out)))
        return jax.random.uniform(k, shape, dtype=jnp.float32, minval=-lim, maxval=lim)
    # gnn1
    inp['g1_Wm1'] = xav(ks[4], (2 * D + ED, H)); inp['g1_bm1'] = jnp.zeros((H,), jnp.float32)
    inp['g1_Wm2'] = xav(ks[5], (H, H)); inp['g1_bm2'] = jnp.zeros((H,), jnp.float32)
    inp['g1_Wu'] = xav(ks[6], (D + H, H)); inp['g1_bu'] = jnp.zeros((H,), jnp.float32)
    # gnn2
    inp['g2_Wm1'] = xav(ks[7], (2 * H + ED, H)); inp['g2_bm1'] = jnp.zeros((H,), jnp.float32)
    inp['g2_Wm2'] = xav(ks[8], (H, H)); inp['g2_bm2'] = jnp.zeros((H,), jnp.float32)
    inp['g2_Wu'] = xav(ks[9], (H + H, H)); inp['g2_bu'] = jnp.zeros((H,), jnp.float32)
    # actor head
    inp['a_W1'] = xav(ks[10], (2 * H + ED, H)); inp['a_b1'] = jnp.zeros((H,), jnp.float32)
    inp['a_W2'] = xav(ks[11], (H, 2)); inp['a_b2'] = jnp.zeros((2,), jnp.float32)
    return inp


def reference(nodes, edge_index, edge_attr, edge_type_mask,
              g1_Wm1, g1_bm1, g1_Wm2, g1_bm2, g1_Wu, g1_bu,
              g2_Wm1, g2_bm1, g2_Wm2, g2_bm2, g2_Wu, g2_bu,
              a_W1, a_b1, a_W2, a_b2):
    idx_r = edge_index[0]
    idx_s = edge_index[1]
    h = _encoder(nodes, idx_r, idx_s, edge_attr, g1_Wm1, g1_bm1, g1_Wm2, g1_bm2, g1_Wu, g1_bu)
    h = _encoder(h, idx_r, idx_s, edge_attr, g2_Wm1, g2_bm1, g2_Wm2, g2_bm2, g2_Wu, g2_bu)
    idx_r_a = idx_r[edge_type_mask]
    idx_s_a = idx_s[edge_type_mask]
    edge_attr_a = edge_attr[:, edge_type_mask, :]
    h_r_a = h[:, idx_r_a, :]
    h_s_a = h[:, idx_s_a, :]
    actor_in = jnp.concatenate([h_r_a, h_s_a, edge_attr_a], axis=-1)
    actor_out = _mlp2(actor_in, a_W1, a_b1, a_W2, a_b2)
    actor_out = actor_out.reshape(actor_out.shape[0], -1, 2, actor_out.shape[2]).mean(axis=2)
    mean = actor_out[:, :, 0]
    log_std = jnp.clip(actor_out[:, :, 1], -20.0, 2.0)
    std = jnp.exp(log_std)
    return (mean, std)

if __name__ == "__main__":
    import jax
    _d = setup_inputs()
    print(jax.jit(kernel)(*tuple(_d.values())))

</pallas_src>

<mosaic_0001>
#map = affine_map<(d0, d1) -> (0, 0)>
#map1 = affine_map<(d0, d1) -> (0)>
module attributes {stable_mosaic.version = 14 : i64} {
  func.func @_sc_gather2_body(%arg0: i32, %arg1: i32, %arg2: memref<10240x128xf32, #tpu.memory_space<hbm>>, %arg3: memref<10240x128xf32, #tpu.memory_space<hbm>>, %arg4: memref<320000xi32, #tpu.memory_space<hbm>>, %arg5: memref<320000xi32, #tpu.memory_space<hbm>>, %arg6: memref<320000x128xf32, #tpu.memory_space<hbm>>, %arg7: memref<320000x128xf32, #tpu.memory_space<hbm>>, %arg8: memref<128xi32, #tpu.memory_space<vmem>>, %arg9: memref<128xi32, #tpu.memory_space<vmem>>, %arg10: memref<128x128xf32, #tpu.memory_space<vmem>>, %arg11: memref<128x128xf32, #tpu.memory_space<vmem>>, %arg12: memref<!tpu.dma_semaphore, #tpu.memory_space<semaphore_mem>>, %arg13: memref<!tpu.dma_semaphore, #tpu.memory_space<semaphore_mem>>, %arg14: memref<128xi32, #tpu.memory_space<vmem>>, %arg15: memref<128xi32, #tpu.memory_space<vmem>>, %arg16: memref<128x128xf32, #tpu.memory_space<vmem>>, %arg17: memref<128x128xf32, #tpu.memory_space<vmem>>, %arg18: memref<!tpu.dma_semaphore, #tpu.memory_space<semaphore_mem>>, %arg19: memref<!tpu.dma_semaphore, #tpu.memory_space<semaphore_mem>>) attributes {dimension_semantics = [#tpu.dimension_semantics<core_parallel>, #tpu.dimension_semantics<subcore_parallel>], iteration_bounds = array<i64: 2, 16>, scalar_prefetch = 0 : i64, scratch_operands = 12 : i64, tpu.core_type = #tpu.core_type<sc_vector_subcore>, window_params = [{transform_indices = #map}, {transform_indices = #map}, {transform_indices = #map1}, {transform_indices = #map1}, {transform_indices = #map}, {transform_indices = #map}]} {
    %mul3A = arith.constant 2 : i32
    %mul3A_0 = arith.muli %arg1, %mul3A : i32
    %add3A = arith.addi %mul3A_0, %arg0 : i32
    %scan3A = arith.constant 0 : i32
    %scan3A_1 = arith.constant 0 : i32
    %scan3A_2 = arith.constant 40 : i32
    %scan3A_3 = arith.addi %scan3A_1, %scan3A_2 : i32
    %scan3A_4 = arith.constant 1 : i32
    scf.for %scan3A_6 = %scan3A_1 to %scan3A_3 step %scan3A_4  : i32 {
      %mul3A_7 = arith.constant 2 : i32
      %mul3A_8 = arith.muli %scan3A_6, %mul3A_7 : i32
      %add3A_9 = arith.constant 0 : i32
      %add3A_10 = arith.addi %mul3A_8, %add3A_9 : i32
      %mul3A_11 = arith.constant 32 : i32
      %mul3A_12 = arith.muli %add3A_10, %mul3A_11 : i32
      %add3A_13 = arith.addi %mul3A_12, %add3A : i32
      %mul3A_14 = arith.constant 2 : i32
      %mul3A_15 = arith.muli %scan3A_6, %mul3A_14 : i32
      %add3A_16 = arith.constant 1 : i32
      %add3A_17 = arith.addi %mul3A_15, %add3A_16 : i32
      %mul3A_18 = arith.constant 32 : i32
      %mul3A_19 = arith.muli %add3A_17, %mul3A_18 : i32
      %add3A_20 = arith.addi %mul3A_19, %add3A : i32
      %lt3A = arith.constant 2500 : i32
      %lt3A_21 = arith.cmpi slt, %add3A_13, %lt3A : i32
      %convert_element_type3A = arith.extui %lt3A_21 : i1 to i32
      %cond3A = arith.constant 0 : i32
      %cond3A_22 = arith.cmpi ne, %convert_element_type3A, %cond3A : i32
      scf.if %cond3A_22 {
        %mul3A_38 = arith.constant 128 : i32
        %mul3A_39 = arith.muli %add3A_13, %mul3A_38 : i32
        "tpu.region"() ({
          %run_scoped3A = tpu.sem_alloc : memref<!tpu.dma_semaphore, #tpu.memory_space<semaphore_mem>>
          %dma_start3A_45 = tpu.memref_slice %arg4[%mul3A_39] : memref<320000xi32, #tpu.memory_space<hbm>> -> memref<128xi32, #tpu.memory_space<hbm>>
          %dma_start3A_46 = tpu.memref_slice %arg4[%mul3A_39] : memref<320000xi32, #tpu.memory_space<hbm>> -> memref<128xi32, #tpu.memory_space<hbm>>
          tpu.enqueue_dma source(%dma_start3A_46 : memref<128xi32, #tpu.memory_space<hbm>>) target(%arg8 : memref<128xi32, #tpu.memory_space<vmem>>) target_semaphore(%run_scoped3A : memref<!tpu.dma_semaphore, #tpu.memory_space<semaphore_mem>>)
          %dma_wait3A = tpu.memref_slice %arg4[%mul3A_39] : memref<320000xi32, #tpu.memory_space<hbm>> -> memref<128xi32, #tpu.memory_space<hbm>>
          %dma_wait3A_47 = tpu.memref_slice %arg4[%mul3A_39] : memref<320000xi32, #tpu.memory_space<hbm>> -> memref<128xi32, #tpu.memory_space<hbm>>
          tpu.wait_dma2 semaphore(%run_scoped3A : memref<!tpu.dma_semaphore, #tpu.memory_space<semaphore_mem>>) src(%dma_wait3A_47 : memref<128xi32, #tpu.memory_space<hbm>>) dst(%arg8 : memref<128xi32, #tpu.memory_space<vmem>>)
          tpu.yield
        }) : () -> ()
        "tpu.region"() ({
          %run_scoped3A = tpu.sem_alloc : memref<!tpu.dma_semaphore, #tpu.memory_space<semaphore_mem>>
          %dma_start3A_45 = tpu.memref_slice %arg5[%mul3A_39] : memref<320000xi32, #tpu.memory_space<hbm>> -> memref<128xi32, #tpu.memory_space<hbm>>
          %dma_start3A_46 = tpu.memref_slice %arg5[%mul3A_39] : memref<320000xi32, #tpu.memory_space<hbm>> -> memref<128xi32, #tpu.memory_space<hbm>>
          tpu.enqueue_dma source(%dma_start3A_46 : memref<128xi32, #tpu.memory_space<hbm>>) target(%arg9 : memref<128xi32, #tpu.memory_space<vmem>>) target_semaphore(%run_scoped3A : memref<!tpu.dma_semaphore, #tpu.memory_space<semaphore_mem>>)
          %dma_wait3A = tpu.memref_slice %arg5[%mul3A_39] : memref<320000xi32, #tpu.memory_space<hbm>> -> memref<128xi32, #tpu.memory_space<hbm>>
          %dma_wait3A_47 = tpu.memref_slice %arg5[%mul3A_39] : memref<320000xi32, #tpu.memory_space<hbm>> -> memref<128xi32, #tpu.memory_space<hbm>>
          tpu.wait_dma2 semaphore(%run_scoped3A : memref<!tpu.dma_semaphore, #tpu.memory_space<semaphore_mem>>) src(%dma_wait3A_47 : memref<128xi32, #tpu.memory_space<hbm>>) dst(%arg9 : memref<128xi32, #tpu.memory_space<vmem>>)
          tpu.yield
        }) : () -> ()
        %dma_start3A = arith.constant 0 : i32
        %dma_start3A_40 = arith.constant 0 : i32
        %dma_start3A_41 = tpu.memref_slice %arg2[%dma_start3A, %dma_start3A_40] : memref<10240x128xf32, #tpu.memory_space<hbm>> -> memref<10240x128xf32, #tpu.memory_space<hbm>>
        tpu.enqueue_indirect_dma source(%dma_start3A_41 : memref<10240x128xf32, #tpu.memory_space<hbm>>) target(%arg10 : memref<128x128xf32, #tpu.memory_space<vmem>>) offsets(%arg8 : memref<128xi32, #tpu.memory_space<vmem>>) semaphore(%arg12 : memref<!tpu.dma_semaphore, #tpu.memory_space<semaphore_mem>>)
        %dma_start3A_42 = arith.constant 0 : i32
        %dma_start3A_43 = arith.constant 0 : i32
        %dma_start3A_44 = tpu.memref_slice %arg3[%dma_start3A_42, %dma_start3A_43] : memref<10240x128xf32, #tpu.memory_space<hbm>> -> memref<10240x128xf32, #tpu.memory_space<hbm>>
        tpu.enqueue_indirect_dma source(%dma_start3A_44 : memref<10240x128xf32, #tpu.memory_space<hbm>>) target(%arg11 : memref<128x128xf32, #tpu.memory_space<vmem>>) offsets(%arg9 : memref<128xi32, #tpu.memory_space<vmem>>) semaphore(%arg13 : memref<!tpu.dma_semaphore, #tpu.memory_space<semaphore_mem>>)
      } else {
      }
      %lt3A_23 = arith.constant 2500 : i32
      %lt3A_24 = arith.cmpi slt, %add3A_20, %lt3A_23 : i32
      %convert_element_type3A_25 = arith.extui %lt3A_24 : i1 to i32
      %cond3A_26 = arith.constant 0 : i32
      %cond3A_27 = arith.cmpi ne, %convert_element_type3A_25, %cond3A_26 : i32
      scf.if %cond3A_27 {
        %mul3A_38 = arith.constant 128 : i32
        %mul3A_39 = arith.muli %add3A_20, %mul3A_38 : i32
        "tpu.region"() ({
          %run_scoped3A = tpu.sem_alloc : memref<!tpu.dma_semaphore, #tpu.memory_space<semaphore_mem>>
          %dma_start3A_45 = tpu.memref_slice %arg4[%mul3A_39] : memref<320000xi32, #tpu.memory_space<hbm>> -> memref<128xi32, #tpu.memory_space<hbm>>
          %dma_start3A_46 = tpu.memref_slice %arg4[%mul3A_39] : memref<320000xi32, #tpu.memory_space<hbm>> -> memref<128xi32, #tpu.memory_space<hbm>>
          tpu.enqueue_dma source(%dma_start3A_46 : memref<128xi32, #tpu.memory_space<hbm>>) target(%arg14 : memref<128xi32, #tpu.memory_space<vmem>>) target_semaphore(%run_scoped3A : memref<!tpu.dma_semaphore, #tpu.memory_space<semaphore_mem>>)
          %dma_wait3A = tpu.memref_slice %arg4[%mul3A_39] : memref<320000xi32, #tpu.memory_space<hbm>> -> memref<128xi32, #tpu.memory_space<hbm>>
          %dma_wait3A_47 = tpu.memref_slice %arg4[%mul3A_39] : memref<320000xi32, #tpu.memory_space<hbm>> -> memref<128xi32, #tpu.memory_space<hbm>>
          tpu.wait_dma2 semaphore(%run_scoped3A : memref<!tpu.dma_semaphore, #tpu.memory_space<semaphore_mem>>) src(%dma_wait3A_47 : memref<128xi32, #tpu.memory_space<hbm>>) dst(%arg14 : memref<128xi32, #tpu.memory_space<vmem>>)
          tpu.yield
        }) : () -> ()
        "tpu.region"() ({
          %run_scoped3A = tpu.sem_alloc : memref<!tpu.dma_semaphore, #tpu.memory_space<semaphore_mem>>
          %dma_start3A_45 = tpu.memref_slice %arg5[%mul3A_39] : memref<320000xi32, #tpu.memory_space<hbm>> -> memref<128xi32, #tpu.memory_space<hbm>>
          %dma_start3A_46 = tpu.memref_slice %arg5[%mul3A_39] : memref<320000xi32, #tpu.memory_space<hbm>> -> memref<128xi32, #tpu.memory_space<hbm>>
          tpu.enqueue_dma source(%dma_start3A_46 : memref<128xi32, #tpu.memory_space<hbm>>) target(%arg15 : memref<128xi32, #tpu.memory_space<vmem>>) target_semaphore(%run_scoped3A : memref<!tpu.dma_semaphore, #tpu.memory_space<semaphore_mem>>)
          %dma_wait3A = tpu.memref_slice %arg5[%mul3A_39] : memref<320000xi32, #tpu.memory_space<hbm>> -> memref<128xi32, #tpu.memory_space<hbm>>
          %dma_wait3A_47 = tpu.memref_slice %arg5[%mul3A_39] : memref<320000xi32, #tpu.memory_space<hbm>> -> memref<128xi32, #tpu.memory_space<hbm>>
          tpu.wait_dma2 semaphore(%run_scoped3A : memref<!tpu.dma_semaphore, #tpu.memory_space<semaphore_mem>>) src(%dma_wait3A_47 : memref<128xi32, #tpu.memory_space<hbm>>) dst(%arg15 : memref<128xi32, #tpu.memory_space<vmem>>)
          tpu.yield
        }) : () -> ()
        %dma_start3A = arith.constant 0 : i32
        %dma_start3A_40 = arith.constant 0 : i32
        %dma_start3A_41 = tpu.memref_slice %arg2[%dma_start3A, %dma_start3A_40] : memref<10240x128xf32, #tpu.memory_space<hbm>> -> memref<10240x128xf32, #tpu.memory_space<hbm>>
        tpu.enqueue_indirect_dma source(%dma_start3A_41 : memref<10240x128xf32, #tpu.memory_space<hbm>>) target(%arg16 : memref<128x128xf32, #tpu.memory_space<vmem>>) offsets(%arg14 : memref<128xi32, #tpu.memory_space<vmem>>) semaphore(%arg18 : memref<!tpu.dma_semaphore, #tpu.memory_space<semaphore_mem>>)
        %dma_start3A_42 = arith.constant 0 : i32
        %dma_start3A_43 = arith.constant 0 : i32
        %dma_start3A_44 = tpu.memref_slice %arg3[%dma_start3A_42, %dma_start3A_43] : memref<10240x128xf32, #tpu.memory_space<hbm>> -> memref<10240x128xf32, #tpu.memory_space<hbm>>
        tpu.enqueue_indirect_dma source(%dma_start3A_44 : memref<10240x128xf32, #tpu.memory_space<hbm>>) target(%arg17 : memref<128x128xf32, #tpu.memory_space<vmem>>) offsets(%arg15 : memref<128xi32, #tpu.memory_space<vmem>>) semaphore(%arg19 : memref<!tpu.dma_semaphore, #tpu.memory_space<semaphore_mem>>)
      } else {
      }
      %lt3A_28 = arith.constant 2500 : i32
      %lt3A_29 = arith.cmpi slt, %add3A_13, %lt3A_28 : i32
      %convert_element_type3A_30 = arith.extui %lt3A_29 : i1 to i32
      %cond3A_31 = arith.constant 0 : i32
      %cond3A_32 = arith.cmpi ne, %convert_element_type3A_30, %cond3A_31 : i32
      scf.if %cond3A_32 {
        %mul3A_38 = arith.constant 128 : i32
        %mul3A_39 = arith.muli %add3A_13, %mul3A_38 : i32
        %dma_wait3A = arith.constant 0 : i32
        %dma_wait3A_40 = arith.constant 0 : i32
        %dma_wait3A_41 = tpu.memref_slice %arg2[%dma_wait3A, %dma_wait3A_40] : memref<10240x128xf32, #tpu.memory_space<hbm>> -> memref<10240x128xf32, #tpu.memory_space<hbm>>
        tpu.wait_indirect_dma semaphore(%arg12 : memref<!tpu.dma_semaphore, #tpu.memory_space<semaphore_mem>>) src(%dma_wait3A_41 : memref<10240x128xf32, #tpu.memory_space<hbm>>) dst(%arg10 : memref<128x128xf32, #tpu.memory_space<vmem>>)
        %dma_wait3A_42 = arith.constant 0 : i32
        %dma_wait3A_43 = arith.constant 0 : i32
        %dma_wait3A_44 = tpu.memref_slice %arg3[%dma_wait3A_42, %dma_wait3A_43] : memref<10240x128xf32, #tpu.memory_space<hbm>> -> memref<10240x128xf32, #tpu.memory_space<hbm>>
        tpu.wait_indirect_dma semaphore(%arg13 : memref<!tpu.dma_semaphore, #tpu.memory_space<semaphore_mem>>) src(%dma_wait3A_44 : memref<10240x128xf32, #tpu.memory_space<hbm>>) dst(%arg11 : memref<128x128xf32, #tpu.memory_space<vmem>>)
        "tpu.region"() ({
          %run_scoped3A = tpu.sem_alloc : memref<!tpu.dma_semaphore, #tpu.memory_space<semaphore_mem>>
          %dma_start3A = arith.constant 0 : i32
          %dma_start3A_45 = tpu.memref_slice %arg6[%mul3A_39, %dma_start3A] : memref<320000x128xf32, #tpu.memory_space<hbm>> -> memref<128x128xf32, #tpu.memory_space<hbm>>
          %dma_start3A_46 = arith.constant 0 : i32
          %dma_start3A_47 = tpu.memref_slice %arg6[%mul3A_39, %dma_start3A_46] : memref<320000x128xf32, #tpu.memory_space<hbm>> -> memref<128x128xf32, #tpu.memory_space<hbm>>
          tpu.enqueue_dma source(%arg10 : memref<128x128xf32, #tpu.memory_space<vmem>>) target(%dma_start3A_47 : memref<128x128xf32, #tpu.memory_space<hbm>>) target_semaphore(%run_scoped3A : memref<!tpu.dma_semaphore, #tpu.memory_space<semaphore_mem>>)
          %dma_wait3A_48 = arith.constant 0 : i32
          %dma_wait3A_49 = tpu.memref_slice %arg6[%mul3A_39, %dma_wait3A_48] : memref<320000x128xf32, #tpu.memory_space<hbm>> -> memref<128x128xf32, #tpu.memory_space<hbm>>
          %dma_wait3A_50 = arith.constant 0 : i32
          %dma_wait3A_51 = tpu.memref_slice %arg6[%mul3A_39, %dma_wait3A_50] : memref<320000x128xf32, #tpu.memory_space<hbm>> -> memref<128x128xf32, #tpu.memory_space<hbm>>
          tpu.wait_dma2 semaphore(%run_scoped3A : memref<!tpu.dma_semaphore, #tpu.memory_space<semaphore_mem>>) src(%arg10 : memref<128x128xf32, #tpu.memory_space<vmem>>) dst(%dma_wait3A_51 : memref<128x128xf32, #tpu.memory_space<hbm>>)
          tpu.yield
        }) : () -> ()
        "tpu.region"() ({
          %run_scoped3A = tpu.sem_alloc : memref<!tpu.dma_semaphore, #tpu.memory_space<semaphore_mem>>
          %dma_start3A = arith.constant 0 : i32
          %dma_start3A_45 = tpu.memref_slice %arg7[%mul3A_39, %dma_start3A] : memref<320000x128xf32, #tpu.memory_space<hbm>> -> memref<128x128xf32, #tpu.memory_space<hbm>>
          %dma_start3A_46 = arith.constant 0 : i32
          %dma_start3A_47 = tpu.memref_slice %arg7[%mul3A_39, %dma_start3A_46] : memref<320000x128xf32, #tpu.memory_space<hbm>> -> memref<128x128xf32, #tpu.memory_space<hbm>>
          tpu.enqueue_dma source(%arg11 : memref<128x128xf32, #tpu.memory_space<vmem>>) target(%dma_start3A_47 : memref<128x128xf32, #tpu.memory_space<hbm>>) target_semaphore(%run_scoped3A : memref<!tpu.dma_semaphore, #tpu.memory_space<semaphore_mem>>)
          %dma_wait3A_48 = arith.constant 0 : i32
          %dma_wait3A_49 = tpu.memref_slice %arg7[%mul3A_39, %dma_wait3A_48] : memref<320000x128xf32, #tpu.memory_space<hbm>> -> memref<128x128xf32, #tpu.memory_space<hbm>>
          %dma_wait3A_50 = arith.constant 0 : i32
          %dma_wait3A_51 = tpu.memref_slice %arg7[%mul3A_39, %dma_wait3A_50] : memref<320000x128xf32, #tpu.memory_space<hbm>> -> memref<128x128xf32, #tpu.memory_space<hbm>>
          tpu.wait_dma2 semaphore(%run_scoped3A : memref<!tpu.dma_semaphore, #tpu.memory_space<semaphore_mem>>) src(%arg11 : memref<128x128xf32, #tpu.memory_space<vmem>>) dst(%dma_wait3A_51 : memref<128x128xf32, #tpu.memory_space<hbm>>)
          tpu.yield
        }) : () -> ()
      } else {
      }
      %lt3A_33 = arith.constant 2500 : i32
      %lt3A_34 = arith.cmpi slt, %add3A_20, %lt3A_33 : i32
      %convert_element_type3A_35 = arith.extui %lt3A_34 : i1 to i32
      %cond3A_36 = arith.constant 0 : i32
      %cond3A_37 = arith.cmpi ne, %convert_element_type3A_35, %cond3A_36 : i32
      scf.if %cond3A_37 {
        %mul3A_38 = arith.constant 128 : i32
        %mul3A_39 = arith.muli %add3A_20, %mul3A_38 : i32
        %dma_wait3A = arith.constant 0 : i32
        %dma_wait3A_40 = arith.constant 0 : i32
        %dma_wait3A_41 = tpu.memref_slice %arg2[%dma_wait3A, %dma_wait3A_40] : memref<10240x128xf32, #tpu.memory_space<hbm>> -> memref<10240x128xf32, #tpu.memory_space<hbm>>
        tpu.wait_indirect_dma semaphore(%arg18 : memref<!tpu.dma_semaphore, #tpu.memory_space<semaphore_mem>>) src(%dma_wait3A_41 : memref<10240x128xf32, #tpu.memory_space<hbm>>) dst(%arg16 : memref<128x128xf32, #tpu.memory_space<vmem>>)
        %dma_wait3A_42 = arith.constant 0 : i32
        %dma_wait3A_43 = arith.constant 0 : i32
        %dma_wait3A_44 = tpu.memref_slice %arg3[%dma_wait3A_42, %dma_wait3A_43] : memref<10240x128xf32, #tpu.memory_space<hbm>> -> memref<10240x128xf32, #tpu.memory_space<hbm>>
        tpu.wait_indirect_dma semaphore(%arg19 : memref<!tpu.dma_semaphore, #tpu.memory_space<semaphore_mem>>) src(%dma_wait3A_44 : memref<10240x128xf32, #tpu.memory_space<hbm>>) dst(%arg17 : memref<128x128xf32, #tpu.memory_space<vmem>>)
        "tpu.region"() ({
          %run_scoped3A = tpu.sem_alloc : memref<!tpu.dma_semaphore, #tpu.memory_space<semaphore_mem>>
          %dma_start3A = arith.constant 0 : i32
          %dma_start3A_45 = tpu.memref_slice %arg6[%mul3A_39, %dma_start3A] : memref<320000x128xf32, #tpu.memory_space<hbm>> -> memref<128x128xf32, #tpu.memory_space<hbm>>
          %dma_start3A_46 = arith.constant 0 : i32
          %dma_start3A_47 = tpu.memref_slice %arg6[%mul3A_39, %dma_start3A_46] : memref<320000x128xf32, #tpu.memory_space<hbm>> -> memref<128x128xf32, #tpu.memory_space<hbm>>
          tpu.enqueue_dma source(%arg16 : memref<128x128xf32, #tpu.memory_space<vmem>>) target(%dma_start3A_47 : memref<128x128xf32, #tpu.memory_space<hbm>>) target_semaphore(%run_scoped3A : memref<!tpu.dma_semaphore, #tpu.memory_space<semaphore_mem>>)
          %dma_wait3A_48 = arith.constant 0 : i32
          %dma_wait3A_49 = tpu.memref_slice %arg6[%mul3A_39, %dma_wait3A_48] : memref<320000x128xf32, #tpu.memory_space<hbm>> -> memref<128x128xf32, #tpu.memory_space<hbm>>
          %dma_wait3A_50 = arith.constant 0 : i32
          %dma_wait3A_51 = tpu.memref_slice %arg6[%mul3A_39, %dma_wait3A_50] : memref<320000x128xf32, #tpu.memory_space<hbm>> -> memref<128x128xf32, #tpu.memory_space<hbm>>
          tpu.wait_dma2 semaphore(%run_scoped3A : memref<!tpu.dma_semaphore, #tpu.memory_space<semaphore_mem>>) src(%arg16 : memref<128x128xf32, #tpu.memory_space<vmem>>) dst(%dma_wait3A_51 : memref<128x128xf32, #tpu.memory_space<hbm>>)
          tpu.yield
        }) : () -> ()
        "tpu.region"() ({
          %run_scoped3A = tpu.sem_alloc : memref<!tpu.dma_semaphore, #tpu.memory_space<semaphore_mem>>
          %dma_start3A = arith.constant 0 : i32
          %dma_start3A_45 = tpu.memref_slice %arg7[%mul3A_39, %dma_start3A] : memref<320000x128xf32, #tpu.memory_space<hbm>> -> memref<128x128xf32, #tpu.memory_space<hbm>>
          %dma_start3A_46 = arith.constant 0 : i32
          %dma_start3A_47 = tpu.memref_slice %arg7[%mul3A_39, %dma_start3A_46] : memref<320000x128xf32, #tpu.memory_space<hbm>> -> memref<128x128xf32, #tpu.memory_space<hbm>>
          tpu.enqueue_dma source(%arg17 : memref<128x128xf32, #tpu.memory_space<vmem>>) target(%dma_start3A_47 : memref<128x128xf32, #tpu.memory_space<hbm>>) target_semaphore(%run_scoped3A : memref<!tpu.dma_semaphore, #tpu.memory_space<semaphore_mem>>)
          %dma_wait3A_48 = arith.constant 0 : i32
          %dma_wait3A_49 = tpu.memref_slice %arg7[%mul3A_39, %dma_wait3A_48] : memref<320000x128xf32, #tpu.memory_space<hbm>> -> memref<128x128xf32, #tpu.memory_space<hbm>>
          %dma_wait3A_50 = arith.constant 0 : i32
          %dma_wait3A_51 = tpu.memref_slice %arg7[%mul3A_39, %dma_wait3A_50] : memref<320000x128xf32, #tpu.memory_space<hbm>> -> memref<128x128xf32, #tpu.memory_space<hbm>>
          tpu.wait_dma2 semaphore(%run_scoped3A : memref<!tpu.dma_semaphore, #tpu.memory_space<semaphore_mem>>) src(%arg17 : memref<128x128xf32, #tpu.memory_space<vmem>>) dst(%dma_wait3A_51 : memref<128x128xf32, #tpu.memory_space<hbm>>)
          tpu.yield
        }) : () -> ()
      } else {
      }
    }
    %scan3A_5 = arith.constant 40 : i32
    return
  }
}

#map = affine_map<(d0, d1) -> (0, 0)>
#map1 = affine_map<(d0, d1) -> (0)>
#map2 = affine_map<(d0, d1) -> (0, 0, 0)>
module attributes {stable_mosaic.version = 14 : i64} {
  func.func @_sc_scatter_add_body(%arg0: i32, %arg1: i32, %arg2: memref<320000x128xf32, #tpu.memory_space<hbm>>, %arg3: memref<320000xi32, #tpu.memory_space<hbm>>, %arg4: memref<10240x128xf32, #tpu.memory_space<hbm>>, %arg5: memref<2x10240x128xf32, #tpu.memory_space<hbm>>, %arg6: memref<128xi32, #tpu.memory_space<vmem>>, %arg7: memref<128x128xf32, #tpu.memory_space<vmem>>, %arg8: memref<!tpu.dma_semaphore, #tpu.memory_space<semaphore_mem>>, %arg9: memref<128xi32, #tpu.memory_space<vmem>>, %arg10: memref<128x128xf32, #tpu.memory_space<vmem>>, %arg11: memref<!tpu.dma_semaphore, #tpu.memory_space<semaphore_mem>>, %arg12: memref<10240x128xf32, #tpu.memory_space<vmem_shared>>) attributes {dimension_semantics = [#tpu.dimension_semantics<core_parallel>, #tpu.dimension_semantics<subcore_parallel>], iteration_bounds = array<i64: 2, 16>, scalar_prefetch = 0 : i64, scratch_operands = 7 : i64, tpu.core_type = #tpu.core_type<sc_vector_subcore>, window_params = [{transform_indices = #map}, {transform_indices = #map1}, {transform_indices = #map}, {transform_indices = #map2}]} {
    %mul3A = arith.constant 2 : i32
    %mul3A_0 = arith.muli %arg1, %mul3A : i32
    %add3A = arith.addi %mul3A_0, %arg0 : i32
    %mul3A_1 = arith.constant 640 : i32
    %mul3A_2 = arith.muli %arg1, %mul3A_1 : i32
    %mul3A_3 = arith.constant 640 : i32
    %mul3A_4 = arith.muli %arg1, %mul3A_3 : i32
    "tpu.region"() ({
      %run_scoped3A = tpu.sem_alloc : memref<!tpu.dma_semaphore, #tpu.memory_space<semaphore_mem>>
      %dma_start3A = arith.constant 0 : i32
      %dma_start3A_15 = tpu.memref_slice %arg12[%mul3A_4, %dma_start3A] : memref<10240x128xf32, #tpu.memory_space<vmem_shared>> -> memref<640x128xf32, #tpu.memory_space<vmem_shared>>
      %dma_start3A_16 = arith.constant 0 : i32
      %dma_start3A_17 = tpu.memref_slice %arg4[%mul3A_2, %dma_start3A_16] : memref<10240x128xf32, #tpu.memory_space<hbm>> -> memref<640x128xf32, #tpu.memory_space<hbm>>
      tpu.enqueue_dma source(%dma_start3A_17 : memref<640x128xf32, #tpu.memory_space<hbm>>) target(%dma_start3A_15 : memref<640x128xf32, #tpu.memory_space<vmem_shared>>) target_semaphore(%run_scoped3A : memref<!tpu.dma_semaphore, #tpu.memory_space<semaphore_mem>>)
      %dma_wait3A = arith.constant 0 : i32
      %dma_wait3A_18 = tpu.memref_slice %arg12[%mul3A_4, %dma_wait3A] : memref<10240x128xf32, #tpu.memory_space<vmem_shared>> -> memref<640x128xf32, #tpu.memory_space<vmem_shared>>
      %dma_wait3A_19 = arith.constant 0 : i32
      %dma_wait3A_20 = tpu.memref_slice %arg4[%mul3A_2, %dma_wait3A_19] : memref<10240x128xf32, #tpu.memory_space<hbm>> -> memref<640x128xf32, #tpu.memory_space<hbm>>
      tpu.wait_dma2 semaphore(%run_scoped3A : memref<!tpu.dma_semaphore, #tpu.memory_space<semaphore_mem>>) src(%dma_wait3A_20 : memref<640x128xf32, #tpu.memory_space<hbm>>) dst(%dma_wait3A_18 : memref<640x128xf32, #tpu.memory_space<vmem_shared>>)
      tpu.yield
    }) : () -> ()
    %barrier3A = arith.constant 0 : index
    tpu.barrier barrier_id(%barrier3A)
    %scan3A = arith.constant 0 : i32
    %scan3A_5 = arith.constant 0 : i32
    %scan3A_6 = arith.constant 40 : i32
    %scan3A_7 = arith.addi %scan3A_5, %scan3A_6 : i32
    %scan3A_8 = arith.constant 1 : i32
    scf.for %scan3A_15 = %scan3A_5 to %scan3A_7 step %scan3A_8  : i32 {
      %mul3A_16 = arith.constant 2 : i32
      %mul3A_17 = arith.muli %scan3A_15, %mul3A_16 : i32
      %add3A_18 = arith.constant 0 : i32
      %add3A_19 = arith.addi %mul3A_17, %add3A_18 : i32
      %mul3A_20 = arith.constant 32 : i32
      %mul3A_21 = arith.muli %add3A_19, %mul3A_20 : i32
      %add3A_22 = arith.addi %mul3A_21, %add3A : i32
      %mul3A_23 = arith.constant 2 : i32
      %mul3A_24 = arith.muli %scan3A_15, %mul3A_23 : i32
      %add3A_25 = arith.constant 1 : i32
      %add3A_26 = arith.addi %mul3A_24, %add3A_25 : i32
      %mul3A_27 = arith.constant 32 : i32
      %mul3A_28 = arith.muli %add3A_26, %mul3A_27 : i32
      %add3A_29 = arith.addi %mul3A_28, %add3A : i32
      %lt3A = arith.constant 2500 : i32
      %lt3A_30 = arith.cmpi slt, %add3A_22, %lt3A : i32
      %convert_element_type3A = arith.extui %lt3A_30 : i1 to i32
      %cond3A = arith.constant 0 : i32
      %cond3A_31 = arith.cmpi ne, %convert_element_type3A, %cond3A : i32
      scf.if %cond3A_31 {
        %mul3A_47 = arith.constant 128 : i32
        %mul3A_48 = arith.muli %add3A_22, %mul3A_47 : i32
        "tpu.region"() ({
          %run_scoped3A = tpu.sem_alloc : memref<!tpu.dma_semaphore, #tpu.memory_space<semaphore_mem>>
          %dma_start3A_52 = tpu.memref_slice %arg3[%mul3A_48] : memref<320000xi32, #tpu.memory_space<hbm>> -> memref<128xi32, #tpu.memory_space<hbm>>
          %dma_start3A_53 = tpu.memref_slice %arg3[%mul3A_48] : memref<320000xi32, #tpu.memory_space<hbm>> -> memref<128xi32, #tpu.memory_space<hbm>>
          tpu.enqueue_dma source(%dma_start3A_53 : memref<128xi32, #tpu.memory_space<hbm>>) target(%arg6 : memref<128xi32, #tpu.memory_space<vmem>>) target_semaphore(%run_scoped3A : memref<!tpu.dma_semaphore, #tpu.memory_space<semaphore_mem>>)
          %dma_wait3A = tpu.memref_slice %arg3[%mul3A_48] : memref<320000xi32, #tpu.memory_space<hbm>> -> memref<128xi32, #tpu.memory_space<hbm>>
          %dma_wait3A_54 = tpu.memref_slice %arg3[%mul3A_48] : memref<320000xi32, #tpu.memory_space<hbm>> -> memref<128xi32, #tpu.memory_space<hbm>>
          tpu.wait_dma2 semaphore(%run_scoped3A : memref<!tpu.dma_semaphore, #tpu.memory_space<semaphore_mem>>) src(%dma_wait3A_54 : memref<128xi32, #tpu.memory_space<hbm>>) dst(%arg6 : memref<128xi32, #tpu.memory_space<vmem>>)
          tpu.yield
        }) : () -> ()
        %dma_start3A = arith.constant 0 : i32
        %dma_start3A_49 = tpu.memref_slice %arg2[%mul3A_48, %dma_start3A] : memref<320000x128xf32, #tpu.memory_space<hbm>> -> memref<128x128xf32, #tpu.memory_space<hbm>>
        %dma_start3A_50 = arith.constant 0 : i32
        %dma_start3A_51 = tpu.memref_slice %arg2[%mul3A_48, %dma_start3A_50] : memref<320000x128xf32, #tpu.memory_space<hbm>> -> memref<128x128xf32, #tpu.memory_space<hbm>>
        tpu.enqueue_dma source(%dma_start3A_51 : memref<128x128xf32, #tpu.memory_space<hbm>>) target(%arg7 : memref<128x128xf32, #tpu.memory_space<vmem>>) target_semaphore(%arg8 : memref<!tpu.dma_semaphore, #tpu.memory_space<semaphore_mem>>)
      } else {
      }
      %lt3A_32 = arith.constant 2500 : i32
      %lt3A_33 = arith.cmpi slt, %add3A_29, %lt3A_32 : i32
      %convert_element_type3A_34 = arith.extui %lt3A_33 : i1 to i32
      %cond3A_35 = arith.constant 0 : i32
      %cond3A_36 = arith.cmpi ne, %convert_element_type3A_34, %cond3A_35 : i32
      scf.if %cond3A_36 {
        %mul3A_47 = arith.constant 128 : i32
        %mul3A_48 = arith.muli %add3A_29, %mul3A_47 : i32
        "tpu.region"() ({
          %run_scoped3A = tpu.sem_alloc : memref<!tpu.dma_semaphore, #tpu.memory_space<semaphore_mem>>
          %dma_start3A_52 = tpu.memref_slice %arg3[%mul3A_48] : memref<320000xi32, #tpu.memory_space<hbm>> -> memref<128xi32, #tpu.memory_space<hbm>>
          %dma_start3A_53 = tpu.memref_slice %arg3[%mul3A_48] : memref<320000xi32, #tpu.memory_space<hbm>> -> memref<128xi32, #tpu.memory_space<hbm>>
          tpu.enqueue_dma source(%dma_start3A_53 : memref<128xi32, #tpu.memory_space<hbm>>) target(%arg9 : memref<128xi32, #tpu.memory_space<vmem>>) target_semaphore(%run_scoped3A : memref<!tpu.dma_semaphore, #tpu.memory_space<semaphore_mem>>)
          %dma_wait3A = tpu.memref_slice %arg3[%mul3A_48] : memref<320000xi32, #tpu.memory_space<hbm>> -> memref<128xi32, #tpu.memory_space<hbm>>
          %dma_wait3A_54 = tpu.memref_slice %arg3[%mul3A_48] : memref<320000xi32, #tpu.memory_space<hbm>> -> memref<128xi32, #tpu.memory_space<hbm>>
          tpu.wait_dma2 semaphore(%run_scoped3A : memref<!tpu.dma_semaphore, #tpu.memory_space<semaphore_mem>>) src(%dma_wait3A_54 : memref<128xi32, #tpu.memory_space<hbm>>) dst(%arg9 : memref<128xi32, #tpu.memory_space<vmem>>)
          tpu.yield
        }) : () -> ()
        %dma_start3A = arith.constant 0 : i32
        %dma_start3A_49 = tpu.memref_slice %arg2[%mul3A_48, %dma_start3A] : memref<320000x128xf32, #tpu.memory_space<hbm>> -> memref<128x128xf32, #tpu.memory_space<hbm>>
        %dma_start3A_50 = arith.constant 0 : i32
        %dma_start3A_51 = tpu.memref_slice %arg2[%mul3A_48, %dma_start3A_50] : memref<320000x128xf32, #tpu.memory_space<hbm>> -> memref<128x128xf32, #tpu.memory_space<hbm>>
        tpu.enqueue_dma source(%dma_start3A_51 : memref<128x128xf32, #tpu.memory_space<hbm>>) target(%arg10 : memref<128x128xf32, #tpu.memory_space<vmem>>) target_semaphore(%arg11 : memref<!tpu.dma_semaphore, #tpu.memory_space<semaphore_mem>>)
      } else {
      }
      %lt3A_37 = arith.constant 2500 : i32
      %lt3A_38 = arith.cmpi slt, %add3A_22, %lt3A_37 : i32
      %convert_element_type3A_39 = arith.extui %lt3A_38 : i1 to i32
      %cond3A_40 = arith.constant 0 : i32
      %cond3A_41 = arith.cmpi ne, %convert_element_type3A_39, %cond3A_40 : i32
      scf.if %cond3A_41 {
        %mul3A_47 = arith.constant 128 : i32
        %mul3A_48 = arith.muli %add3A_22, %mul3A_47 : i32
        %dma_wait3A = arith.constant 0 : i32
        %dma_wait3A_49 = tpu.memref_slice %arg2[%mul3A_48, %dma_wait3A] : memref<320000x128xf32, #tpu.memory_space<hbm>> -> memref<128x128xf32, #tpu.memory_space<hbm>>
        %dma_wait3A_50 = arith.constant 0 : i32
        %dma_wait3A_51 = tpu.memref_slice %arg2[%mul3A_48, %dma_wait3A_50] : memref<320000x128xf32, #tpu.memory_space<hbm>> -> memref<128x128xf32, #tpu.memory_space<hbm>>
        tpu.wait_dma2 semaphore(%arg8 : memref<!tpu.dma_semaphore, #tpu.memory_space<semaphore_mem>>) src(%dma_wait3A_51 : memref<128x128xf32, #tpu.memory_space<hbm>>) dst(%arg7 : memref<128x128xf32, #tpu.memory_space<vmem>>)
        "tpu.region"() ({
          %run_scoped3A = tpu.sem_alloc : memref<!tpu.dma_semaphore, #tpu.memory_space<semaphore_mem>>
          %dma_start3A = arith.constant 0 : i32
          %dma_start3A_52 = arith.constant 0 : i32
          %dma_start3A_53 = tpu.memref_slice %arg12[%dma_start3A, %dma_start3A_52] : memref<10240x128xf32, #tpu.memory_space<vmem_shared>> -> memref<10240x128xf32, #tpu.memory_space<vmem_shared>>
          tpu.enqueue_indirect_dma source(%arg7 : memref<128x128xf32, #tpu.memory_space<vmem>>) target(%dma_start3A_53 : memref<10240x128xf32, #tpu.memory_space<vmem_shared>>) offsets(%arg6 : memref<128xi32, #tpu.memory_space<vmem>>) semaphore(%run_scoped3A : memref<!tpu.dma_semaphore, #tpu.memory_space<semaphore_mem>>) {add = true}
          %dma_wait3A_54 = arith.constant 0 : i32
          %dma_wait3A_55 = arith.constant 0 : i32
          %dma_wait3A_56 = tpu.memref_slice %arg12[%dma_wait3A_54, %dma_wait3A_55] : memref<10240x128xf32, #tpu.memory_space<vmem_shared>> -> memref<10240x128xf32, #tpu.memory_space<vmem_shared>>
          tpu.wait_indirect_dma semaphore(%run_scoped3A : memref<!tpu.dma_semaphore, #tpu.memory_space<semaphore_mem>>) src(%arg7 : memref<128x128xf32, #tpu.memory_space<vmem>>) dst(%dma_wait3A_56 : memref<10240x128xf32, #tpu.memory_space<vmem_shared>>)
          tpu.yield
        }) : () -> ()
      } else {
      }
      %lt3A_42 = arith.constant 2500 : i32
      %lt3A_43 = arith.cmpi slt, %add3A_29, %lt3A_42 : i32
      %convert_element_type3A_44 = arith.extui %lt3A_43 : i1 to i32
      %cond3A_45 = arith.constant 0 : i32
      %cond3A_46 = arith.cmpi ne, %convert_element_type3A_44, %cond3A_45 : i32
      scf.if %cond3A_46 {
        %mul3A_47 = arith.constant 128 : i32
        %mul3A_48 = arith.muli %add3A_29, %mul3A_47 : i32
        %dma_wait3A = arith.constant 0 : i32
        %dma_wait3A_49 = tpu.memref_slice %arg2[%mul3A_48, %dma_wait3A] : memref<320000x128xf32, #tpu.memory_space<hbm>> -> memref<128x128xf32, #tpu.memory_space<hbm>>
        %dma_wait3A_50 = arith.constant 0 : i32
        %dma_wait3A_51 = tpu.memref_slice %arg2[%mul3A_48, %dma_wait3A_50] : memref<320000x128xf32, #tpu.memory_space<hbm>> -> memref<128x128xf32, #tpu.memory_space<hbm>>
        tpu.wait_dma2 semaphore(%arg11 : memref<!tpu.dma_semaphore, #tpu.memory_space<semaphore_mem>>) src(%dma_wait3A_51 : memref<128x128xf32, #tpu.memory_space<hbm>>) dst(%arg10 : memref<128x128xf32, #tpu.memory_space<vmem>>)
        "tpu.region"() ({
          %run_scoped3A = tpu.sem_alloc : memref<!tpu.dma_semaphore, #tpu.memory_space<semaphore_mem>>
          %dma_start3A = arith.constant 0 : i32
          %dma_start3A_52 = arith.constant 0 : i32
          %dma_start3A_53 = tpu.memref_slice %arg12[%dma_start3A, %dma_start3A_52] : memref<10240x128xf32, #tpu.memory_space<vmem_shared>> -> memref<10240x128xf32, #tpu.memory_space<vmem_shared>>
          tpu.enqueue_indirect_dma source(%arg10 : memref<128x128xf32, #tpu.memory_space<vmem>>) target(%dma_start3A_53 : memref<10240x128xf32, #tpu.memory_space<vmem_shared>>) offsets(%arg9 : memref<128xi32, #tpu.memory_space<vmem>>) semaphore(%run_scoped3A : memref<!tpu.dma_semaphore, #tpu.memory_space<semaphore_mem>>) {add = true}
          %dma_wait3A_54 = arith.constant 0 : i32
          %dma_wait3A_55 = arith.constant 0 : i32
          %dma_wait3A_56 = tpu.memref_slice %arg12[%dma_wait3A_54, %dma_wait3A_55] : memref<10240x128xf32, #tpu.memory_space<vmem_shared>> -> memref<10240x128xf32, #tpu.memory_space<vmem_shared>>
          tpu.wait_indirect_dma semaphore(%run_scoped3A : memref<!tpu.dma_semaphore, #tpu.memory_space<semaphore_mem>>) src(%arg10 : memref<128x128xf32, #tpu.memory_space<vmem>>) dst(%dma_wait3A_56 : memref<10240x128xf32, #tpu.memory_space<vmem_shared>>)
          tpu.yield
        }) : () -> ()
      } else {
      }
    }
    %scan3A_9 = arith.constant 40 : i32
    %barrier3A_10 = arith.constant 0 : index
    tpu.barrier barrier_id(%barrier3A_10)
    %mul3A_11 = arith.constant 640 : i32
    %mul3A_12 = arith.muli %arg1, %mul3A_11 : i32
    %mul3A_13 = arith.constant 640 : i32
    %mul3A_14 = arith.muli %arg1, %mul3A_13 : i32
    "tpu.region"() ({
      %run_scoped3A = tpu.sem_alloc : memref<!tpu.dma_semaphore, #tpu.memory_space<semaphore_mem>>
      %dma_start3A = arith.constant 0 : i32
      %dma_start3A_15 = tpu.memref_slice %arg5[%arg0, %mul3A_14, %dma_start3A] : memref<2x10240x128xf32, #tpu.memory_space<hbm>> -> memref<1x640x128xf32, #tpu.memory_space<hbm>>
      %dma_start3A_16 = tpu.memref_squeeze %dma_start3A_15 : memref<1x640x128xf32, #tpu.memory_space<hbm>> -> memref<640x128xf32, #tpu.memory_space<hbm>>
      %dma_start3A_17 = arith.constant 0 : i32
      %dma_start3A_18 = tpu.memref_slice %arg12[%mul3A_12, %dma_start3A_17] : memref<10240x128xf32, #tpu.memory_space<vmem_shared>> -> memref<640x128xf32, #tpu.memory_space<vmem_shared>>
      tpu.enqueue_dma source(%dma_start3A_18 : memref<640x128xf32, #tpu.memory_space<vmem_shared>>) target(%dma_start3A_16 : memref<640x128xf32, #tpu.memory_space<hbm>>) target_semaphore(%run_scoped3A : memref<!tpu.dma_semaphore, #tpu.memory_space<semaphore_mem>>)
      %dma_wait3A = arith.constant 0 : i32
      %dma_wait3A_19 = tpu.memref_slice %arg5[%arg0, %mul3A_14, %dma_wait3A] : memref<2x10240x128xf32, #tpu.memory_space<hbm>> -> memref<1x640x128xf32, #tpu.memory_space<hbm>>
      %dma_wait3A_20 = tpu.memref_squeeze %dma_wait3A_19 : memref<1x640x128xf32, #tpu.memory_space<hbm>> -> memref<640x128xf32, #tpu.memory_space<hbm>>
      %dma_wait3A_21 = arith.constant 0 : i32
      %dma_wait3A_22 = tpu.memref_slice %arg12[%mul3A_12, %dma_wait3A_21] : memref<10240x128xf32, #tpu.memory_space<vmem_shared>> -> memref<640x128xf32, #tpu.memory_space<vmem_shared>>
      tpu.wait_dma2 semaphore(%run_scoped3A : memref<!tpu.dma_semaphore, #tpu.memory_space<semaphore_mem>>) src(%dma_wait3A_22 : memref<640x128xf32, #tpu.memory_space<vmem_shared>>) dst(%dma_wait3A_20 : memref<640x128xf32, #tpu.memory_space<hbm>>)
      tpu.yield
    }) : () -> ()
    return
  }
}

#map = affine_map<(d0, d1) -> (0, 0)>
#map1 = affine_map<(d0, d1) -> (0)>
#map2 = affine_map<(d0, d1) -> (0, 0, 0)>
module attributes {stable_mosaic.version = 14 : i64} {
  func.func @_sc_scatter_add_body(%arg0: i32, %arg1: i32, %arg2: memref<320000x128xf32, #tpu.memory_space<hbm>>, %arg3: memref<320000xi32, #tpu.memory_space<hbm>>, %arg4: memref<10240x128xf32, #tpu.memory_space<hbm>>, %arg5: memref<2x10240x128xf32, #tpu.memory_space<hbm>>, %arg6: memref<128xi32, #tpu.memory_space<vmem>>, %arg7: memref<128x128xf32, #tpu.memory_space<vmem>>, %arg8: memref<!tpu.dma_semaphore, #tpu.memory_space<semaphore_mem>>, %arg9: memref<128xi32, #tpu.memory_space<vmem>>, %arg10: memref<128x128xf32, #tpu.memory_space<vmem>>, %arg11: memref<!tpu.dma_semaphore, #tpu.memory_space<semaphore_mem>>, %arg12: memref<10240x128xf32, #tpu.memory_space<vmem_shared>>) attributes {dimension_semantics = [#tpu.dimension_semantics<core_parallel>, #tpu.dimension_semantics<subcore_parallel>], iteration_bounds = array<i64: 2, 16>, scalar_prefetch = 0 : i64, scratch_operands = 7 : i64, tpu.core_type = #tpu.core_type<sc_vector_subcore>, window_params = [{transform_indices = #map}, {transform_indices = #map1}, {transform_indices = #map}, {transform_indices = #map2}]} {
    %mul3A = arith.constant 2 : i32
    %mul3A_0 = arith.muli %arg1, %mul3A : i32
    %add3A = arith.addi %mul3A_0, %arg0 : i32
    %mul3A_1 = arith.constant 640 : i32
    %mul3A_2 = arith.muli %arg1, %mul3A_1 : i32
    %mul3A_3 = arith.constant 640 : i32
    %mul3A_4 = arith.muli %arg1, %mul3A_3 : i32
    "tpu.region"() ({
      %run_scoped3A = tpu.sem_alloc : memref<!tpu.dma_semaphore, #tpu.memory_space<semaphore_mem>>
      %dma_start3A = arith.constant 0 : i32
      %dma_start3A_15 = tpu.memref_slice %arg12[%mul3A_4, %dma_start3A] : memref<10240x128xf32, #tpu.memory_space<vmem_shared>> -> memref<640x128xf32, #tpu.memory_space<vmem_shared>>
      %dma_start3A_16 = arith.constant 0 : i32
      %dma_start3A_17 = tpu.memref_slice %arg4[%mul3A_2, %dma_start3A_16] : memref<10240x128xf32, #tpu.memory_space<hbm>> -> memref<640x128xf32, #tpu.memory_space<hbm>>
      tpu.enqueue_dma source(%dma_start3A_17 : memref<640x128xf32, #tpu.memory_space<hbm>>) target(%dma_start3A_15 : memref<640x128xf32, #tpu.memory_space<vmem_shared>>) target_semaphore(%run_scoped3A : memref<!tpu.dma_semaphore, #tpu.memory_space<semaphore_mem>>)
      %dma_wait3A = arith.constant 0 : i32
      %dma_wait3A_18 = tpu.memref_slice %arg12[%mul3A_4, %dma_wait3A] : memref<10240x128xf32, #tpu.memory_space<vmem_shared>> -> memref<640x128xf32, #tpu.memory_space<vmem_shared>>
      %dma_wait3A_19 = arith.constant 0 : i32
      %dma_wait3A_20 = tpu.memref_slice %arg4[%mul3A_2, %dma_wait3A_19] : memref<10240x128xf32, #tpu.memory_space<hbm>> -> memref<640x128xf32, #tpu.memory_space<hbm>>
      tpu.wait_dma2 semaphore(%run_scoped3A : memref<!tpu.dma_semaphore, #tpu.memory_space<semaphore_mem>>) src(%dma_wait3A_20 : memref<640x128xf32, #tpu.memory_space<hbm>>) dst(%dma_wait3A_18 : memref<640x128xf32, #tpu.memory_space<vmem_shared>>)
      tpu.yield
    }) : () -> ()
    %barrier3A = arith.constant 0 : index
    tpu.barrier barrier_id(%barrier3A)
    %scan3A = arith.constant 0 : i32
    %scan3A_5 = arith.constant 0 : i32
    %scan3A_6 = arith.constant 40 : i32
    %scan3A_7 = arith.addi %scan3A_5, %scan3A_6 : i32
    %scan3A_8 = arith.constant 1 : i32
    scf.for %scan3A_15 = %scan3A_5 to %scan3A_7 step %scan3A_8  : i32 {
      %mul3A_16 = arith.constant 2 : i32
      %mul3A_17 = arith.muli %scan3A_15, %mul3A_16 : i32
      %add3A_18 = arith.constant 0 : i32
      %add3A_19 = arith.addi %mul3A_17, %add3A_18 : i32
      %mul3A_20 = arith.constant 32 : i32
      %mul3A_21 = arith.muli %add3A_19, %mul3A_20 : i32
      %add3A_22 = arith.addi %mul3A_21, %add3A : i32
      %mul3A_23 = arith.constant 2 : i32
      %mul3A_24 = arith.muli %scan3A_15, %mul3A_23 : i32
      %add3A_25 = arith.constant 1 : i32
      %add3A_26 = arith.addi %mul3A_24, %add3A_25 : i32
      %mul3A_27 = arith.constant 32 : i32
      %mul3A_28 = arith.muli %add3A_26, %mul3A_27 : i32
      %add3A_29 = arith.addi %mul3A_28, %add3A : i32
      %lt3A = arith.constant 2500 : i32
      %lt3A_30 = arith.cmpi slt, %add3A_22, %lt3A : i32
      %convert_element_type3A = arith.extui %lt3A_30 : i1 to i32
      %cond3A = arith.constant 0 : i32
      %cond3A_31 = arith.cmpi ne, %convert_element_type3A, %cond3A : i32
      scf.if %cond3A_31 {
        %mul3A_47 = arith.constant 128 : i32
        %mul3A_48 = arith.muli %add3A_22, %mul3A_47 : i32
        "tpu.region"() ({
          %run_scoped3A = tpu.sem_alloc : memref<!tpu.dma_semaphore, #tpu.memory_space<semaphore_mem>>
          %dma_start3A_52 = tpu.memref_slice %arg3[%mul3A_48] : memref<320000xi32, #tpu.memory_space<hbm>> -> memref<128xi32, #tpu.memory_space<hbm>>
          %dma_start3A_53 = tpu.memref_slice %arg3[%mul3A_48] : memref<320000xi32, #tpu.memory_space<hbm>> -> memref<128xi32, #tpu.memory_space<hbm>>
          tpu.enqueue_dma source(%dma_start3A_53 : memref<128xi32, #tpu.memory_space<hbm>>) target(%arg6 : memref<128xi32, #tpu.memory_space<vmem>>) target_semaphore(%run_scoped3A : memref<!tpu.dma_semaphore, #tpu.memory_space<semaphore_mem>>)
          %dma_wait3A = tpu.memref_slice %arg3[%mul3A_48] : memref<320000xi32, #tpu.memory_space<hbm>> -> memref<128xi32, #tpu.memory_space<hbm>>
          %dma_wait3A_54 = tpu.memref_slice %arg3[%mul3A_48] : memref<320000xi32, #tpu.memory_space<hbm>> -> memref<128xi32, #tpu.memory_space<hbm>>
          tpu.wait_dma2 semaphore(%run_scoped3A : memref<!tpu.dma_semaphore, #tpu.memory_space<semaphore_mem>>) src(%dma_wait3A_54 : memref<128xi32, #tpu.memory_space<hbm>>) dst(%arg6 : memref<128xi32, #tpu.memory_space<vmem>>)
          tpu.yield
        }) : () -> ()
        %dma_start3A = arith.constant 0 : i32
        %dma_start3A_49 = tpu.memref_slice %arg2[%mul3A_48, %dma_start3A] : memref<320000x128xf32, #tpu.memory_space<hbm>> -> memref<128x128xf32, #tpu.memory_space<hbm>>
        %dma_start3A_50 = arith.constant 0 : i32
        %dma_start3A_51 = tpu.memref_slice %arg2[%mul3A_48, %dma_start3A_50] : memref<320000x128xf32, #tpu.memory_space<hbm>> -> memref<128x128xf32, #tpu.memory_space<hbm>>
        tpu.enqueue_dma source(%dma_start3A_51 : memref<128x128xf32, #tpu.memory_space<hbm>>) target(%arg7 : memref<128x128xf32, #tpu.memory_space<vmem>>) target_semaphore(%arg8 : memref<!tpu.dma_semaphore, #tpu.memory_space<semaphore_mem>>)
      } else {
      }
      %lt3A_32 = arith.constant 2500 : i32
      %lt3A_33 = arith.cmpi slt, %add3A_29, %lt3A_32 : i32
      %convert_element_type3A_34 = arith.extui %lt3A_33 : i1 to i32
      %cond3A_35 = arith.constant 0 : i32
      %cond3A_36 = arith.cmpi ne, %convert_element_type3A_34, %cond3A_35 : i32
      scf.if %cond3A_36 {
        %mul3A_47 = arith.constant 128 : i32
        %mul3A_48 = arith.muli %add3A_29, %mul3A_47 : i32
        "tpu.region"() ({
          %run_scoped3A = tpu.sem_alloc : memref<!tpu.dma_semaphore, #tpu.memory_space<semaphore_mem>>
          %dma_start3A_52 = tpu.memref_slice %arg3[%mul3A_48] : memref<320000xi32, #tpu.memory_space<hbm>> -> memref<128xi32, #tpu.memory_space<hbm>>
          %dma_start3A_53 = tpu.memref_slice %arg3[%mul3A_48] : memref<320000xi32, #tpu.memory_space<hbm>> -> memref<128xi32, #tpu.memory_space<hbm>>
          tpu.enqueue_dma source(%dma_start3A_53 : memref<128xi32, #tpu.memory_space<hbm>>) target(%arg9 : memref<128xi32, #tpu.memory_space<vmem>>) target_semaphore(%run_scoped3A : memref<!tpu.dma_semaphore, #tpu.memory_space<semaphore_mem>>)
          %dma_wait3A = tpu.memref_slice %arg3[%mul3A_48] : memref<320000xi32, #tpu.memory_space<hbm>> -> memref<128xi32, #tpu.memory_space<hbm>>
          %dma_wait3A_54 = tpu.memref_slice %arg3[%mul3A_48] : memref<320000xi32, #tpu.memory_space<hbm>> -> memref<128xi32, #tpu.memory_space<hbm>>
          tpu.wait_dma2 semaphore(%run_scoped3A : memref<!tpu.dma_semaphore, #tpu.memory_space<semaphore_mem>>) src(%dma_wait3A_54 : memref<128xi32, #tpu.memory_space<hbm>>) dst(%arg9 : memref<128xi32, #tpu.memory_space<vmem>>)
          tpu.yield
        }) : () -> ()
        %dma_start3A = arith.constant 0 : i32
        %dma_start3A_49 = tpu.memref_slice %arg2[%mul3A_48, %dma_start3A] : memref<320000x128xf32, #tpu.memory_space<hbm>> -> memref<128x128xf32, #tpu.memory_space<hbm>>
        %dma_start3A_50 = arith.constant 0 : i32
        %dma_start3A_51 = tpu.memref_slice %arg2[%mul3A_48, %dma_start3A_50] : memref<320000x128xf32, #tpu.memory_space<hbm>> -> memref<128x128xf32, #tpu.memory_space<hbm>>
        tpu.enqueue_dma source(%dma_start3A_51 : memref<128x128xf32, #tpu.memory_space<hbm>>) target(%arg10 : memref<128x128xf32, #tpu.memory_space<vmem>>) target_semaphore(%arg11 : memref<!tpu.dma_semaphore, #tpu.memory_space<semaphore_mem>>)
      } else {
      }
      %lt3A_37 = arith.constant 2500 : i32
      %lt3A_38 = arith.cmpi slt, %add3A_22, %lt3A_37 : i32
      %convert_element_type3A_39 = arith.extui %lt3A_38 : i1 to i32
      %cond3A_40 = arith.constant 0 : i32
      %cond3A_41 = arith.cmpi ne, %convert_element_type3A_39, %cond3A_40 : i32
      scf.if %cond3A_41 {
        %mul3A_47 = arith.constant 128 : i32
        %mul3A_48 = arith.muli %add3A_22, %mul3A_47 : i32
        %dma_wait3A = arith.constant 0 : i32
        %dma_wait3A_49 = tpu.memref_slice %arg2[%mul3A_48, %dma_wait3A] : memref<320000x128xf32, #tpu.memory_space<hbm>> -> memref<128x128xf32, #tpu.memory_space<hbm>>
        %dma_wait3A_50 = arith.constant 0 : i32
        %dma_wait3A_51 = tpu.memref_slice %arg2[%mul3A_48, %dma_wait3A_50] : memref<320000x128xf32, #tpu.memory_space<hbm>> -> memref<128x128xf32, #tpu.memory_space<hbm>>
        tpu.wait_dma2 semaphore(%arg8 : memref<!tpu.dma_semaphore, #tpu.memory_space<semaphore_mem>>) src(%dma_wait3A_51 : memref<128x128xf32, #tpu.memory_space<hbm>>) dst(%arg7 : memref<128x128xf32, #tpu.memory_space<vmem>>)
        "tpu.region"() ({
          %run_scoped3A = tpu.sem_alloc : memref<!tpu.dma_semaphore, #tpu.memory_space<semaphore_mem>>
          %dma_start3A = arith.constant 0 : i32
          %dma_start3A_52 = arith.constant 0 : i32
          %dma_start3A_53 = tpu.memref_slice %arg12[%dma_start3A, %dma_start3A_52] : memref<10240x128xf32, #tpu.memory_space<vmem_shared>> -> memref<10240x128xf32, #tpu.memory_space<vmem_shared>>
          tpu.enqueue_indirect_dma source(%arg7 : memref<128x128xf32, #tpu.memory_space<vmem>>) target(%dma_start3A_53 : memref<10240x128xf32, #tpu.memory_space<vmem_shared>>) offsets(%arg6 : memref<128xi32, #tpu.memory_space<vmem>>) semaphore(%run_scoped3A : memref<!tpu.dma_semaphore, #tpu.memory_space<semaphore_mem>>) {add = true}
          %dma_wait3A_54 = arith.constant 0 : i32
          %dma_wait3A_55 = arith.constant 0 : i32
          %dma_wait3A_56 = tpu.memref_slice %arg12[%dma_wait3A_54, %dma_wait3A_55] : memref<10240x128xf32, #tpu.memory_space<vmem_shared>> -> memref<10240x128xf32, #tpu.memory_space<vmem_shared>>
          tpu.wait_indirect_dma semaphore(%run_scoped3A : memref<!tpu.dma_semaphore, #tpu.memory_space<semaphore_mem>>) src(%arg7 : memref<128x128xf32, #tpu.memory_space<vmem>>) dst(%dma_wait3A_56 : memref<10240x128xf32, #tpu.memory_space<vmem_shared>>)
          tpu.yield
        }) : () -> ()
      } else {
      }
      %lt3A_42 = arith.constant 2500 : i32
      %lt3A_43 = arith.cmpi slt, %add3A_29, %lt3A_42 : i32
      %convert_element_type3A_44 = arith.extui %lt3A_43 : i1 to i32
      %cond3A_45 = arith.constant 0 : i32
      %cond3A_46 = arith.cmpi ne, %convert_element_type3A_44, %cond3A_45 : i32
      scf.if %cond3A_46 {
        %mul3A_47 = arith.constant 128 : i32
        %mul3A_48 = arith.muli %add3A_29, %mul3A_47 : i32
        %dma_wait3A = arith.constant 0 : i32
        %dma_wait3A_49 = tpu.memref_slice %arg2[%mul3A_48, %dma_wait3A] : memref<320000x128xf32, #tpu.memory_space<hbm>> -> memref<128x128xf32, #tpu.memory_space<hbm>>
        %dma_wait3A_50 = arith.constant 0 : i32
        %dma_wait3A_51 = tpu.memref_slice %arg2[%mul3A_48, %dma_wait3A_50] : memref<320000x128xf32, #tpu.memory_space<hbm>> -> memref<128x128xf32, #tpu.memory_space<hbm>>
        tpu.wait_dma2 semaphore(%arg11 : memref<!tpu.dma_semaphore, #tpu.memory_space<semaphore_mem>>) src(%dma_wait3A_51 : memref<128x128xf32, #tpu.memory_space<hbm>>) dst(%arg10 : memref<128x128xf32, #tpu.memory_space<vmem>>)
        "tpu.region"() ({
          %run_scoped3A = tpu.sem_alloc : memref<!tpu.dma_semaphore, #tpu.memory_space<semaphore_mem>>
          %dma_start3A = arith.constant 0 : i32
          %dma_start3A_52 = arith.constant 0 : i32
          %dma_start3A_53 = tpu.memref_slice %arg12[%dma_start3A, %dma_start3A_52] : memref<10240x128xf32, #tpu.memory_space<vmem_shared>> -> memref<10240x128xf32, #tpu.memory_space<vmem_shared>>
          tpu.enqueue_indirect_dma source(%arg10 : memref<128x128xf32, #tpu.memory_space<vmem>>) target(%dma_start3A_53 : memref<10240x128xf32, #tpu.memory_space<vmem_shared>>) offsets(%arg9 : memref<128xi32, #tpu.memory_space<vmem>>) semaphore(%run_scoped3A : memref<!tpu.dma_semaphore, #tpu.memory_space<semaphore_mem>>) {add = true}
          %dma_wait3A_54 = arith.constant 0 : i32
          %dma_wait3A_55 = arith.constant 0 : i32
          %dma_wait3A_56 = tpu.memref_slice %arg12[%dma_wait3A_54, %dma_wait3A_55] : memref<10240x128xf32, #tpu.memory_space<vmem_shared>> -> memref<10240x128xf32, #tpu.memory_space<vmem_shared>>
          tpu.wait_indirect_dma semaphore(%run_scoped3A : memref<!tpu.dma_semaphore, #tpu.memory_space<semaphore_mem>>) src(%arg10 : memref<128x128xf32, #tpu.memory_space<vmem>>) dst(%dma_wait3A_56 : memref<10240x128xf32, #tpu.memory_space<vmem_shared>>)
          tpu.yield
        }) : () -> ()
      } else {
      }
    }
    %scan3A_9 = arith.constant 40 : i32
    %barrier3A_10 = arith.constant 0 : index
    tpu.barrier barrier_id(%barrier3A_10)
    %mul3A_11 = arith.constant 640 : i32
    %mul3A_12 = arith.muli %arg1, %mul3A_11 : i32
    %mul3A_13 = arith.constant 640 : i32
    %mul3A_14 = arith.muli %arg1, %mul3A_13 : i32
    "tpu.region"() ({
      %run_scoped3A = tpu.sem_alloc : memref<!tpu.dma_semaphore, #tpu.memory_space<semaphore_mem>>
      %dma_start3A = arith.constant 0 : i32
      %dma_start3A_15 = tpu.memref_slice %arg5[%arg0, %mul3A_14, %dma_start3A] : memref<2x10240x128xf32, #tpu.memory_space<hbm>> -> memref<1x640x128xf32, #tpu.memory_space<hbm>>
      %dma_start3A_16 = tpu.memref_squeeze %dma_start3A_15 : memref<1x640x128xf32, #tpu.memory_space<hbm>> -> memref<640x128xf32, #tpu.memory_space<hbm>>
      %dma_start3A_17 = arith.constant 0 : i32
      %dma_start3A_18 = tpu.memref_slice %arg12[%mul3A_12, %dma_start3A_17] : memref<10240x128xf32, #tpu.memory_space<vmem_shared>> -> memref<640x128xf32, #tpu.memory_space<vmem_shared>>
      tpu.enqueue_dma source(%dma_start3A_18 : memref<640x128xf32, #tpu.memory_space<vmem_shared>>) target(%dma_start3A_16 : memref<640x128xf32, #tpu.memory_space<hbm>>) target_semaphore(%run_scoped3A : memref<!tpu.dma_semaphore, #tpu.memory_space<semaphore_mem>>)
      %dma_wait3A = arith.constant 0 : i32
      %dma_wait3A_19 = tpu.memref_slice %arg5[%arg0, %mul3A_14, %dma_wait3A] : memref<2x10240x128xf32, #tpu.memory_space<hbm>> -> memref<1x640x128xf32, #tpu.memory_space<hbm>>
      %dma_wait3A_20 = tpu.memref_squeeze %dma_wait3A_19 : memref<1x640x128xf32, #tpu.memory_space<hbm>> -> memref<640x128xf32, #tpu.memory_space<hbm>>
      %dma_wait3A_21 = arith.constant 0 : i32
      %dma_wait3A_22 = tpu.memref_slice %arg12[%mul3A_12, %dma_wait3A_21] : memref<10240x128xf32, #tpu.memory_space<vmem_shared>> -> memref<640x128xf32, #tpu.memory_space<vmem_shared>>
      tpu.wait_dma2 semaphore(%run_scoped3A : memref<!tpu.dma_semaphore, #tpu.memory_space<semaphore_mem>>) src(%dma_wait3A_22 : memref<640x128xf32, #tpu.memory_space<vmem_shared>>) dst(%dma_wait3A_20 : memref<640x128xf32, #tpu.memory_space<hbm>>)
      tpu.yield
    }) : () -> ()
    return
  }
}

#map = affine_map<(d0, d1) -> (0, 0)>
#map1 = affine_map<(d0, d1) -> (0)>
module attributes {stable_mosaic.version = 14 : i64} {
  func.func @_sc_gather2_body(%arg0: i32, %arg1: i32, %arg2: memref<10240x128xf32, #tpu.memory_space<hbm>>, %arg3: memref<10240x128xf32, #tpu.memory_space<hbm>>, %arg4: memref<320000xi32, #tpu.memory_space<hbm>>, %arg5: memref<320000xi32, #tpu.memory_space<hbm>>, %arg6: memref<320000x128xf32, #tpu.memory_space<hbm>>, %arg7: memref<320000x128xf32, #tpu.memory_space<hbm>>, %arg8: memref<128xi32, #tpu.memory_space<vmem>>, %arg9: memref<128xi32, #tpu.memory_space<vmem>>, %arg10: memref<128x128xf32, #tpu.memory_space<vmem>>, %arg11: memref<128x128xf32, #tpu.memory_space<vmem>>, %arg12: memref<!tpu.dma_semaphore, #tpu.memory_space<semaphore_mem>>, %arg13: memref<!tpu.dma_semaphore, #tpu.memory_space<semaphore_mem>>, %arg14: memref<128xi32, #tpu.memory_space<vmem>>, %arg15: memref<128xi32, #tpu.memory_space<vmem>>, %arg16: memref<128x128xf32, #tpu.memory_space<vmem>>, %arg17: memref<128x128xf32, #tpu.memory_space<vmem>>, %arg18: memref<!tpu.dma_semaphore, #tpu.memory_space<semaphore_mem>>, %arg19: memref<!tpu.dma_semaphore, #tpu.memory_space<semaphore_mem>>) attributes {dimension_semantics = [#tpu.dimension_semantics<core_parallel>, #tpu.dimension_semantics<subcore_parallel>], iteration_bounds = array<i64: 2, 16>, scalar_prefetch = 0 : i64, scratch_operands = 12 : i64, tpu.core_type = #tpu.core_type<sc_vector_subcore>, window_params = [{transform_indices = #map}, {transform_indices = #map}, {transform_indices = #map1}, {transform_indices = #map1}, {transform_indices = #map}, {transform_indices = #map}]} {
    %mul3A = arith.constant 2 : i32
    %mul3A_0 = arith.muli %arg1, %mul3A : i32
    %add3A = arith.addi %mul3A_0, %arg0 : i32
    %scan3A = arith.constant 0 : i32
    %scan3A_1 = arith.constant 0 : i32
    %scan3A_2 = arith.constant 40 : i32
    %scan3A_3 = arith.addi %scan3A_1, %scan3A_2 : i32
    %scan3A_4 = arith.constant 1 : i32
    scf.for %scan3A_6 = %scan3A_1 to %scan3A_3 step %scan3A_4  : i32 {
      %mul3A_7 = arith.constant 2 : i32
      %mul3A_8 = arith.muli %scan3A_6, %mul3A_7 : i32
      %add3A_9 = arith.constant 0 : i32
      %add3A_10 = arith.addi %mul3A_8, %add3A_9 : i32
      %mul3A_11 = arith.constant 32 : i32
      %mul3A_12 = arith.muli %add3A_10, %mul3A_11 : i32
      %add3A_13 = arith.addi %mul3A_12, %add3A : i32
      %mul3A_14 = arith.constant 2 : i32
      %mul3A_15 = arith.muli %scan3A_6, %mul3A_14 : i32
      %add3A_16 = arith.constant 1 : i32
      %add3A_17 = arith.addi %mul3A_15, %add3A_16 : i32
      %mul3A_18 = arith.constant 32 : i32
      %mul3A_19 = arith.muli %add3A_17, %mul3A_18 : i32
      %add3A_20 = arith.addi %mul3A_19, %add3A : i32
      %lt3A = arith.constant 2500 : i32
      %lt3A_21 = arith.cmpi slt, %add3A_13, %lt3A : i32
      %convert_element_type3A = arith.extui %lt3A_21 : i1 to i32
      %cond3A = arith.constant 0 : i32
      %cond3A_22 = arith.cmpi ne, %convert_element_type3A, %cond3A : i32
      scf.if %cond3A_22 {
        %mul3A_38 = arith.constant 128 : i32
        %mul3A_39 = arith.muli %add3A_13, %mul3A_38 : i32
        "tpu.region"() ({
          %run_scoped3A = tpu.sem_alloc : memref<!tpu.dma_semaphore, #tpu.memory_space<semaphore_mem>>
          %dma_start3A_45 = tpu.memref_slice %arg4[%mul3A_39] : memref<320000xi32, #tpu.memory_space<hbm>> -> memref<128xi32, #tpu.memory_space<hbm>>
          %dma_start3A_46 = tpu.memref_slice %arg4[%mul3A_39] : memref<320000xi32, #tpu.memory_space<hbm>> -> memref<128xi32, #tpu.memory_space<hbm>>
          tpu.enqueue_dma source(%dma_start3A_46 : memref<128xi32, #tpu.memory_space<hbm>>) target(%arg8 : memref<128xi32, #tpu.memory_space<vmem>>) target_semaphore(%run_scoped3A : memref<!tpu.dma_semaphore, #tpu.memory_space<semaphore_mem>>)
          %dma_wait3A = tpu.memref_slice %arg4[%mul3A_39] : memref<320000xi32, #tpu.memory_space<hbm>> -> memref<128xi32, #tpu.memory_space<hbm>>
          %dma_wait3A_47 = tpu.memref_slice %arg4[%mul3A_39] : memref<320000xi32, #tpu.memory_space<hbm>> -> memref<128xi32, #tpu.memory_space<hbm>>
          tpu.wait_dma2 semaphore(%run_scoped3A : memref<!tpu.dma_semaphore, #tpu.memory_space<semaphore_mem>>) src(%dma_wait3A_47 : memref<128xi32, #tpu.memory_space<hbm>>) dst(%arg8 : memref<128xi32, #tpu.memory_space<vmem>>)
          tpu.yield
        }) : () -> ()
        "tpu.region"() ({
          %run_scoped3A = tpu.sem_alloc : memref<!tpu.dma_semaphore, #tpu.memory_space<semaphore_mem>>
          %dma_start3A_45 = tpu.memref_slice %arg5[%mul3A_39] : memref<320000xi32, #tpu.memory_space<hbm>> -> memref<128xi32, #tpu.memory_space<hbm>>
          %dma_start3A_46 = tpu.memref_slice %arg5[%mul3A_39] : memref<320000xi32, #tpu.memory_space<hbm>> -> memref<128xi32, #tpu.memory_space<hbm>>
          tpu.enqueue_dma source(%dma_start3A_46 : memref<128xi32, #tpu.memory_space<hbm>>) target(%arg9 : memref<128xi32, #tpu.memory_space<vmem>>) target_semaphore(%run_scoped3A : memref<!tpu.dma_semaphore, #tpu.memory_space<semaphore_mem>>)
          %dma_wait3A = tpu.memref_slice %arg5[%mul3A_39] : memref<320000xi32, #tpu.memory_space<hbm>> -> memref<128xi32, #tpu.memory_space<hbm>>
          %dma_wait3A_47 = tpu.memref_slice %arg5[%mul3A_39] : memref<320000xi32, #tpu.memory_space<hbm>> -> memref<128xi32, #tpu.memory_space<hbm>>
          tpu.wait_dma2 semaphore(%run_scoped3A : memref<!tpu.dma_semaphore, #tpu.memory_space<semaphore_mem>>) src(%dma_wait3A_47 : memref<128xi32, #tpu.memory_space<hbm>>) dst(%arg9 : memref<128xi32, #tpu.memory_space<vmem>>)
          tpu.yield
        }) : () -> ()
        %dma_start3A = arith.constant 0 : i32
        %dma_start3A_40 = arith.constant 0 : i32
        %dma_start3A_41 = tpu.memref_slice %arg2[%dma_start3A, %dma_start3A_40] : memref<10240x128xf32, #tpu.memory_space<hbm>> -> memref<10240x128xf32, #tpu.memory_space<hbm>>
        tpu.enqueue_indirect_dma source(%dma_start3A_41 : memref<10240x128xf32, #tpu.memory_space<hbm>>) target(%arg10 : memref<128x128xf32, #tpu.memory_space<vmem>>) offsets(%arg8 : memref<128xi32, #tpu.memory_space<vmem>>) semaphore(%arg12 : memref<!tpu.dma_semaphore, #tpu.memory_space<semaphore_mem>>)
        %dma_start3A_42 = arith.constant 0 : i32
        %dma_start3A_43 = arith.constant 0 : i32
        %dma_start3A_44 = tpu.memref_slice %arg3[%dma_start3A_42, %dma_start3A_43] : memref<10240x128xf32, #tpu.memory_space<hbm>> -> memref<10240x128xf32, #tpu.memory_space<hbm>>
        tpu.enqueue_indirect_dma source(%dma_start3A_44 : memref<10240x128xf32, #tpu.memory_space<hbm>>) target(%arg11 : memref<128x128xf32, #tpu.memory_space<vmem>>) offsets(%arg9 : memref<128xi32, #tpu.memory_space<vmem>>) semaphore(%arg13 : memref<!tpu.dma_semaphore, #tpu.memory_space<semaphore_mem>>)
      } else {
      }
      %lt3A_23 = arith.constant 2500 : i32
      %lt3A_24 = arith.cmpi slt, %add3A_20, %lt3A_23 : i32
      %convert_element_type3A_25 = arith.extui %lt3A_24 : i1 to i32
      %cond3A_26 = arith.constant 0 : i32
      %cond3A_27 = arith.cmpi ne, %convert_element_type3A_25, %cond3A_26 : i32
      scf.if %cond3A_27 {
        %mul3A_38 = arith.constant 128 : i32
        %mul3A_39 = arith.muli %add3A_20, %mul3A_38 : i32
        "tpu.region"() ({
          %run_scoped3A = tpu.sem_alloc : memref<!tpu.dma_semaphore, #tpu.memory_space<semaphore_mem>>
          %dma_start3A_45 = tpu.memref_slice %arg4[%mul3A_39] : memref<320000xi32, #tpu.memory_space<hbm>> -> memref<128xi32, #tpu.memory_space<hbm>>
          %dma_start3A_46 = tpu.memref_slice %arg4[%mul3A_39] : memref<320000xi32, #tpu.memory_space<hbm>> -> memref<128xi32, #tpu.memory_space<hbm>>
          tpu.enqueue_dma source(%dma_start3A_46 : memref<128xi32, #tpu.memory_space<hbm>>) target(%arg14 : memref<128xi32, #tpu.memory_space<vmem>>) target_semaphore(%run_scoped3A : memref<!tpu.dma_semaphore, #tpu.memory_space<semaphore_mem>>)
          %dma_wait3A = tpu.memref_slice %arg4[%mul3A_39] : memref<320000xi32, #tpu.memory_space<hbm>> -> memref<128xi32, #tpu.memory_space<hbm>>
          %dma_wait3A_47 = tpu.memref_slice %arg4[%mul3A_39] : memref<320000xi32, #tpu.memory_space<hbm>> -> memref<128xi32, #tpu.memory_space<hbm>>
          tpu.wait_dma2 semaphore(%run_scoped3A : memref<!tpu.dma_semaphore, #tpu.memory_space<semaphore_mem>>) src(%dma_wait3A_47 : memref<128xi32, #tpu.memory_space<hbm>>) dst(%arg14 : memref<128xi32, #tpu.memory_space<vmem>>)
          tpu.yield
        }) : () -> ()
        "tpu.region"() ({
          %run_scoped3A = tpu.sem_alloc : memref<!tpu.dma_semaphore, #tpu.memory_space<semaphore_mem>>
          %dma_start3A_45 = tpu.memref_slice %arg5[%mul3A_39] : memref<320000xi32, #tpu.memory_space<hbm>> -> memref<128xi32, #tpu.memory_space<hbm>>
          %dma_start3A_46 = tpu.memref_slice %arg5[%mul3A_39] : memref<320000xi32, #tpu.memory_space<hbm>> -> memref<128xi32, #tpu.memory_space<hbm>>
          tpu.enqueue_dma source(%dma_start3A_46 : memref<128xi32, #tpu.memory_space<hbm>>) target(%arg15 : memref<128xi32, #tpu.memory_space<vmem>>) target_semaphore(%run_scoped3A : memref<!tpu.dma_semaphore, #tpu.memory_space<semaphore_mem>>)
          %dma_wait3A = tpu.memref_slice %arg5[%mul3A_39] : memref<320000xi32, #tpu.memory_space<hbm>> -> memref<128xi32, #tpu.memory_space<hbm>>
          %dma_wait3A_47 = tpu.memref_slice %arg5[%mul3A_39] : memref<320000xi32, #tpu.memory_space<hbm>> -> memref<128xi32, #tpu.memory_space<hbm>>
          tpu.wait_dma2 semaphore(%run_scoped3A : memref<!tpu.dma_semaphore, #tpu.memory_space<semaphore_mem>>) src(%dma_wait3A_47 : memref<128xi32, #tpu.memory_space<hbm>>) dst(%arg15 : memref<128xi32, #tpu.memory_space<vmem>>)
          tpu.yield
        }) : () -> ()
        %dma_start3A = arith.constant 0 : i32
        %dma_start3A_40 = arith.constant 0 : i32
        %dma_start3A_41 = tpu.memref_slice %arg2[%dma_start3A, %dma_start3A_40] : memref<10240x128xf32, #tpu.memory_space<hbm>> -> memref<10240x128xf32, #tpu.memory_space<hbm>>
        tpu.enqueue_indirect_dma source(%dma_start3A_41 : memref<10240x128xf32, #tpu.memory_space<hbm>>) target(%arg16 : memref<128x128xf32, #tpu.memory_space<vmem>>) offsets(%arg14 : memref<128xi32, #tpu.memory_space<vmem>>) semaphore(%arg18 : memref<!tpu.dma_semaphore, #tpu.memory_space<semaphore_mem>>)
        %dma_start3A_42 = arith.constant 0 : i32
        %dma_start3A_43 = arith.constant 0 : i32
        %dma_start3A_44 = tpu.memref_slice %arg3[%dma_start3A_42, %dma_start3A_43] : memref<10240x128xf32, #tpu.memory_space<hbm>> -> memref<10240x128xf32, #tpu.memory_space<hbm>>
        tpu.enqueue_indirect_dma source(%dma_start3A_44 : memref<10240x128xf32, #tpu.memory_space<hbm>>) target(%arg17 : memref<128x128xf32, #tpu.memory_space<vmem>>) offsets(%arg15 : memref<128xi32, #tpu.memory_space<vmem>>) semaphore(%arg19 : memref<!tpu.dma_semaphore, #tpu.memory_space<semaphore_mem>>)
      } else {
      }
      %lt3A_28 = arith.constant 2500 : i32
      %lt3A_29 = arith.cmpi slt, %add3A_13, %lt3A_28 : i32
      %convert_element_type3A_30 = arith.extui %lt3A_29 : i1 to i32
      %cond3A_31 = arith.constant 0 : i32
      %cond3A_32 = arith.cmpi ne, %convert_element_type3A_30, %cond3A_31 : i32
      scf.if %cond3A_32 {
        %mul3A_38 = arith.constant 128 : i32
        %mul3A_39 = arith.muli %add3A_13, %mul3A_38 : i32
        %dma_wait3A = arith.constant 0 : i32
        %dma_wait3A_40 = arith.constant 0 : i32
        %dma_wait3A_41 = tpu.memref_slice %arg2[%dma_wait3A, %dma_wait3A_40] : memref<10240x128xf32, #tpu.memory_space<hbm>> -> memref<10240x128xf32, #tpu.memory_space<hbm>>
        tpu.wait_indirect_dma semaphore(%arg12 : memref<!tpu.dma_semaphore, #tpu.memory_space<semaphore_mem>>) src(%dma_wait3A_41 : memref<10240x128xf32, #tpu.memory_space<hbm>>) dst(%arg10 : memref<128x128xf32, #tpu.memory_space<vmem>>)
        %dma_wait3A_42 = arith.constant 0 : i32
        %dma_wait3A_43 = arith.constant 0 : i32
        %dma_wait3A_44 = tpu.memref_slice %arg3[%dma_wait3A_42, %dma_wait3A_43] : memref<10240x128xf32, #tpu.memory_space<hbm>> -> memref<10240x128xf32, #tpu.memory_space<hbm>>
        tpu.wait_indirect_dma semaphore(%arg13 : memref<!tpu.dma_semaphore, #tpu.memory_space<semaphore_mem>>) src(%dma_wait3A_44 : memref<10240x128xf32, #tpu.memory_space<hbm>>) dst(%arg11 : memref<128x128xf32, #tpu.memory_space<vmem>>)
        "tpu.region"() ({
          %run_scoped3A = tpu.sem_alloc : memref<!tpu.dma_semaphore, #tpu.memory_space<semaphore_mem>>
          %dma_start3A = arith.constant 0 : i32
          %dma_start3A_45 = tpu.memref_slice %arg6[%mul3A_39, %dma_start3A] : memref<320000x128xf32, #tpu.memory_space<hbm>> -> memref<128x128xf32, #tpu.memory_space<hbm>>
          %dma_start3A_46 = arith.constant 0 : i32
          %dma_start3A_47 = tpu.memref_slice %arg6[%mul3A_39, %dma_start3A_46] : memref<320000x128xf32, #tpu.memory_space<hbm>> -> memref<128x128xf32, #tpu.memory_space<hbm>>
          tpu.enqueue_dma source(%arg10 : memref<128x128xf32, #tpu.memory_space<vmem>>) target(%dma_start3A_47 : memref<128x128xf32, #tpu.memory_space<hbm>>) target_semaphore(%run_scoped3A : memref<!tpu.dma_semaphore, #tpu.memory_space<semaphore_mem>>)
          %dma_wait3A_48 = arith.constant 0 : i32
          %dma_wait3A_49 = tpu.memref_slice %arg6[%mul3A_39, %dma_wait3A_48] : memref<320000x128xf32, #tpu.memory_space<hbm>> -> memref<128x128xf32, #tpu.memory_space<hbm>>
          %dma_wait3A_50 = arith.constant 0 : i32
          %dma_wait3A_51 = tpu.memref_slice %arg6[%mul3A_39, %dma_wait3A_50] : memref<320000x128xf32, #tpu.memory_space<hbm>> -> memref<128x128xf32, #tpu.memory_space<hbm>>
          tpu.wait_dma2 semaphore(%run_scoped3A : memref<!tpu.dma_semaphore, #tpu.memory_space<semaphore_mem>>) src(%arg10 : memref<128x128xf32, #tpu.memory_space<vmem>>) dst(%dma_wait3A_51 : memref<128x128xf32, #tpu.memory_space<hbm>>)
          tpu.yield
        }) : () -> ()
        "tpu.region"() ({
          %run_scoped3A = tpu.sem_alloc : memref<!tpu.dma_semaphore, #tpu.memory_space<semaphore_mem>>
          %dma_start3A = arith.constant 0 : i32
          %dma_start3A_45 = tpu.memref_slice %arg7[%mul3A_39, %dma_start3A] : memref<320000x128xf32, #tpu.memory_space<hbm>> -> memref<128x128xf32, #tpu.memory_space<hbm>>
          %dma_start3A_46 = arith.constant 0 : i32
          %dma_start3A_47 = tpu.memref_slice %arg7[%mul3A_39, %dma_start3A_46] : memref<320000x128xf32, #tpu.memory_space<hbm>> -> memref<128x128xf32, #tpu.memory_space<hbm>>
          tpu.enqueue_dma source(%arg11 : memref<128x128xf32, #tpu.memory_space<vmem>>) target(%dma_start3A_47 : memref<128x128xf32, #tpu.memory_space<hbm>>) target_semaphore(%run_scoped3A : memref<!tpu.dma_semaphore, #tpu.memory_space<semaphore_mem>>)
          %dma_wait3A_48 = arith.constant 0 : i32
          %dma_wait3A_49 = tpu.memref_slice %arg7[%mul3A_39, %dma_wait3A_48] : memref<320000x128xf32, #tpu.memory_space<hbm>> -> memref<128x128xf32, #tpu.memory_space<hbm>>
          %dma_wait3A_50 = arith.constant 0 : i32
          %dma_wait3A_51 = tpu.memref_slice %arg7[%mul3A_39, %dma_wait3A_50] : memref<320000x128xf32, #tpu.memory_space<hbm>> -> memref<128x128xf32, #tpu.memory_space<hbm>>
          tpu.wait_dma2 semaphore(%run_scoped3A : memref<!tpu.dma_semaphore, #tpu.memory_space<semaphore_mem>>) src(%arg11 : memref<128x128xf32, #tpu.memory_space<vmem>>) dst(%dma_wait3A_51 : memref<128x128xf32, #tpu.memory_space<hbm>>)
          tpu.yield
        }) : () -> ()
      } else {
      }
      %lt3A_33 = arith.constant 2500 : i32
      %lt3A_34 = arith.cmpi slt, %add3A_20, %lt3A_33 : i32
      %convert_element_type3A_35 = arith.extui %lt3A_34 : i1 to i32
      %cond3A_36 = arith.constant 0 : i32
      %cond3A_37 = arith.cmpi ne, %convert_element_type3A_35, %cond3A_36 : i32
      scf.if %cond3A_37 {
        %mul3A_38 = arith.constant 128 : i32
        %mul3A_39 = arith.muli %add3A_20, %mul3A_38 : i32
        %dma_wait3A = arith.constant 0 : i32
        %dma_wait3A_40 = arith.constant 0 : i32
        %dma_wait3A_41 = tpu.memref_slice %arg2[%dma_wait3A, %dma_wait3A_40] : memref<10240x128xf32, #tpu.memory_space<hbm>> -> memref<10240x128xf32, #tpu.memory_space<hbm>>
        tpu.wait_indirect_dma semaphore(%arg18 : memref<!tpu.dma_semaphore, #tpu.memory_space<semaphore_mem>>) src(%dma_wait3A_41 : memref<10240x128xf32, #tpu.memory_space<hbm>>) dst(%arg16 : memref<128x128xf32, #tpu.memory_space<vmem>>)
        %dma_wait3A_42 = arith.constant 0 : i32
        %dma_wait3A_43 = arith.constant 0 : i32
        %dma_wait3A_44 = tpu.memref_slice %arg3[%dma_wait3A_42, %dma_wait3A_43] : memref<10240x128xf32, #tpu.memory_space<hbm>> -> memref<10240x128xf32, #tpu.memory_space<hbm>>
        tpu.wait_indirect_dma semaphore(%arg19 : memref<!tpu.dma_semaphore, #tpu.memory_space<semaphore_mem>>) src(%dma_wait3A_44 : memref<10240x128xf32, #tpu.memory_space<hbm>>) dst(%arg17 : memref<128x128xf32, #tpu.memory_space<vmem>>)
        "tpu.region"() ({
          %run_scoped3A = tpu.sem_alloc : memref<!tpu.dma_semaphore, #tpu.memory_space<semaphore_mem>>
          %dma_start3A = arith.constant 0 : i32
          %dma_start3A_45 = tpu.memref_slice %arg6[%mul3A_39, %dma_start3A] : memref<320000x128xf32, #tpu.memory_space<hbm>> -> memref<128x128xf32, #tpu.memory_space<hbm>>
          %dma_start3A_46 = arith.constant 0 : i32
          %dma_start3A_47 = tpu.memref_slice %arg6[%mul3A_39, %dma_start3A_46] : memref<320000x128xf32, #tpu.memory_space<hbm>> -> memref<128x128xf32, #tpu.memory_space<hbm>>
          tpu.enqueue_dma source(%arg16 : memref<128x128xf32, #tpu.memory_space<vmem>>) target(%dma_start3A_47 : memref<128x128xf32, #tpu.memory_space<hbm>>) target_semaphore(%run_scoped3A : memref<!tpu.dma_semaphore, #tpu.memory_space<semaphore_mem>>)
          %dma_wait3A_48 = arith.constant 0 : i32
          %dma_wait3A_49 = tpu.memref_slice %arg6[%mul3A_39, %dma_wait3A_48] : memref<320000x128xf32, #tpu.memory_space<hbm>> -> memref<128x128xf32, #tpu.memory_space<hbm>>
          %dma_wait3A_50 = arith.constant 0 : i32
          %dma_wait3A_51 = tpu.memref_slice %arg6[%mul3A_39, %dma_wait3A_50] : memref<320000x128xf32, #tpu.memory_space<hbm>> -> memref<128x128xf32, #tpu.memory_space<hbm>>
          tpu.wait_dma2 semaphore(%run_scoped3A : memref<!tpu.dma_semaphore, #tpu.memory_space<semaphore_mem>>) src(%arg16 : memref<128x128xf32, #tpu.memory_space<vmem>>) dst(%dma_wait3A_51 : memref<128x128xf32, #tpu.memory_space<hbm>>)
          tpu.yield
        }) : () -> ()
        "tpu.region"() ({
          %run_scoped3A = tpu.sem_alloc : memref<!tpu.dma_semaphore, #tpu.memory_space<semaphore_mem>>
          %dma_start3A = arith.constant 0 : i32
          %dma_start3A_45 = tpu.memref_slice %arg7[%mul3A_39, %dma_start3A] : memref<320000x128xf32, #tpu.memory_space<hbm>> -> memref<128x128xf32, #tpu.memory_space<hbm>>
          %dma_start3A_46 = arith.constant 0 : i32
          %dma_start3A_47 = tpu.memref_slice %arg7[%mul3A_39, %dma_start3A_46] : memref<320000x128xf32, #tpu.memory_space<hbm>> -> memref<128x128xf32, #tpu.memory_space<hbm>>
          tpu.enqueue_dma source(%arg17 : memref<128x128xf32, #tpu.memory_space<vmem>>) target(%dma_start3A_47 : memref<128x128xf32, #tpu.memory_space<hbm>>) target_semaphore(%run_scoped3A : memref<!tpu.dma_semaphore, #tpu.memory_space<semaphore_mem>>)
          %dma_wait3A_48 = arith.constant 0 : i32
          %dma_wait3A_49 = tpu.memref_slice %arg7[%mul3A_39, %dma_wait3A_48] : memref<320000x128xf32, #tpu.memory_space<hbm>> -> memref<128x128xf32, #tpu.memory_space<hbm>>
          %dma_wait3A_50 = arith.constant 0 : i32
          %dma_wait3A_51 = tpu.memref_slice %arg7[%mul3A_39, %dma_wait3A_50] : memref<320000x128xf32, #tpu.memory_space<hbm>> -> memref<128x128xf32, #tpu.memory_space<hbm>>
          tpu.wait_dma2 semaphore(%run_scoped3A : memref<!tpu.dma_semaphore, #tpu.memory_space<semaphore_mem>>) src(%arg17 : memref<128x128xf32, #tpu.memory_space<vmem>>) dst(%dma_wait3A_51 : memref<128x128xf32, #tpu.memory_space<hbm>>)
          tpu.yield
        }) : () -> ()
      } else {
      }
    }
    %scan3A_5 = arith.constant 40 : i32
    return
  }
}

#map = affine_map<(d0, d1) -> (0, 0)>
#map1 = affine_map<(d0, d1) -> (0)>
module attributes {stable_mosaic.version = 14 : i64} {
  func.func @_sc_actor_gather_body(%arg0: i32, %arg1: i32, %arg2: memref<10240x128xf32, #tpu.memory_space<hbm>>, %arg3: memref<10240x128xf32, #tpu.memory_space<hbm>>, %arg4: memref<320000xi32, #tpu.memory_space<hbm>>, %arg5: memref<320000xi32, #tpu.memory_space<hbm>>, %arg6: memref<80000xi32, #tpu.memory_space<hbm>>, %arg7: memref<320000x128xf32, #tpu.memory_space<hbm>>, %arg8: memref<80000x128xf32, #tpu.memory_space<hbm>>, %arg9: memref<80000x128xf32, #tpu.memory_space<hbm>>, %arg10: memref<80000x128xf32, #tpu.memory_space<hbm>>, %arg11: memref<128xi32, #tpu.memory_space<vmem>>, %arg12: memref<128xi32, #tpu.memory_space<vmem>>, %arg13: memref<128xi32, #tpu.memory_space<vmem>>, %arg14: memref<128x128xf32, #tpu.memory_space<vmem>>, %arg15: memref<128x128xf32, #tpu.memory_space<vmem>>, %arg16: memref<128x128xf32, #tpu.memory_space<vmem>>, %arg17: memref<!tpu.dma_semaphore, #tpu.memory_space<semaphore_mem>>, %arg18: memref<!tpu.dma_semaphore, #tpu.memory_space<semaphore_mem>>, %arg19: memref<!tpu.dma_semaphore, #tpu.memory_space<semaphore_mem>>, %arg20: memref<128xi32, #tpu.memory_space<vmem>>, %arg21: memref<128xi32, #tpu.memory_space<vmem>>, %arg22: memref<128xi32, #tpu.memory_space<vmem>>, %arg23: memref<128x128xf32, #tpu.memory_space<vmem>>, %arg24: memref<128x128xf32, #tpu.memory_space<vmem>>, %arg25: memref<128x128xf32, #tpu.memory_space<vmem>>, %arg26: memref<!tpu.dma_semaphore, #tpu.memory_space<semaphore_mem>>, %arg27: memref<!tpu.dma_semaphore, #tpu.memory_space<semaphore_mem>>, %arg28: memref<!tpu.dma_semaphore, #tpu.memory_space<semaphore_mem>>) attributes {dimension_semantics = [#tpu.dimension_semantics<core_parallel>, #tpu.dimension_semantics<subcore_parallel>], iteration_bounds = array<i64: 2, 16>, scalar_prefetch = 0 : i64, scratch_operands = 18 : i64, tpu.core_type = #tpu.core_type<sc_vector_subcore>, window_params = [{transform_indices = #map}, {transform_indices = #map}, {transform_indices = #map1}, {transform_indices = #map1}, {transform_indices = #map1}, {transform_indices = #map}, {transform_indices = #map}, {transform_indices = #map}, {transform_indices = #map}]} {
    %mul3A = arith.constant 2 : i32
    %mul3A_0 = arith.muli %arg1, %mul3A : i32
    %add3A = arith.addi %mul3A_0, %arg0 : i32
    %scan3A = arith.constant 0 : i32
    %scan3A_1 = arith.constant 0 : i32
    %scan3A_2 = arith.constant 10 : i32
    %scan3A_3 = arith.addi %scan3A_1, %scan3A_2 : i32
    %scan3A_4 = arith.constant 1 : i32
    scf.for %scan3A_6 = %scan3A_1 to %scan3A_3 step %scan3A_4  : i32 {
      %mul3A_7 = arith.constant 2 : i32
      %mul3A_8 = arith.muli %scan3A_6, %mul3A_7 : i32
      %add3A_9 = arith.constant 0 : i32
      %add3A_10 = arith.addi %mul3A_8, %add3A_9 : i32
      %mul3A_11 = arith.constant 32 : i32
      %mul3A_12 = arith.muli %add3A_10, %mul3A_11 : i32
      %add3A_13 = arith.addi %mul3A_12, %add3A : i32
      %mul3A_14 = arith.constant 2 : i32
      %mul3A_15 = arith.muli %scan3A_6, %mul3A_14 : i32
      %add3A_16 = arith.constant 1 : i32
      %add3A_17 = arith.addi %mul3A_15, %add3A_16 : i32
      %mul3A_18 = arith.constant 32 : i32
      %mul3A_19 = arith.muli %add3A_17, %mul3A_18 : i32
      %add3A_20 = arith.addi %mul3A_19, %add3A : i32
      %lt3A = arith.constant 625 : i32
      %lt3A_21 = arith.cmpi slt, %add3A_13, %lt3A : i32
      %convert_element_type3A = arith.extui %lt3A_21 : i1 to i32
      %cond3A = arith.constant 0 : i32
      %cond3A_22 = arith.cmpi ne, %convert_element_type3A, %cond3A : i32
      scf.if %cond3A_22 {
        %mul3A_48 = arith.constant 128 : i32
        %mul3A_49 = arith.muli %add3A_13, %mul3A_48 : i32
        "tpu.region"() ({
          %run_scoped3A = tpu.sem_alloc : memref<!tpu.dma_semaphore, #tpu.memory_space<semaphore_mem>>
          %dma_start3A_56 = tpu.memref_slice %arg6[%mul3A_49] : memref<80000xi32, #tpu.memory_space<hbm>> -> memref<128xi32, #tpu.memory_space<hbm>>
          %dma_start3A_57 = tpu.memref_slice %arg6[%mul3A_49] : memref<80000xi32, #tpu.memory_space<hbm>> -> memref<128xi32, #tpu.memory_space<hbm>>
          tpu.enqueue_dma source(%dma_start3A_57 : memref<128xi32, #tpu.memory_space<hbm>>) target(%arg11 : memref<128xi32, #tpu.memory_space<vmem>>) target_semaphore(%run_scoped3A : memref<!tpu.dma_semaphore, #tpu.memory_space<semaphore_mem>>)
          %dma_wait3A = tpu.memref_slice %arg6[%mul3A_49] : memref<80000xi32, #tpu.memory_space<hbm>> -> memref<128xi32, #tpu.memory_space<hbm>>
          %dma_wait3A_58 = tpu.memref_slice %arg6[%mul3A_49] : memref<80000xi32, #tpu.memory_space<hbm>> -> memref<128xi32, #tpu.memory_space<hbm>>
          tpu.wait_dma2 semaphore(%run_scoped3A : memref<!tpu.dma_semaphore, #tpu.memory_space<semaphore_mem>>) src(%dma_wait3A_58 : memref<128xi32, #tpu.memory_space<hbm>>) dst(%arg11 : memref<128xi32, #tpu.memory_space<vmem>>)
          tpu.yield
        }) : () -> ()
        %dma_start3A = arith.constant 0 : i32
        %dma_start3A_50 = tpu.memref_slice %arg4[%dma_start3A] : memref<320000xi32, #tpu.memory_space<hbm>> -> memref<320000xi32, #tpu.memory_space<hbm>>
        tpu.enqueue_indirect_dma source(%dma_start3A_50 : memref<320000xi32, #tpu.memory_space<hbm>>) target(%arg12 : memref<128xi32, #tpu.memory_space<vmem>>) offsets(%arg11 : memref<128xi32, #tpu.memory_space<vmem>>) semaphore(%arg17 : memref<!tpu.dma_semaphore, #tpu.memory_space<semaphore_mem>>)
        %dma_start3A_51 = arith.constant 0 : i32
        %dma_start3A_52 = tpu.memref_slice %arg5[%dma_start3A_51] : memref<320000xi32, #tpu.memory_space<hbm>> -> memref<320000xi32, #tpu.memory_space<hbm>>
        tpu.enqueue_indirect_dma source(%dma_start3A_52 : memref<320000xi32, #tpu.memory_space<hbm>>) target(%arg13 : memref<128xi32, #tpu.memory_space<vmem>>) offsets(%arg11 : memref<128xi32, #tpu.memory_space<vmem>>) semaphore(%arg18 : memref<!tpu.dma_semaphore, #tpu.memory_space<semaphore_mem>>)
        %dma_start3A_53 = arith.constant 0 : i32
        %dma_start3A_54 = arith.constant 0 : i32
        %dma_start3A_55 = tpu.memref_slice %arg7[%dma_start3A_53, %dma_start3A_54] : memref<320000x128xf32, #tpu.memory_space<hbm>> -> memref<320000x128xf32, #tpu.memory_space<hbm>>
        tpu.enqueue_indirect_dma source(%dma_start3A_55 : memref<320000x128xf32, #tpu.memory_space<hbm>>) target(%arg16 : memref<128x128xf32, #tpu.memory_space<vmem>>) offsets(%arg11 : memref<128xi32, #tpu.memory_space<vmem>>) semaphore(%arg19 : memref<!tpu.dma_semaphore, #tpu.memory_space<semaphore_mem>>)
      } else {
      }
      %lt3A_23 = arith.constant 625 : i32
      %lt3A_24 = arith.cmpi slt, %add3A_20, %lt3A_23 : i32
      %convert_element_type3A_25 = arith.extui %lt3A_24 : i1 to i32
      %cond3A_26 = arith.constant 0 : i32
      %cond3A_27 = arith.cmpi ne, %convert_element_type3A_25, %cond3A_26 : i32
      scf.if %cond3A_27 {
        %mul3A_48 = arith.constant 128 : i32
        %mul3A_49 = arith.muli %add3A_20, %mul3A_48 : i32
        "tpu.region"() ({
          %run_scoped3A = tpu.sem_alloc : memref<!tpu.dma_semaphore, #tpu.memory_space<semaphore_mem>>
          %dma_start3A_56 = tpu.memref_slice %arg6[%mul3A_49] : memref<80000xi32, #tpu.memory_space<hbm>> -> memref<128xi32, #tpu.memory_space<hbm>>
          %dma_start3A_57 = tpu.memref_slice %arg6[%mul3A_49] : memref<80000xi32, #tpu.memory_space<hbm>> -> memref<128xi32, #tpu.memory_space<hbm>>
          tpu.enqueue_dma source(%dma_start3A_57 : memref<128xi32, #tpu.memory_space<hbm>>) target(%arg20 : memref<128xi32, #tpu.memory_space<vmem>>) target_semaphore(%run_scoped3A : memref<!tpu.dma_semaphore, #tpu.memory_space<semaphore_mem>>)
          %dma_wait3A = tpu.memref_slice %arg6[%mul3A_49] : memref<80000xi32, #tpu.memory_space<hbm>> -> memref<128xi32, #tpu.memory_space<hbm>>
          %dma_wait3A_58 = tpu.memref_slice %arg6[%mul3A_49] : memref<80000xi32, #tpu.memory_space<hbm>> -> memref<128xi32, #tpu.memory_space<hbm>>
          tpu.wait_dma2 semaphore(%run_scoped3A : memref<!tpu.dma_semaphore, #tpu.memory_space<semaphore_mem>>) src(%dma_wait3A_58 : memref<128xi32, #tpu.memory_space<hbm>>) dst(%arg20 : memref<128xi32, #tpu.memory_space<vmem>>)
          tpu.yield
        }) : () -> ()
        %dma_start3A = arith.constant 0 : i32
        %dma_start3A_50 = tpu.memref_slice %arg4[%dma_start3A] : memref<320000xi32, #tpu.memory_space<hbm>> -> memref<320000xi32, #tpu.memory_space<hbm>>
        tpu.enqueue_indirect_dma source(%dma_start3A_50 : memref<320000xi32, #tpu.memory_space<hbm>>) target(%arg21 : memref<128xi32, #tpu.memory_space<vmem>>) offsets(%arg20 : memref<128xi32, #tpu.memory_space<vmem>>) semaphore(%arg26 : memref<!tpu.dma_semaphore, #tpu.memory_space<semaphore_mem>>)
        %dma_start3A_51 = arith.constant 0 : i32
        %dma_start3A_52 = tpu.memref_slice %arg5[%dma_start3A_51] : memref<320000xi32, #tpu.memory_space<hbm>> -> memref<320000xi32, #tpu.memory_space<hbm>>
        tpu.enqueue_indirect_dma source(%dma_start3A_52 : memref<320000xi32, #tpu.memory_space<hbm>>) target(%arg22 : memref<128xi32, #tpu.memory_space<vmem>>) offsets(%arg20 : memref<128xi32, #tpu.memory_space<vmem>>) semaphore(%arg27 : memref<!tpu.dma_semaphore, #tpu.memory_space<semaphore_mem>>)
        %dma_start3A_53 = arith.constant 0 : i32
        %dma_start3A_54 = arith.constant 0 : i32
        %dma_start3A_55 = tpu.memref_slice %arg7[%dma_start3A_53, %dma_start3A_54] : memref<320000x128xf32, #tpu.memory_space<hbm>> -> memref<320000x128xf32, #tpu.memory_space<hbm>>
        tpu.enqueue_indirect_dma source(%dma_start3A_55 : memref<320000x128xf32, #tpu.memory_space<hbm>>) target(%arg25 : memref<128x128xf32, #tpu.memory_space<vmem>>) offsets(%arg20 : memref<128xi32, #tpu.memory_space<vmem>>) semaphore(%arg28 : memref<!tpu.dma_semaphore, #tpu.memory_space<semaphore_mem>>)
      } else {
      }
      %lt3A_28 = arith.constant 625 : i32
      %lt3A_29 = arith.cmpi slt, %add3A_13, %lt3A_28 : i32
      %convert_element_type3A_30 = arith.extui %lt3A_29 : i1 to i32
      %cond3A_31 = arith.constant 0 : i32
      %cond3A_32 = arith.cmpi ne, %convert_element_type3A_30, %cond3A_31 : i32
      scf.if %cond3A_32 {
        %dma_wait3A = arith.constant 0 : i32
        %dma_wait3A_48 = tpu.memref_slice %arg4[%dma_wait3A] : memref<320000xi32, #tpu.memory_space<hbm>> -> memref<320000xi32, #tpu.memory_space<hbm>>
        tpu.wait_indirect_dma semaphore(%arg17 : memref<!tpu.dma_semaphore, #tpu.memory_space<semaphore_mem>>) src(%dma_wait3A_48 : memref<320000xi32, #tpu.memory_space<hbm>>) dst(%arg12 : memref<128xi32, #tpu.memory_space<vmem>>)
        %dma_wait3A_49 = arith.constant 0 : i32
        %dma_wait3A_50 = tpu.memref_slice %arg5[%dma_wait3A_49] : memref<320000xi32, #tpu.memory_space<hbm>> -> memref<320000xi32, #tpu.memory_space<hbm>>
        tpu.wait_indirect_dma semaphore(%arg18 : memref<!tpu.dma_semaphore, #tpu.memory_space<semaphore_mem>>) src(%dma_wait3A_50 : memref<320000xi32, #tpu.memory_space<hbm>>) dst(%arg13 : memref<128xi32, #tpu.memory_space<vmem>>)
        %dma_start3A = arith.constant 0 : i32
        %dma_start3A_51 = arith.constant 0 : i32
        %dma_start3A_52 = tpu.memref_slice %arg2[%dma_start3A, %dma_start3A_51] : memref<10240x128xf32, #tpu.memory_space<hbm>> -> memref<10240x128xf32, #tpu.memory_space<hbm>>
        tpu.enqueue_indirect_dma source(%dma_start3A_52 : memref<10240x128xf32, #tpu.memory_space<hbm>>) target(%arg14 : memref<128x128xf32, #tpu.memory_space<vmem>>) offsets(%arg12 : memref<128xi32, #tpu.memory_space<vmem>>) semaphore(%arg17 : memref<!tpu.dma_semaphore, #tpu.memory_space<semaphore_mem>>)
        %dma_start3A_53 = arith.constant 0 : i32
        %dma_start3A_54 = arith.constant 0 : i32
        %dma_start3A_55 = tpu.memref_slice %arg3[%dma_start3A_53, %dma_start3A_54] : memref<10240x128xf32, #tpu.memory_space<hbm>> -> memref<10240x128xf32, #tpu.memory_space<hbm>>
        tpu.enqueue_indirect_dma source(%dma_start3A_55 : memref<10240x128xf32, #tpu.memory_space<hbm>>) target(%arg15 : memref<128x128xf32, #tpu.memory_space<vmem>>) offsets(%arg13 : memref<128xi32, #tpu.memory_space<vmem>>) semaphore(%arg18 : memref<!tpu.dma_semaphore, #tpu.memory_space<semaphore_mem>>)
      } else {
      }
      %lt3A_33 = arith.constant 625 : i32
      %lt3A_34 = arith.cmpi slt, %add3A_20, %lt3A_33 : i32
      %convert_element_type3A_35 = arith.extui %lt3A_34 : i1 to i32
      %cond3A_36 = arith.constant 0 : i32
      %cond3A_37 = arith.cmpi ne, %convert_element_type3A_35, %cond3A_36 : i32
      scf.if %cond3A_37 {
        %dma_wait3A = arith.constant 0 : i32
        %dma_wait3A_48 = tpu.memref_slice %arg4[%dma_wait3A] : memref<320000xi32, #tpu.memory_space<hbm>> -> memref<320000xi32, #tpu.memory_space<hbm>>
        tpu.wait_indirect_dma semaphore(%arg26 : memref<!tpu.dma_semaphore, #tpu.memory_space<semaphore_mem>>) src(%dma_wait3A_48 : memref<320000xi32, #tpu.memory_space<hbm>>) dst(%arg21 : memref<128xi32, #tpu.memory_space<vmem>>)
        %dma_wait3A_49 = arith.constant 0 : i32
        %dma_wait3A_50 = tpu.memref_slice %arg5[%dma_wait3A_49] : memref<320000xi32, #tpu.memory_space<hbm>> -> memref<320000xi32, #tpu.memory_space<hbm>>
        tpu.wait_indirect_dma semaphore(%arg27 : memref<!tpu.dma_semaphore, #tpu.memory_space<semaphore_mem>>) src(%dma_wait3A_50 : memref<320000xi32, #tpu.memory_space<hbm>>) dst(%arg22 : memref<128xi32, #tpu.memory_space<vmem>>)
        %dma_start3A = arith.constant 0 : i32
        %dma_start3A_51 = arith.constant 0 : i32
        %dma_start3A_52 = tpu.memref_slice %arg2[%dma_start3A, %dma_start3A_51] : memref<10240x128xf32, #tpu.memory_space<hbm>> -> memref<10240x128xf32, #tpu.memory_space<hbm>>
        tpu.enqueue_indirect_dma source(%dma_start3A_52 : memref<10240x128xf32, #tpu.memory_space<hbm>>) target(%arg23 : memref<128x128xf32, #tpu.memory_space<vmem>>) offsets(%arg21 : memref<128xi32, #tpu.memory_space<vmem>>) semaphore(%arg26 : memref<!tpu.dma_semaphore, #tpu.memory_space<semaphore_mem>>)
        %dma_start3A_53 = arith.constant 0 : i32
        %dma_start3A_54 = arith.constant 0 : i32
        %dma_start3A_55 = tpu.memref_slice %arg3[%dma_start3A_53, %dma_start3A_54] : memref<10240x128xf32, #tpu.memory_space<hbm>> -> memref<10240x128xf32, #tpu.memory_space<hbm>>
        tpu.enqueue_indirect_dma source(%dma_start3A_55 : memref<10240x128xf32, #tpu.memory_space<hbm>>) target(%arg24 : memref<128x128xf32, #tpu.memory_space<vmem>>) offsets(%arg22 : memref<128xi32, #tpu.memory_space<vmem>>) semaphore(%arg27 : memref<!tpu.dma_semaphore, #tpu.memory_space<semaphore_mem>>)
      } else {
      }
      %lt3A_38 = arith.constant 625 : i32
      %lt3A_39 = arith.cmpi slt, %add3A_13, %lt3A_38 : i32
      %convert_element_type3A_40 = arith.extui %lt3A_39 : i1 to i32
      %cond3A_41 = arith.constant 0 : i32
      %cond3A_42 = arith.cmpi ne, %convert_element_type3A_40, %cond3A_41 : i32
      scf.if %cond3A_42 {
        %mul3A_48 = arith.constant 128 : i32
        %mul3A_49 = arith.muli %add3A_13, %mul3A_48 : i32
        %dma_wait3A = arith.constant 0 : i32
        %dma_wait3A_50 = arith.constant 0 : i32
        %dma_wait3A_51 = tpu.memref_slice %arg2[%dma_wait3A, %dma_wait3A_50] : memref<10240x128xf32, #tpu.memory_space<hbm>> -> memref<10240x128xf32, #tpu.memory_space<hbm>>
        tpu.wait_indirect_dma semaphore(%arg17 : memref<!tpu.dma_semaphore, #tpu.memory_space<semaphore_mem>>) src(%dma_wait3A_51 : memref<10240x128xf32, #tpu.memory_space<hbm>>) dst(%arg14 : memref<128x128xf32, #tpu.memory_space<vmem>>)
        %dma_wait3A_52 = arith.constant 0 : i32
        %dma_wait3A_53 = arith.constant 0 : i32
        %dma_wait3A_54 = tpu.memref_slice %arg3[%dma_wait3A_52, %dma_wait3A_53] : memref<10240x128xf32, #tpu.memory_space<hbm>> -> memref<10240x128xf32, #tpu.memory_space<hbm>>
        tpu.wait_indirect_dma semaphore(%arg18 : memref<!tpu.dma_semaphore, #tpu.memory_space<semaphore_mem>>) src(%dma_wait3A_54 : memref<10240x128xf32, #tpu.memory_space<hbm>>) dst(%arg15 : memref<128x128xf32, #tpu.memory_space<vmem>>)
        %dma_wait3A_55 = arith.constant 0 : i32
        %dma_wait3A_56 = arith.constant 0 : i32
        %dma_wait3A_57 = tpu.memref_slice %arg7[%dma_wait3A_55, %dma_wait3A_56] : memref<320000x128xf32, #tpu.memory_space<hbm>> -> memref<320000x128xf32, #tpu.memory_space<hbm>>
        tpu.wait_indirect_dma semaphore(%arg19 : memref<!tpu.dma_semaphore, #tpu.memory_space<semaphore_mem>>) src(%dma_wait3A_57 : memref<320000x128xf32, #tpu.memory_space<hbm>>) dst(%arg16 : memref<128x128xf32, #tpu.memory_space<vmem>>)
        "tpu.region"() ({
          %run_scoped3A = tpu.sem_alloc : memref<!tpu.dma_semaphore, #tpu.memory_space<semaphore_mem>>
          %dma_start3A = arith.constant 0 : i32
          %dma_start3A_58 = tpu.memref_slice %arg8[%mul3A_49, %dma_start3A] : memref<80000x128xf32, #tpu.memory_space<hbm>> -> memref<128x128xf32, #tpu.memory_space<hbm>>
          %dma_start3A_59 = arith.constant 0 : i32
          %dma_start3A_60 = tpu.memref_slice %arg8[%mul3A_49, %dma_start3A_59] : memref<80000x128xf32, #tpu.memory_space<hbm>> -> memref<128x128xf32, #tpu.memory_space<hbm>>
          tpu.enqueue_dma source(%arg14 : memref<128x128xf32, #tpu.memory_space<vmem>>) target(%dma_start3A_60 : memref<128x128xf32, #tpu.memory_space<hbm>>) target_semaphore(%run_scoped3A : memref<!tpu.dma_semaphore, #tpu.memory_space<semaphore_mem>>)
          %dma_wait3A_61 = arith.constant 0 : i32
          %dma_wait3A_62 = tpu.memref_slice %arg8[%mul3A_49, %dma_wait3A_61] : memref<80000x128xf32, #tpu.memory_space<hbm>> -> memref<128x128xf32, #tpu.memory_space<hbm>>
          %dma_wait3A_63 = arith.constant 0 : i32
          %dma_wait3A_64 = tpu.memref_slice %arg8[%mul3A_49, %dma_wait3A_63] : memref<80000x128xf32, #tpu.memory_space<hbm>> -> memref<128x128xf32, #tpu.memory_space<hbm>>
          tpu.wait_dma2 semaphore(%run_scoped3A : memref<!tpu.dma_semaphore, #tpu.memory_space<semaphore_mem>>) src(%arg14 : memref<128x128xf32, #tpu.memory_space<vmem>>) dst(%dma_wait3A_64 : memref<128x128xf32, #tpu.memory_space<hbm>>)
          tpu.yield
        }) : () -> ()
        "tpu.region"() ({
          %run_scoped3A = tpu.sem_alloc : memref<!tpu.dma_semaphore, #tpu.memory_space<semaphore_mem>>
          %dma_start3A = arith.constant 0 : i32
          %dma_start3A_58 = tpu.memref_slice %arg9[%mul3A_49, %dma_start3A] : memref<80000x128xf32, #tpu.memory_space<hbm>> -> memref<128x128xf32, #tpu.memory_space<hbm>>
          %dma_start3A_59 = arith.constant 0 : i32
          %dma_start3A_60 = tpu.memref_slice %arg9[%mul3A_49, %dma_start3A_59] : memref<80000x128xf32, #tpu.memory_space<hbm>> -> memref<128x128xf32, #tpu.memory_space<hbm>>
          tpu.enqueue_dma source(%arg15 : memref<128x128xf32, #tpu.memory_space<vmem>>) target(%dma_start3A_60 : memref<128x128xf32, #tpu.memory_space<hbm>>) target_semaphore(%run_scoped3A : memref<!tpu.dma_semaphore, #tpu.memory_space<semaphore_mem>>)
          %dma_wait3A_61 = arith.constant 0 : i32
          %dma_wait3A_62 = tpu.memref_slice %arg9[%mul3A_49, %dma_wait3A_61] : memref<80000x128xf32, #tpu.memory_space<hbm>> -> memref<128x128xf32, #tpu.memory_space<hbm>>
          %dma_wait3A_63 = arith.constant 0 : i32
          %dma_wait3A_64 = tpu.memref_slice %arg9[%mul3A_49, %dma_wait3A_63] : memref<80000x128xf32, #tpu.memory_space<hbm>> -> memref<128x128xf32, #tpu.memory_space<hbm>>
          tpu.wait_dma2 semaphore(%run_scoped3A : memref<!tpu.dma_semaphore, #tpu.memory_space<semaphore_mem>>) src(%arg15 : memref<128x128xf32, #tpu.memory_space<vmem>>) dst(%dma_wait3A_64 : memref<128x128xf32, #tpu.memory_space<hbm>>)
          tpu.yield
        }) : () -> ()
        "tpu.region"() ({
          %run_scoped3A = tpu.sem_alloc : memref<!tpu.dma_semaphore, #tpu.memory_space<semaphore_mem>>
          %dma_start3A = arith.constant 0 : i32
          %dma_start3A_58 = tpu.memref_slice %arg10[%mul3A_49, %dma_start3A] : memref<80000x128xf32, #tpu.memory_space<hbm>> -> memref<128x128xf32, #tpu.memory_space<hbm>>
          %dma_start3A_59 = arith.constant 0 : i32
          %dma_start3A_60 = tpu.memref_slice %arg10[%mul3A_49, %dma_start3A_59] : memref<80000x128xf32, #tpu.memory_space<hbm>> -> memref<128x128xf32, #tpu.memory_space<hbm>>
          tpu.enqueue_dma source(%arg16 : memref<128x128xf32, #tpu.memory_space<vmem>>) target(%dma_start3A_60 : memref<128x128xf32, #tpu.memory_space<hbm>>) target_semaphore(%run_scoped3A : memref<!tpu.dma_semaphore, #tpu.memory_space<semaphore_mem>>)
          %dma_wait3A_61 = arith.constant 0 : i32
          %dma_wait3A_62 = tpu.memref_slice %arg10[%mul3A_49, %dma_wait3A_61] : memref<80000x128xf32, #tpu.memory_space<hbm>> -> memref<128x128xf32, #tpu.memory_space<hbm>>
          %dma_wait3A_63 = arith.constant 0 : i32
          %dma_wait3A_64 = tpu.memref_slice %arg10[%mul3A_49, %dma_wait3A_63] : memref<80000x128xf32, #tpu.memory_space<hbm>> -> memref<128x128xf32, #tpu.memory_space<hbm>>
          tpu.wait_dma2 semaphore(%run_scoped3A : memref<!tpu.dma_semaphore, #tpu.memory_space<semaphore_mem>>) src(%arg16 : memref<128x128xf32, #tpu.memory_space<vmem>>) dst(%dma_wait3A_64 : memref<128x128xf32, #tpu.memory_space<hbm>>)
          tpu.yield
        }) : () -> ()
      } else {
      }
      %lt3A_43 = arith.constant 625 : i32
      %lt3A_44 = arith.cmpi slt, %add3A_20, %lt3A_43 : i32
      %convert_element_type3A_45 = arith.extui %lt3A_44 : i1 to i32
      %cond3A_46 = arith.constant 0 : i32
      %cond3A_47 = arith.cmpi ne, %convert_element_type3A_45, %cond3A_46 : i32
      scf.if %cond3A_47 {
        %mul3A_48 = arith.constant 128 : i32
        %mul3A_49 = arith.muli %add3A_20, %mul3A_48 : i32
        %dma_wait3A = arith.constant 0 : i32
        %dma_wait3A_50 = arith.constant 0 : i32
        %dma_wait3A_51 = tpu.memref_slice %arg2[%dma_wait3A, %dma_wait3A_50] : memref<10240x128xf32, #tpu.memory_space<hbm>> -> memref<10240x128xf32, #tpu.memory_space<hbm>>
        tpu.wait_indirect_dma semaphore(%arg26 : memref<!tpu.dma_semaphore, #tpu.memory_space<semaphore_mem>>) src(%dma_wait3A_51 : memref<10240x128xf32, #tpu.memory_space<hbm>>) dst(%arg23 : memref<128x128xf32, #tpu.memory_space<vmem>>)
        %dma_wait3A_52 = arith.constant 0 : i32
        %dma_wait3A_53 = arith.constant 0 : i32
        %dma_wait3A_54 = tpu.memref_slice %arg3[%dma_wait3A_52, %dma_wait3A_53] : memref<10240x128xf32, #tpu.memory_space<hbm>> -> memref<10240x128xf32, #tpu.memory_space<hbm>>
        tpu.wait_indirect_dma semaphore(%arg27 : memref<!tpu.dma_semaphore, #tpu.memory_space<semaphore_mem>>) src(%dma_wait3A_54 : memref<10240x128xf32, #tpu.memory_space<hbm>>) dst(%arg24 : memref<128x128xf32, #tpu.memory_space<vmem>>)
        %dma_wait3A_55 = arith.constant 0 : i32
        %dma_wait3A_56 = arith.constant 0 : i32
        %dma_wait3A_57 = tpu.memref_slice %arg7[%dma_wait3A_55, %dma_wait3A_56] : memref<320000x128xf32, #tpu.memory_space<hbm>> -> memref<320000x128xf32, #tpu.memory_space<hbm>>
        tpu.wait_indirect_dma semaphore(%arg28 : memref<!tpu.dma_semaphore, #tpu.memory_space<semaphore_mem>>) src(%dma_wait3A_57 : memref<320000x128xf32, #tpu.memory_space<hbm>>) dst(%arg25 : memref<128x128xf32, #tpu.memory_space<vmem>>)
        "tpu.region"() ({
          %run_scoped3A = tpu.sem_alloc : memref<!tpu.dma_semaphore, #tpu.memory_space<semaphore_mem>>
          %dma_start3A = arith.constant 0 : i32
          %dma_start3A_58 = tpu.memref_slice %arg8[%mul3A_49, %dma_start3A] : memref<80000x128xf32, #tpu.memory_space<hbm>> -> memref<128x128xf32, #tpu.memory_space<hbm>>
          %dma_start3A_59 = arith.constant 0 : i32
          %dma_start3A_60 = tpu.memref_slice %arg8[%mul3A_49, %dma_start3A_59] : memref<80000x128xf32, #tpu.memory_space<hbm>> -> memref<128x128xf32, #tpu.memory_space<hbm>>
          tpu.enqueue_dma source(%arg23 : memref<128x128xf32, #tpu.memory_space<vmem>>) target(%dma_start3A_60 : memref<128x128xf32, #tpu.memory_space<hbm>>) target_semaphore(%run_scoped3A : memref<!tpu.dma_semaphore, #tpu.memory_space<semaphore_mem>>)
          %dma_wait3A_61 = arith.constant 0 : i32
          %dma_wait3A_62 = tpu.memref_slice %arg8[%mul3A_49, %dma_wait3A_61] : memref<80000x128xf32, #tpu.memory_space<hbm>> -> memref<128x128xf32, #tpu.memory_space<hbm>>
          %dma_wait3A_63 = arith.constant 0 : i32
          %dma_wait3A_64 = tpu.memref_slice %arg8[%mul3A_49, %dma_wait3A_63] : memref<80000x128xf32, #tpu.memory_space<hbm>> -> memref<128x128xf32, #tpu.memory_space<hbm>>
          tpu.wait_dma2 semaphore(%run_scoped3A : memref<!tpu.dma_semaphore, #tpu.memory_space<semaphore_mem>>) src(%arg23 : memref<128x128xf32, #tpu.memory_space<vmem>>) dst(%dma_wait3A_64 : memref<128x128xf32, #tpu.memory_space<hbm>>)
          tpu.yield
        }) : () -> ()
        "tpu.region"() ({
          %run_scoped3A = tpu.sem_alloc : memref<!tpu.dma_semaphore, #tpu.memory_space<semaphore_mem>>
          %dma_start3A = arith.constant 0 : i32
          %dma_start3A_58 = tpu.memref_slice %arg9[%mul3A_49, %dma_start3A] : memref<80000x128xf32, #tpu.memory_space<hbm>> -> memref<128x128xf32, #tpu.memory_space<hbm>>
          %dma_start3A_59 = arith.constant 0 : i32
          %dma_start3A_60 = tpu.memref_slice %arg9[%mul3A_49, %dma_start3A_59] : memref<80000x128xf32, #tpu.memory_space<hbm>> -> memref<128x128xf32, #tpu.memory_space<hbm>>
          tpu.enqueue_dma source(%arg24 : memref<128x128xf32, #tpu.memory_space<vmem>>) target(%dma_start3A_60 : memref<128x128xf32, #tpu.memory_space<hbm>>) target_semaphore(%run_scoped3A : memref<!tpu.dma_semaphore, #tpu.memory_space<semaphore_mem>>)
          %dma_wait3A_61 = arith.constant 0 : i32
          %dma_wait3A_62 = tpu.memref_slice %arg9[%mul3A_49, %dma_wait3A_61] : memref<80000x128xf32, #tpu.memory_space<hbm>> -> memref<128x128xf32, #tpu.memory_space<hbm>>
          %dma_wait3A_63 = arith.constant 0 : i32
          %dma_wait3A_64 = tpu.memref_slice %arg9[%mul3A_49, %dma_wait3A_63] : memref<80000x128xf32, #tpu.memory_space<hbm>> -> memref<128x128xf32, #tpu.memory_space<hbm>>
          tpu.wait_dma2 semaphore(%run_scoped3A : memref<!tpu.dma_semaphore, #tpu.memory_space<semaphore_mem>>) src(%arg24 : memref<128x128xf32, #tpu.memory_space<vmem>>) dst(%dma_wait3A_64 : memref<128x128xf32, #tpu.memory_space<hbm>>)
          tpu.yield
        }) : () -> ()
        "tpu.region"() ({
          %run_scoped3A = tpu.sem_alloc : memref<!tpu.dma_semaphore, #tpu.memory_space<semaphore_mem>>
          %dma_start3A = arith.constant 0 : i32
          %dma_start3A_58 = tpu.memref_slice %arg10[%mul3A_49, %dma_start3A] : memref<80000x128xf32, #tpu.memory_space<hbm>> -> memref<128x128xf32, #tpu.memory_space<hbm>>
          %dma_start3A_59 = arith.constant 0 : i32
          %dma_start3A_60 = tpu.memref_slice %arg10[%mul3A_49, %dma_start3A_59] : memref<80000x128xf32, #tpu.memory_space<hbm>> -> memref<128x128xf32, #tpu.memory_space<hbm>>
          tpu.enqueue_dma source(%arg25 : memref<128x128xf32, #tpu.memory_space<vmem>>) target(%dma_start3A_60 : memref<128x128xf32, #tpu.memory_space<hbm>>) target_semaphore(%run_scoped3A : memref<!tpu.dma_semaphore, #tpu.memory_space<semaphore_mem>>)
          %dma_wait3A_61 = arith.constant 0 : i32
          %dma_wait3A_62 = tpu.memref_slice %arg10[%mul3A_49, %dma_wait3A_61] : memref<80000x128xf32, #tpu.memory_space<hbm>> -> memref<128x128xf32, #tpu.memory_space<hbm>>
          %dma_wait3A_63 = arith.constant 0 : i32
          %dma_wait3A_64 = tpu.memref_slice %arg10[%mul3A_49, %dma_wait3A_63] : memref<80000x128xf32, #tpu.memory_space<hbm>> -> memref<128x128xf32, #tpu.memory_space<hbm>>
          tpu.wait_dma2 semaphore(%run_scoped3A : memref<!tpu.dma_semaphore, #tpu.memory_space<semaphore_mem>>) src(%arg25 : memref<128x128xf32, #tpu.memory_space<vmem>>) dst(%dma_wait3A_64 : memref<128x128xf32, #tpu.memory_space<hbm>>)
          tpu.yield
        }) : () -> ()
      } else {
      }
    }
    %scan3A_5 = arith.constant 10 : i32
    return
  }
}

#map = affine_map<(d0, d1) -> (0, 0)>
#map1 = affine_map<(d0, d1) -> (0)>
module attributes {stable_mosaic.version = 14 : i64} {
  func.func @_sc_actor_gather_body(%arg0: i32, %arg1: i32, %arg2: memref<10240x128xf32, #tpu.memory_space<hbm>>, %arg3: memref<10240x128xf32, #tpu.memory_space<hbm>>, %arg4: memref<320000xi32, #tpu.memory_space<hbm>>, %arg5: memref<320000xi32, #tpu.memory_space<hbm>>, %arg6: memref<80000xi32, #tpu.memory_space<hbm>>, %arg7: memref<320000x128xf32, #tpu.memory_space<hbm>>, %arg8: memref<80000x128xf32, #tpu.memory_space<hbm>>, %arg9: memref<80000x128xf32, #tpu.memory_space<hbm>>, %arg10: memref<80000x128xf32, #tpu.memory_space<hbm>>, %arg11: memref<128xi32, #tpu.memory_space<vmem>>, %arg12: memref<128xi32, #tpu.memory_space<vmem>>, %arg13: memref<128xi32, #tpu.memory_space<vmem>>, %arg14: memref<128x128xf32, #tpu.memory_space<vmem>>, %arg15: memref<128x128xf32, #tpu.memory_space<vmem>>, %arg16: memref<128x128xf32, #tpu.memory_space<vmem>>, %arg17: memref<!tpu.dma_semaphore, #tpu.memory_space<semaphore_mem>>, %arg18: memref<!tpu.dma_semaphore, #tpu.memory_space<semaphore_mem>>, %arg19: memref<!tpu.dma_semaphore, #tpu.memory_space<semaphore_mem>>, %arg20: memref<128xi32, #tpu.memory_space<vmem>>, %arg21: memref<128xi32, #tpu.memory_space<vmem>>, %arg22: memref<128xi32, #tpu.memory_space<vmem>>, %arg23: memref<128x128xf32, #tpu.memory_space<vmem>>, %arg24: memref<128x128xf32, #tpu.memory_space<vmem>>, %arg25: memref<128x128xf32, #tpu.memory_space<vmem>>, %arg26: memref<!tpu.dma_semaphore, #tpu.memory_space<semaphore_mem>>, %arg27: memref<!tpu.dma_semaphore, #tpu.memory_space<semaphore_mem>>, %arg28: memref<!tpu.dma_semaphore, #tpu.memory_space<semaphore_mem>>) attributes {dimension_semantics = [#tpu.dimension_semantics<core_parallel>, #tpu.dimension_semantics<subcore_parallel>], iteration_bounds = array<i64: 2, 16>, scalar_prefetch = 0 : i64, scratch_operands = 18 : i64, tpu.core_type = #tpu.core_type<sc_vector_subcore>, window_params = [{transform_indices = #map}, {transform_indices = #map}, {transform_indices = #map1}, {transform_indices = #map1}, {transform_indices = #map1}, {transform_indices = #map}, {transform_indices = #map}, {transform_indices = #map}, {transform_indices = #map}]} {
    %mul3A = arith.constant 2 : i32
    %mul3A_0 = arith.muli %arg1, %mul3A : i32
    %add3A = arith.addi %mul3A_0, %arg0 : i32
    %scan3A = arith.constant 0 : i32
    %scan3A_1 = arith.constant 0 : i32
    %scan3A_2 = arith.constant 10 : i32
    %scan3A_3 = arith.addi %scan3A_1, %scan3A_2 : i32
    %scan3A_4 = arith.constant 1 : i32
    scf.for %scan3A_6 = %scan3A_1 to %scan3A_3 step %scan3A_4  : i32 {
      %mul3A_7 = arith.constant 2 : i32
      %mul3A_8 = arith.muli %scan3A_6, %mul3A_7 : i32
      %add3A_9 = arith.constant 0 : i32
      %add3A_10 = arith.addi %mul3A_8, %add3A_9 : i32
      %mul3A_11 = arith.constant 32 : i32
      %mul3A_12 = arith.muli %add3A_10, %mul3A_11 : i32
      %add3A_13 = arith.addi %mul3A_12, %add3A : i32
      %mul3A_14 = arith.constant 2 : i32
      %mul3A_15 = arith.muli %scan3A_6, %mul3A_14 : i32
      %add3A_16 = arith.constant 1 : i32
      %add3A_17 = arith.addi %mul3A_15, %add3A_16 : i32
      %mul3A_18 = arith.constant 32 : i32
      %mul3A_19 = arith.muli %add3A_17, %mul3A_18 : i32
      %add3A_20 = arith.addi %mul3A_19, %add3A : i32
      %lt3A = arith.constant 625 : i32
      %lt3A_21 = arith.cmpi slt, %add3A_13, %lt3A : i32
      %convert_element_type3A = arith.extui %lt3A_21 : i1 to i32
      %cond3A = arith.constant 0 : i32
      %cond3A_22 = arith.cmpi ne, %convert_element_type3A, %cond3A : i32
      scf.if %cond3A_22 {
        %mul3A_48 = arith.constant 128 : i32
        %mul3A_49 = arith.muli %add3A_13, %mul3A_48 : i32
        "tpu.region"() ({
          %run_scoped3A = tpu.sem_alloc : memref<!tpu.dma_semaphore, #tpu.memory_space<semaphore_mem>>
          %dma_start3A_56 = tpu.memref_slice %arg6[%mul3A_49] : memref<80000xi32, #tpu.memory_space<hbm>> -> memref<128xi32, #tpu.memory_space<hbm>>
          %dma_start3A_57 = tpu.memref_slice %arg6[%mul3A_49] : memref<80000xi32, #tpu.memory_space<hbm>> -> memref<128xi32, #tpu.memory_space<hbm>>
          tpu.enqueue_dma source(%dma_start3A_57 : memref<128xi32, #tpu.memory_space<hbm>>) target(%arg11 : memref<128xi32, #tpu.memory_space<vmem>>) target_semaphore(%run_scoped3A : memref<!tpu.dma_semaphore, #tpu.memory_space<semaphore_mem>>)
          %dma_wait3A = tpu.memref_slice %arg6[%mul3A_49] : memref<80000xi32, #tpu.memory_space<hbm>> -> memref<128xi32, #tpu.memory_space<hbm>>
          %dma_wait3A_58 = tpu.memref_slice %arg6[%mul3A_49] : memref<80000xi32, #tpu.memory_space<hbm>> -> memref<128xi32, #tpu.memory_space<hbm>>
          tpu.wait_dma2 semaphore(%run_scoped3A : memref<!tpu.dma_semaphore, #tpu.memory_space<semaphore_mem>>) src(%dma_wait3A_58 : memref<128xi32, #tpu.memory_space<hbm>>) dst(%arg11 : memref<128xi32, #tpu.memory_space<vmem>>)
          tpu.yield
        }) : () -> ()
        %dma_start3A = arith.constant 0 : i32
        %dma_start3A_50 = tpu.memref_slice %arg4[%dma_start3A] : memref<320000xi32, #tpu.memory_space<hbm>> -> memref<320000xi32, #tpu.memory_space<hbm>>
        tpu.enqueue_indirect_dma source(%dma_start3A_50 : memref<320000xi32, #tpu.memory_space<hbm>>) target(%arg12 : memref<128xi32, #tpu.memory_space<vmem>>) offsets(%arg11 : memref<128xi32, #tpu.memory_space<vmem>>) semaphore(%arg17 : memref<!tpu.dma_semaphore, #tpu.memory_space<semaphore_mem>>)
        %dma_start3A_51 = arith.constant 0 : i32
        %dma_start3A_52 = tpu.memref_slice %arg5[%dma_start3A_51] : memref<320000xi32, #tpu.memory_space<hbm>> -> memref<320000xi32, #tpu.memory_space<hbm>>
        tpu.enqueue_indirect_dma source(%dma_start3A_52 : memref<320000xi32, #tpu.memory_space<hbm>>) target(%arg13 : memref<128xi32, #tpu.memory_space<vmem>>) offsets(%arg11 : memref<128xi32, #tpu.memory_space<vmem>>) semaphore(%arg18 : memref<!tpu.dma_semaphore, #tpu.memory_space<semaphore_mem>>)
        %dma_start3A_53 = arith.constant 0 : i32
        %dma_start3A_54 = arith.constant 0 : i32
        %dma_start3A_55 = tpu.memref_slice %arg7[%dma_start3A_53, %dma_start3A_54] : memref<320000x128xf32, #tpu.memory_space<hbm>> -> memref<320000x128xf32, #tpu.memory_space<hbm>>
        tpu.enqueue_indirect_dma source(%dma_start3A_55 : memref<320000x128xf32, #tpu.memory_space<hbm>>) target(%arg16 : memref<128x128xf32, #tpu.memory_space<vmem>>) offsets(%arg11 : memref<128xi32, #tpu.memory_space<vmem>>) semaphore(%arg19 : memref<!tpu.dma_semaphore, #tpu.memory_space<semaphore_mem>>)
      } else {
      }
      %lt3A_23 = arith.constant 625 : i32
      %lt3A_24 = arith.cmpi slt, %add3A_20, %lt3A_23 : i32
      %convert_element_type3A_25 = arith.extui %lt3A_24 : i1 to i32
      %cond3A_26 = arith.constant 0 : i32
      %cond3A_27 = arith.cmpi ne, %convert_element_type3A_25, %cond3A_26 : i32
      scf.if %cond3A_27 {
        %mul3A_48 = arith.constant 128 : i32
        %mul3A_49 = arith.muli %add3A_20, %mul3A_48 : i32
        "tpu.region"() ({
          %run_scoped3A = tpu.sem_alloc : memref<!tpu.dma_semaphore, #tpu.memory_space<semaphore_mem>>
          %dma_start3A_56 = tpu.memref_slice %arg6[%mul3A_49] : memref<80000xi32, #tpu.memory_space<hbm>> -> memref<128xi32, #tpu.memory_space<hbm>>
          %dma_start3A_57 = tpu.memref_slice %arg6[%mul3A_49] : memref<80000xi32, #tpu.memory_space<hbm>> -> memref<128xi32, #tpu.memory_space<hbm>>
          tpu.enqueue_dma source(%dma_start3A_57 : memref<128xi32, #tpu.memory_space<hbm>>) target(%arg20 : memref<128xi32, #tpu.memory_space<vmem>>) target_semaphore(%run_scoped3A : memref<!tpu.dma_semaphore, #tpu.memory_space<semaphore_mem>>)
          %dma_wait3A = tpu.memref_slice %arg6[%mul3A_49] : memref<80000xi32, #tpu.memory_space<hbm>> -> memref<128xi32, #tpu.memory_space<hbm>>
          %dma_wait3A_58 = tpu.memref_slice %arg6[%mul3A_49] : memref<80000xi32, #tpu.memory_space<hbm>> -> memref<128xi32, #tpu.memory_space<hbm>>
          tpu.wait_dma2 semaphore(%run_scoped3A : memref<!tpu.dma_semaphore, #tpu.memory_space<semaphore_mem>>) src(%dma_wait3A_58 : memref<128xi32, #tpu.memory_space<hbm>>) dst(%arg20 : memref<128xi32, #tpu.memory_space<vmem>>)
          tpu.yield
        }) : () -> ()
        %dma_start3A = arith.constant 0 : i32
        %dma_start3A_50 = tpu.memref_slice %arg4[%dma_start3A] : memref<320000xi32, #tpu.memory_space<hbm>> -> memref<320000xi32, #tpu.memory_space<hbm>>
        tpu.enqueue_indirect_dma source(%dma_start3A_50 : memref<320000xi32, #tpu.memory_space<hbm>>) target(%arg21 : memref<128xi32, #tpu.memory_space<vmem>>) offsets(%arg20 : memref<128xi32, #tpu.memory_space<vmem>>) semaphore(%arg26 : memref<!tpu.dma_semaphore, #tpu.memory_space<semaphore_mem>>)
        %dma_start3A_51 = arith.constant 0 : i32
        %dma_start3A_52 = tpu.memref_slice %arg5[%dma_start3A_51] : memref<320000xi32, #tpu.memory_space<hbm>> -> memref<320000xi32, #tpu.memory_space<hbm>>
        tpu.enqueue_indirect_dma source(%dma_start3A_52 : memref<320000xi32, #tpu.memory_space<hbm>>) target(%arg22 : memref<128xi32, #tpu.memory_space<vmem>>) offsets(%arg20 : memref<128xi32, #tpu.memory_space<vmem>>) semaphore(%arg27 : memref<!tpu.dma_semaphore, #tpu.memory_space<semaphore_mem>>)
        %dma_start3A_53 = arith.constant 0 : i32
        %dma_start3A_54 = arith.constant 0 : i32
        %dma_start3A_55 = tpu.memref_slice %arg7[%dma_start3A_53, %dma_start3A_54] : memref<320000x128xf32, #tpu.memory_space<hbm>> -> memref<320000x128xf32, #tpu.memory_space<hbm>>
        tpu.enqueue_indirect_dma source(%dma_start3A_55 : memref<320000x128xf32, #tpu.memory_space<hbm>>) target(%arg25 : memref<128x128xf32, #tpu.memory_space<vmem>>) offsets(%arg20 : memref<128xi32, #tpu.memory_space<vmem>>) semaphore(%arg28 : memref<!tpu.dma_semaphore, #tpu.memory_space<semaphore_mem>>)
      } else {
      }
      %lt3A_28 = arith.constant 625 : i32
      %lt3A_29 = arith.cmpi slt, %add3A_13, %lt3A_28 : i32
      %convert_element_type3A_30 = arith.extui %lt3A_29 : i1 to i32
      %cond3A_31 = arith.constant 0 : i32
      %cond3A_32 = arith.cmpi ne, %convert_element_type3A_30, %cond3A_31 : i32
      scf.if %cond3A_32 {
        %dma_wait3A = arith.constant 0 : i32
        %dma_wait3A_48 = tpu.memref_slice %arg4[%dma_wait3A] : memref<320000xi32, #tpu.memory_space<hbm>> -> memref<320000xi32, #tpu.memory_space<hbm>>
        tpu.wait_indirect_dma semaphore(%arg17 : memref<!tpu.dma_semaphore, #tpu.memory_space<semaphore_mem>>) src(%dma_wait3A_48 : memref<320000xi32, #tpu.memory_space<hbm>>) dst(%arg12 : memref<128xi32, #tpu.memory_space<vmem>>)
        %dma_wait3A_49 = arith.constant 0 : i32
        %dma_wait3A_50 = tpu.memref_slice %arg5[%dma_wait3A_49] : memref<320000xi32, #tpu.memory_space<hbm>> -> memref<320000xi32, #tpu.memory_space<hbm>>
        tpu.wait_indirect_dma semaphore(%arg18 : memref<!tpu.dma_semaphore, #tpu.memory_space<semaphore_mem>>) src(%dma_wait3A_50 : memref<320000xi32, #tpu.memory_space<hbm>>) dst(%arg13 : memref<128xi32, #tpu.memory_space<vmem>>)
        %dma_start3A = arith.constant 0 : i32
        %dma_start3A_51 = arith.constant 0 : i32
        %dma_start3A_52 = tpu.memref_slice %arg2[%dma_start3A, %dma_start3A_51] : memref<10240x128xf32, #tpu.memory_space<hbm>> -> memref<10240x128xf32, #tpu.memory_space<hbm>>
        tpu.enqueue_indirect_dma source(%dma_start3A_52 : memref<10240x128xf32, #tpu.memory_space<hbm>>) target(%arg14 : memref<128x128xf32, #tpu.memory_space<vmem>>) offsets(%arg12 : memref<128xi32, #tpu.memory_space<vmem>>) semaphore(%arg17 : memref<!tpu.dma_semaphore, #tpu.memory_space<semaphore_mem>>)
        %dma_start3A_53 = arith.constant 0 : i32
        %dma_start3A_54 = arith.constant 0 : i32
        %dma_start3A_55 = tpu.memref_slice %arg3[%dma_start3A_53, %dma_start3A_54] : memref<10240x128xf32, #tpu.memory_space<hbm>> -> memref<10240x128xf32, #tpu.memory_space<hbm>>
        tpu.enqueue_indirect_dma source(%dma_start3A_55 : memref<10240x128xf32, #tpu.memory_space<hbm>>) target(%arg15 : memref<128x128xf32, #tpu.memory_space<vmem>>) offsets(%arg13 : memref<128xi32, #tpu.memory_space<vmem>>) semaphore(%arg18 : memref<!tpu.dma_semaphore, #tpu.memory_space<semaphore_mem>>)
      } else {
      }
      %lt3A_33 = arith.constant 625 : i32
      %lt3A_34 = arith.cmpi slt, %add3A_20, %lt3A_33 : i32
      %convert_element_type3A_35 = arith.extui %lt3A_34 : i1 to i32
      %cond3A_36 = arith.constant 0 : i32
      %cond3A_37 = arith.cmpi ne, %convert_element_type3A_35, %cond3A_36 : i32
      scf.if %cond3A_37 {
        %dma_wait3A = arith.constant 0 : i32
        %dma_wait3A_48 = tpu.memref_slice %arg4[%dma_wait3A] : memref<320000xi32, #tpu.memory_space<hbm>> -> memref<320000xi32, #tpu.memory_space<hbm>>
        tpu.wait_indirect_dma semaphore(%arg26 : memref<!tpu.dma_semaphore, #tpu.memory_space<semaphore_mem>>) src(%dma_wait3A_48 : memref<320000xi32, #tpu.memory_space<hbm>>) dst(%arg21 : memref<128xi32, #tpu.memory_space<vmem>>)
        %dma_wait3A_49 = arith.constant 0 : i32
        %dma_wait3A_50 = tpu.memref_slice %arg5[%dma_wait3A_49] : memref<320000xi32, #tpu.memory_space<hbm>> -> memref<320000xi32, #tpu.memory_space<hbm>>
        tpu.wait_indirect_dma semaphore(%arg27 : memref<!tpu.dma_semaphore, #tpu.memory_space<semaphore_mem>>) src(%dma_wait3A_50 : memref<320000xi32, #tpu.memory_space<hbm>>) dst(%arg22 : memref<128xi32, #tpu.memory_space<vmem>>)
        %dma_start3A = arith.constant 0 : i32
        %dma_start3A_51 = arith.constant 0 : i32
        %dma_start3A_52 = tpu.memref_slice %arg2[%dma_start3A, %dma_start3A_51] : memref<10240x128xf32, #tpu.memory_space<hbm>> -> memref<10240x128xf32, #tpu.memory_space<hbm>>
        tpu.enqueue_indirect_dma source(%dma_start3A_52 : memref<10240x128xf32, #tpu.memory_space<hbm>>) target(%arg23 : memref<128x128xf32, #tpu.memory_space<vmem>>) offsets(%arg21 : memref<128xi32, #tpu.memory_space<vmem>>) semaphore(%arg26 : memref<!tpu.dma_semaphore, #tpu.memory_space<semaphore_mem>>)
        %dma_start3A_53 = arith.constant 0 : i32
        %dma_start3A_54 = arith.constant 0 : i32
        %dma_start3A_55 = tpu.memref_slice %arg3[%dma_start3A_53, %dma_start3A_54] : memref<10240x128xf32, #tpu.memory_space<hbm>> -> memref<10240x128xf32, #tpu.memory_space<hbm>>
        tpu.enqueue_indirect_dma source(%dma_start3A_55 : memref<10240x128xf32, #tpu.memory_space<hbm>>) target(%arg24 : memref<128x128xf32, #tpu.memory_space<vmem>>) offsets(%arg22 : memref<128xi32, #tpu.memory_space<vmem>>) semaphore(%arg27 : memref<!tpu.dma_semaphore, #tpu.memory_space<semaphore_mem>>)
      } else {
      }
      %lt3A_38 = arith.constant 625 : i32
      %lt3A_39 = arith.cmpi slt, %add3A_13, %lt3A_38 : i32
      %convert_element_type3A_40 = arith.extui %lt3A_39 : i1 to i32
      %cond3A_41 = arith.constant 0 : i32
      %cond3A_42 = arith.cmpi ne, %convert_element_type3A_40, %cond3A_41 : i32
      scf.if %cond3A_42 {
        %mul3A_48 = arith.constant 128 : i32
        %mul3A_49 = arith.muli %add3A_13, %mul3A_48 : i32
        %dma_wait3A = arith.constant 0 : i32
        %dma_wait3A_50 = arith.constant 0 : i32
        %dma_wait3A_51 = tpu.memref_slice %arg2[%dma_wait3A, %dma_wait3A_50] : memref<10240x128xf32, #tpu.memory_space<hbm>> -> memref<10240x128xf32, #tpu.memory_space<hbm>>
        tpu.wait_indirect_dma semaphore(%arg17 : memref<!tpu.dma_semaphore, #tpu.memory_space<semaphore_mem>>) src(%dma_wait3A_51 : memref<10240x128xf32, #tpu.memory_space<hbm>>) dst(%arg14 : memref<128x128xf32, #tpu.memory_space<vmem>>)
        %dma_wait3A_52 = arith.constant 0 : i32
        %dma_wait3A_53 = arith.constant 0 : i32
        %dma_wait3A_54 = tpu.memref_slice %arg3[%dma_wait3A_52, %dma_wait3A_53] : memref<10240x128xf32, #tpu.memory_space<hbm>> -> memref<10240x128xf32, #tpu.memory_space<hbm>>
        tpu.wait_indirect_dma semaphore(%arg18 : memref<!tpu.dma_semaphore, #tpu.memory_space<semaphore_mem>>) src(%dma_wait3A_54 : memref<10240x128xf32, #tpu.memory_space<hbm>>) dst(%arg15 : memref<128x128xf32, #tpu.memory_space<vmem>>)
        %dma_wait3A_55 = arith.constant 0 : i32
        %dma_wait3A_56 = arith.constant 0 : i32
        %dma_wait3A_57 = tpu.memref_slice %arg7[%dma_wait3A_55, %dma_wait3A_56] : memref<320000x128xf32, #tpu.memory_space<hbm>> -> memref<320000x128xf32, #tpu.memory_space<hbm>>
        tpu.wait_indirect_dma semaphore(%arg19 : memref<!tpu.dma_semaphore, #tpu.memory_space<semaphore_mem>>) src(%dma_wait3A_57 : memref<320000x128xf32, #tpu.memory_space<hbm>>) dst(%arg16 : memref<128x128xf32, #tpu.memory_space<vmem>>)
        "tpu.region"() ({
          %run_scoped3A = tpu.sem_alloc : memref<!tpu.dma_semaphore, #tpu.memory_space<semaphore_mem>>
          %dma_start3A = arith.constant 0 : i32
          %dma_start3A_58 = tpu.memref_slice %arg8[%mul3A_49, %dma_start3A] : memref<80000x128xf32, #tpu.memory_space<hbm>> -> memref<128x128xf32, #tpu.memory_space<hbm>>
          %dma_start3A_59 = arith.constant 0 : i32
          %dma_start3A_60 = tpu.memref_slice %arg8[%mul3A_49, %dma_start3A_59] : memref<80000x128xf32, #tpu.memory_space<hbm>> -> memref<128x128xf32, #tpu.memory_space<hbm>>
          tpu.enqueue_dma source(%arg14 : memref<128x128xf32, #tpu.memory_space<vmem>>) target(%dma_start3A_60 : memref<128x128xf32, #tpu.memory_space<hbm>>) target_semaphore(%run_scoped3A : memref<!tpu.dma_semaphore, #tpu.memory_space<semaphore_mem>>)
          %dma_wait3A_61 = arith.constant 0 : i32
          %dma_wait3A_62 = tpu.memref_slice %arg8[%mul3A_49, %dma_wait3A_61] : memref<80000x128xf32, #tpu.memory_space<hbm>> -> memref<128x128xf32, #tpu.memory_space<hbm>>
          %dma_wait3A_63 = arith.constant 0 : i32
          %dma_wait3A_64 = tpu.memref_slice %arg8[%mul3A_49, %dma_wait3A_63] : memref<80000x128xf32, #tpu.memory_space<hbm>> -> memref<128x128xf32, #tpu.memory_space<hbm>>
          tpu.wait_dma2 semaphore(%run_scoped3A : memref<!tpu.dma_semaphore, #tpu.memory_space<semaphore_mem>>) src(%arg14 : memref<128x128xf32, #tpu.memory_space<vmem>>) dst(%dma_wait3A_64 : memref<128x128xf32, #tpu.memory_space<hbm>>)
          tpu.yield
        }) : () -> ()
        "tpu.region"() ({
          %run_scoped3A = tpu.sem_alloc : memref<!tpu.dma_semaphore, #tpu.memory_space<semaphore_mem>>
          %dma_start3A = arith.constant 0 : i32
          %dma_start3A_58 = tpu.memref_slice %arg9[%mul3A_49, %dma_start3A] : memref<80000x128xf32, #tpu.memory_space<hbm>> -> memref<128x128xf32, #tpu.memory_space<hbm>>
          %dma_start3A_59 = arith.constant 0 : i32
          %dma_start3A_60 = tpu.memref_slice %arg9[%mul3A_49, %dma_start3A_59] : memref<80000x128xf32, #tpu.memory_space<hbm>> -> memref<128x128xf32, #tpu.memory_space<hbm>>
          tpu.enqueue_dma source(%arg15 : memref<128x128xf32, #tpu.memory_space<vmem>>) target(%dma_start3A_60 : memref<128x128xf32, #tpu.memory_space<hbm>>) target_semaphore(%run_scoped3A : memref<!tpu.dma_semaphore, #tpu.memory_space<semaphore_mem>>)
          %dma_wait3A_61 = arith.constant 0 : i32
          %dma_wait3A_62 = tpu.memref_slice %arg9[%mul3A_49, %dma_wait3A_61] : memref<80000x128xf32, #tpu.memory_space<hbm>> -> memref<128x128xf32, #tpu.memory_space<hbm>>
          %dma_wait3A_63 = arith.constant 0 : i32
          %dma_wait3A_64 = tpu.memref_slice %arg9[%mul3A_49, %dma_wait3A_63] : memref<80000x128xf32, #tpu.memory_space<hbm>> -> memref<128x128xf32, #tpu.memory_space<hbm>>
          tpu.wait_dma2 semaphore(%run_scoped3A : memref<!tpu.dma_semaphore, #tpu.memory_space<semaphore_mem>>) src(%arg15 : memref<128x128xf32, #tpu.memory_space<vmem>>) dst(%dma_wait3A_64 : memref<128x128xf32, #tpu.memory_space<hbm>>)
          tpu.yield
        }) : () -> ()
        "tpu.region"() ({
          %run_scoped3A = tpu.sem_alloc : memref<!tpu.dma_semaphore, #tpu.memory_space<semaphore_mem>>
          %dma_start3A = arith.constant 0 : i32
          %dma_start3A_58 = tpu.memref_slice %arg10[%mul3A_49, %dma_start3A] : memref<80000x128xf32, #tpu.memory_space<hbm>> -> memref<128x128xf32, #tpu.memory_space<hbm>>
          %dma_start3A_59 = arith.constant 0 : i32
          %dma_start3A_60 = tpu.memref_slice %arg10[%mul3A_49, %dma_start3A_59] : memref<80000x128xf32, #tpu.memory_space<hbm>> -> memref<128x128xf32, #tpu.memory_space<hbm>>
          tpu.enqueue_dma source(%arg16 : memref<128x128xf32, #tpu.memory_space<vmem>>) target(%dma_start3A_60 : memref<128x128xf32, #tpu.memory_space<hbm>>) target_semaphore(%run_scoped3A : memref<!tpu.dma_semaphore, #tpu.memory_space<semaphore_mem>>)
          %dma_wait3A_61 = arith.constant 0 : i32
          %dma_wait3A_62 = tpu.memref_slice %arg10[%mul3A_49, %dma_wait3A_61] : memref<80000x128xf32, #tpu.memory_space<hbm>> -> memref<128x128xf32, #tpu.memory_space<hbm>>
          %dma_wait3A_63 = arith.constant 0 : i32
          %dma_wait3A_64 = tpu.memref_slice %arg10[%mul3A_49, %dma_wait3A_63] : memref<80000x128xf32, #tpu.memory_space<hbm>> -> memref<128x128xf32, #tpu.memory_space<hbm>>
          tpu.wait_dma2 semaphore(%run_scoped3A : memref<!tpu.dma_semaphore, #tpu.memory_space<semaphore_mem>>) src(%arg16 : memref<128x128xf32, #tpu.memory_space<vmem>>) dst(%dma_wait3A_64 : memref<128x128xf32, #tpu.memory_space<hbm>>)
          tpu.yield
        }) : () -> ()
      } else {
      }
      %lt3A_43 = arith.constant 625 : i32
      %lt3A_44 = arith.cmpi slt, %add3A_20, %lt3A_43 : i32
      %convert_element_type3A_45 = arith.extui %lt3A_44 : i1 to i32
      %cond3A_46 = arith.constant 0 : i32
      %cond3A_47 = arith.cmpi ne, %convert_element_type3A_45, %cond3A_46 : i32
      scf.if %cond3A_47 {
        %mul3A_48 = arith.constant 128 : i32
        %mul3A_49 = arith.muli %add3A_20, %mul3A_48 : i32
        %dma_wait3A = arith.constant 0 : i32
        %dma_wait3A_50 = arith.constant 0 : i32
        %dma_wait3A_51 = tpu.memref_slice %arg2[%dma_wait3A, %dma_wait3A_50] : memref<10240x128xf32, #tpu.memory_space<hbm>> -> memref<10240x128xf32, #tpu.memory_space<hbm>>
        tpu.wait_indirect_dma semaphore(%arg26 : memref<!tpu.dma_semaphore, #tpu.memory_space<semaphore_mem>>) src(%dma_wait3A_51 : memref<10240x128xf32, #tpu.memory_space<hbm>>) dst(%arg23 : memref<128x128xf32, #tpu.memory_space<vmem>>)
        %dma_wait3A_52 = arith.constant 0 : i32
        %dma_wait3A_53 = arith.constant 0 : i32
        %dma_wait3A_54 = tpu.memref_slice %arg3[%dma_wait3A_52, %dma_wait3A_53] : memref<10240x128xf32, #tpu.memory_space<hbm>> -> memref<10240x128xf32, #tpu.memory_space<hbm>>
        tpu.wait_indirect_dma semaphore(%arg27 : memref<!tpu.dma_semaphore, #tpu.memory_space<semaphore_mem>>) src(%dma_wait3A_54 : memref<10240x128xf32, #tpu.memory_space<hbm>>) dst(%arg24 : memref<128x128xf32, #tpu.memory_space<vmem>>)
        %dma_wait3A_55 = arith.constant 0 : i32
        %dma_wait3A_56 = arith.constant 0 : i32
        %dma_wait3A_57 = tpu.memref_slice %arg7[%dma_wait3A_55, %dma_wait3A_56] : memref<320000x128xf32, #tpu.memory_space<hbm>> -> memref<320000x128xf32, #tpu.memory_space<hbm>>
        tpu.wait_indirect_dma semaphore(%arg28 : memref<!tpu.dma_semaphore, #tpu.memory_space<semaphore_mem>>) src(%dma_wait3A_57 : memref<320000x128xf32, #tpu.memory_space<hbm>>) dst(%arg25 : memref<128x128xf32, #tpu.memory_space<vmem>>)
        "tpu.region"() ({
          %run_scoped3A = tpu.sem_alloc : memref<!tpu.dma_semaphore, #tpu.memory_space<semaphore_mem>>
          %dma_start3A = arith.constant 0 : i32
          %dma_start3A_58 = tpu.memref_slice %arg8[%mul3A_49, %dma_start3A] : memref<80000x128xf32, #tpu.memory_space<hbm>> -> memref<128x128xf32, #tpu.memory_space<hbm>>
          %dma_start3A_59 = arith.constant 0 : i32
          %dma_start3A_60 = tpu.memref_slice %arg8[%mul3A_49, %dma_start3A_59] : memref<80000x128xf32, #tpu.memory_space<hbm>> -> memref<128x128xf32, #tpu.memory_space<hbm>>
          tpu.enqueue_dma source(%arg23 : memref<128x128xf32, #tpu.memory_space<vmem>>) target(%dma_start3A_60 : memref<128x128xf32, #tpu.memory_space<hbm>>) target_semaphore(%run_scoped3A : memref<!tpu.dma_semaphore, #tpu.memory_space<semaphore_mem>>)
          %dma_wait3A_61 = arith.constant 0 : i32
          %dma_wait3A_62 = tpu.memref_slice %arg8[%mul3A_49, %dma_wait3A_61] : memref<80000x128xf32, #tpu.memory_space<hbm>> -> memref<128x128xf32, #tpu.memory_space<hbm>>
          %dma_wait3A_63 = arith.constant 0 : i32
          %dma_wait3A_64 = tpu.memref_slice %arg8[%mul3A_49, %dma_wait3A_63] : memref<80000x128xf32, #tpu.memory_space<hbm>> -> memref<128x128xf32, #tpu.memory_space<hbm>>
          tpu.wait_dma2 semaphore(%run_scoped3A : memref<!tpu.dma_semaphore, #tpu.memory_space<semaphore_mem>>) src(%arg23 : memref<128x128xf32, #tpu.memory_space<vmem>>) dst(%dma_wait3A_64 : memref<128x128xf32, #tpu.memory_space<hbm>>)
          tpu.yield
        }) : () -> ()
        "tpu.region"() ({
          %run_scoped3A = tpu.sem_alloc : memref<!tpu.dma_semaphore, #tpu.memory_space<semaphore_mem>>
          %dma_start3A = arith.constant 0 : i32
          %dma_start3A_58 = tpu.memref_slice %arg9[%mul3A_49, %dma_start3A] : memref<80000x128xf32, #tpu.memory_space<hbm>> -> memref<128x128xf32, #tpu.memory_space<hbm>>
          %dma_start3A_59 = arith.constant 0 : i32
          %dma_start3A_60 = tpu.memref_slice %arg9[%mul3A_49, %dma_start3A_59] : memref<80000x128xf32, #tpu.memory_space<hbm>> -> memref<128x128xf32, #tpu.memory_space<hbm>>
          tpu.enqueue_dma source(%arg24 : memref<128x128xf32, #tpu.memory_space<vmem>>) target(%dma_start3A_60 : memref<128x128xf32, #tpu.memory_space<hbm>>) target_semaphore(%run_scoped3A : memref<!tpu.dma_semaphore, #tpu.memory_space<semaphore_mem>>)
          %dma_wait3A_61 = arith.constant 0 : i32
          %dma_wait3A_62 = tpu.memref_slice %arg9[%mul3A_49, %dma_wait3A_61] : memref<80000x128xf32, #tpu.memory_space<hbm>> -> memref<128x128xf32, #tpu.memory_space<hbm>>
          %dma_wait3A_63 = arith.constant 0 : i32
          %dma_wait3A_64 = tpu.memref_slice %arg9[%mul3A_49, %dma_wait3A_63] : memref<80000x128xf32, #tpu.memory_space<hbm>> -> memref<128x128xf32, #tpu.memory_space<hbm>>
          tpu.wait_dma2 semaphore(%run_scoped3A : memref<!tpu.dma_semaphore, #tpu.memory_space<semaphore_mem>>) src(%arg24 : memref<128x128xf32, #tpu.memory_space<vmem>>) dst(%dma_wait3A_64 : memref<128x128xf32, #tpu.memory_space<hbm>>)
          tpu.yield
        }) : () -> ()
        "tpu.region"() ({
          %run_scoped3A = tpu.sem_alloc : memref<!tpu.dma_semaphore, #tpu.memory_space<semaphore_mem>>
          %dma_start3A = arith.constant 0 : i32
          %dma_start3A_58 = tpu.memref_slice %arg10[%mul3A_49, %dma_start3A] : memref<80000x128xf32, #tpu.memory_space<hbm>> -> memref<128x128xf32, #tpu.memory_space<hbm>>
          %dma_start3A_59 = arith.constant 0 : i32
          %dma_start3A_60 = tpu.memref_slice %arg10[%mul3A_49, %dma_start3A_59] : memref<80000x128xf32, #tpu.memory_space<hbm>> -> memref<128x128xf32, #tpu.memory_space<hbm>>
          tpu.enqueue_dma source(%arg25 : memref<128x128xf32, #tpu.memory_space<vmem>>) target(%dma_start3A_60 : memref<128x128xf32, #tpu.memory_space<hbm>>) target_semaphore(%run_scoped3A : memref<!tpu.dma_semaphore, #tpu.memory_space<semaphore_mem>>)
          %dma_wait3A_61 = arith.constant 0 : i32
          %dma_wait3A_62 = tpu.memref_slice %arg10[%mul3A_49, %dma_wait3A_61] : memref<80000x128xf32, #tpu.memory_space<hbm>> -> memref<128x128xf32, #tpu.memory_space<hbm>>
          %dma_wait3A_63 = arith.constant 0 : i32
          %dma_wait3A_64 = tpu.memref_slice %arg10[%mul3A_49, %dma_wait3A_63] : memref<80000x128xf32, #tpu.memory_space<hbm>> -> memref<128x128xf32, #tpu.memory_space<hbm>>
          tpu.wait_dma2 semaphore(%run_scoped3A : memref<!tpu.dma_semaphore, #tpu.memory_space<semaphore_mem>>) src(%arg25 : memref<128x128xf32, #tpu.memory_space<vmem>>) dst(%dma_wait3A_64 : memref<128x128xf32, #tpu.memory_space<hbm>>)
          tpu.yield
        }) : () -> ()
      } else {
      }
    }
    %scan3A_5 = arith.constant 10 : i32
    return
  }
}

module attributes {stable_mosaic.version = 14 : i64} {
  func.func @_msg_body(%arg0: i32, %arg1: memref<2000x128xf32, #tpu.memory_space<vmem>>, %arg2: memref<2000x128xf32, #tpu.memory_space<vmem>>, %arg3: memref<2000x16xf32, #tpu.memory_space<vmem>>, %arg4: memref<272x128xf32, #tpu.memory_space<vmem>>, %arg5: memref<1x128xf32, #tpu.memory_space<vmem>>, %arg6: memref<128x128xf32, #tpu.memory_space<vmem>>, %arg7: memref<1x128xf32, #tpu.memory_space<vmem>>, %arg8: memref<2000x128xf32, #tpu.memory_space<vmem>>) attributes {dimension_semantics = [#tpu.dimension_semantics<arbitrary>], iteration_bounds = array<i64: 160>, scalar_prefetch = 0 : i64, scratch_operands = 0 : i64, tpu.core_type = #tpu.core_type<tc>, window_params = [{transform_indices = @transform_0, window_bounds = array<i64: 2000, 128>}, {transform_indices = @transform_1, window_bounds = array<i64: 2000, 128>}, {transform_indices = @transform_2, window_bounds = array<i64: 2000, 16>}, {pipeline_mode = #tpu.pipeline_mode<synchronous>, transform_indices = @transform_3, window_bounds = array<i64: 272, 128>}, {pipeline_mode = #tpu.pipeline_mode<synchronous>, transform_indices = @transform_4, window_bounds = array<i64: 1, 128>}, {pipeline_mode = #tpu.pipeline_mode<synchronous>, transform_indices = @transform_5, window_bounds = array<i64: 128, 128>}, {pipeline_mode = #tpu.pipeline_mode<synchronous>, transform_indices = @transform_6, window_bounds = array<i64: 1, 128>}, {transform_indices = @transform_7, window_bounds = array<i64: 2000, 128>}]} {
    %get3A = arith.constant 0 : index
    %get3A_0 = arith.constant 0 : index
    %get3A_1 = vector.load %arg1[%get3A, %get3A_0] : memref<2000x128xf32, #tpu.memory_space<vmem>>, vector<2000x128xf32>
    %get3A_2 = arith.constant 0 : index
    %get3A_3 = arith.constant 0 : index
    %get3A_4 = vector.load %arg2[%get3A_2, %get3A_3] : memref<2000x128xf32, #tpu.memory_space<vmem>>, vector<2000x128xf32>
    %get3A_5 = arith.constant 0 : index
    %get3A_6 = arith.constant 0 : index
    %get3A_7 = vector.load %arg3[%get3A_5, %get3A_6] : memref<2000x16xf32, #tpu.memory_space<vmem>>, vector<2000x16xf32>
    %concatenate3A = tpu.concatenate %get3A_1, %get3A_4, %get3A_7 in 1 : vector<2000x128xf32>, vector<2000x128xf32>, vector<2000x16xf32> -> vector<2000x272xf32>
    %get3A_8 = arith.constant 0 : index
    %get3A_9 = arith.constant 0 : index
    %get3A_10 = vector.load %arg4[%get3A_8, %get3A_9] : memref<272x128xf32, #tpu.memory_space<vmem>>, vector<272x128xf32>
    %dot_general3A = arith.constant dense<0.000000e+00> : vector<2000x128xf32>
    %dot_general3A_11 = tpu.matmul %concatenate3A, %get3A_10, %dot_general3A {dimension_numbers = #tpu.dot_dimension_numbers<[1], [0], [0], [1], [0, 0, 1, 1], [], []>, transpose_lhs_hint = false} : vector<2000x272xf32>, vector<272x128xf32>, vector<2000x128xf32> -> vector<2000x128xf32>
    %get3A_12 = arith.constant 0 : index
    %get3A_13 = arith.constant 0 : index
    %get3A_14 = vector.load %arg5[%get3A_12, %get3A_13] : memref<1x128xf32, #tpu.memory_space<vmem>>, vector<1x128xf32>
    %add3A = vector.broadcast %get3A_14 : vector<1x128xf32> to vector<2000x128xf32>
    %add3A_15 = arith.addf %dot_general3A_11, %add3A : vector<2000x128xf32>
    %max3A = arith.constant 0.000000e+00 : f32
    %max3A_16 = vector.broadcast %max3A : f32 to vector<2000x128xf32>
    %max3A_17 = arith.maximumf %add3A_15, %max3A_16 : vector<2000x128xf32>
    %get3A_18 = arith.constant 0 : index
    %get3A_19 = arith.constant 0 : index
    %get3A_20 = vector.load %arg6[%get3A_18, %get3A_19] : memref<128x128xf32, #tpu.memory_space<vmem>>, vector<128x128xf32>
    %dot_general3A_21 = arith.constant dense<0.000000e+00> : vector<2000x128xf32>
    %dot_general3A_22 = tpu.matmul %max3A_17, %get3A_20, %dot_general3A_21 {dimension_numbers = #tpu.dot_dimension_numbers<[1], [0], [0], [1], [0, 0, 1, 1], [], []>, transpose_lhs_hint = false} : vector<2000x128xf32>, vector<128x128xf32>, vector<2000x128xf32> -> vector<2000x128xf32>
    %get3A_23 = arith.constant 0 : index
    %get3A_24 = arith.constant 0 : index
    %get3A_25 = vector.load %arg7[%get3A_23, %get3A_24] : memref<1x128xf32, #tpu.memory_space<vmem>>, vector<1x128xf32>
    %add3A_26 = vector.broadcast %get3A_25 : vector<1x128xf32> to vector<2000x128xf32>
    %add3A_27 = arith.addf %dot_general3A_22, %add3A_26 : vector<2000x128xf32>
    %swap3A = arith.constant 0 : index
    %swap3A_28 = arith.constant 0 : index
    %swap3A_29 = vector.load %arg8[%swap3A, %swap3A_28] : memref<2000x128xf32, #tpu.memory_space<vmem>>, vector<2000x128xf32>
    tpu.vector_store %arg8[%swap3A, %swap3A_28], %add3A_27 {strides = array<i32>} : memref<2000x128xf32, #tpu.memory_space<vmem>>, vector<2000x128xf32>,
    return
  }
  func.func @transform_0(%arg0: i32) -> (i32, i32) {
    %c0_i32 = arith.constant 0 : i32
    %c0_i32_0 = arith.constant 0 : i32
    return %arg0, %c0_i32 : i32, i32
  }
  func.func @transform_1(%arg0: i32) -> (i32, i32) {
    %c0_i32 = arith.constant 0 : i32
    %c0_i32_0 = arith.constant 0 : i32
    return %arg0, %c0_i32 : i32, i32
  }
  func.func @transform_2(%arg0: i32) -> (i32, i32) {
    %c0_i32 = arith.constant 0 : i32
    %c0_i32_0 = arith.constant 0 : i32
    return %arg0, %c0_i32 : i32, i32
  }
  func.func @transform_3(%arg0: i32) -> (i32, i32) {
    %c0_i32 = arith.constant 0 : i32
    %c0_i32_0 = arith.constant 0 : i32
    %c0_i32_1 = arith.constant 0 : i32
    return %c0_i32, %c0_i32_0 : i32, i32
  }
  func.func @transform_4(%arg0: i32) -> (i32, i32) {
    %c0_i32 = arith.constant 0 : i32
    %c0_i32_0 = arith.constant 0 : i32
    %c0_i32_1 = arith.constant 0 : i32
    return %c0_i32, %c0_i32_0 : i32, i32
  }
  func.func @transform_5(%arg0: i32) -> (i32, i32) {
    %c0_i32 = arith.constant 0 : i32
    %c0_i32_0 = arith.constant 0 : i32
    %c0_i32_1 = arith.constant 0 : i32
    return %c0_i32, %c0_i32_0 : i32, i32
  }
  func.func @transform_6(%arg0: i32) -> (i32, i32) {
    %c0_i32 = arith.constant 0 : i32
    %c0_i32_0 = arith.constant 0 : i32
    %c0_i32_1 = arith.constant 0 : i32
    return %c0_i32, %c0_i32_0 : i32, i32
  }
  func.func @transform_7(%arg0: i32) -> (i32, i32) {
    %c0_i32 = arith.constant 0 : i32
    %c0_i32_0 = arith.constant 0 : i32
    return %arg0, %c0_i32 : i32, i32
  }
}

module attributes {stable_mosaic.version = 14 : i64} {
  func.func @_update_body(%arg0: i32, %arg1: memref<2048x128xf32, #tpu.memory_space<vmem>>, %arg2: memref<2048x128xf32, #tpu.memory_space<vmem>>, %arg3: memref<2048x128xf32, #tpu.memory_space<vmem>>, %arg4: memref<256x128xf32, #tpu.memory_space<vmem>>, %arg5: memref<1x128xf32, #tpu.memory_space<vmem>>, %arg6: memref<2048x128xf32, #tpu.memory_space<vmem>>) attributes {dimension_semantics = [#tpu.dimension_semantics<arbitrary>], iteration_bounds = array<i64: 5>, scalar_prefetch = 0 : i64, scratch_operands = 0 : i64, tpu.core_type = #tpu.core_type<tc>, window_params = [{transform_indices = @transform_0, window_bounds = array<i64: 2048, 128>}, {transform_indices = @transform_1, window_bounds = array<i64: 2048, 128>}, {transform_indices = @transform_2, window_bounds = array<i64: 2048, 128>}, {pipeline_mode = #tpu.pipeline_mode<synchronous>, transform_indices = @transform_3, window_bounds = array<i64: 256, 128>}, {pipeline_mode = #tpu.pipeline_mode<synchronous>, transform_indices = @transform_4, window_bounds = array<i64: 1, 128>}, {transform_indices = @transform_5, window_bounds = array<i64: 2048, 128>}]} {
    %get3A = arith.constant 0 : index
    %get3A_0 = arith.constant 0 : index
    %get3A_1 = vector.load %arg1[%get3A, %get3A_0] : memref<2048x128xf32, #tpu.memory_space<vmem>>, vector<2048x128xf32>
    %get3A_2 = arith.constant 0 : index
    %get3A_3 = arith.constant 0 : index
    %get3A_4 = vector.load %arg2[%get3A_2, %get3A_3] : memref<2048x128xf32, #tpu.memory_space<vmem>>, vector<2048x128xf32>
    %get3A_5 = arith.constant 0 : index
    %get3A_6 = arith.constant 0 : index
    %get3A_7 = vector.load %arg3[%get3A_5, %get3A_6] : memref<2048x128xf32, #tpu.memory_space<vmem>>, vector<2048x128xf32>
    %add3A = arith.addf %get3A_4, %get3A_7 : vector<2048x128xf32>
    %concatenate3A = tpu.concatenate %get3A_1, %add3A in 1 : vector<2048x128xf32>, vector<2048x128xf32> -> vector<2048x256xf32>
    %get3A_8 = arith.constant 0 : index
    %get3A_9 = arith.constant 0 : index
    %get3A_10 = vector.load %arg4[%get3A_8, %get3A_9] : memref<256x128xf32, #tpu.memory_space<vmem>>, vector<256x128xf32>
    %dot_general3A = arith.constant dense<0.000000e+00> : vector<2048x128xf32>
    %dot_general3A_11 = tpu.matmul %concatenate3A, %get3A_10, %dot_general3A {dimension_numbers = #tpu.dot_dimension_numbers<[1], [0], [0], [1], [0, 0, 1, 1], [], []>, transpose_lhs_hint = false} : vector<2048x256xf32>, vector<256x128xf32>, vector<2048x128xf32> -> vector<2048x128xf32>
    %get3A_12 = arith.constant 0 : index
    %get3A_13 = arith.constant 0 : index
    %get3A_14 = vector.load %arg5[%get3A_12, %get3A_13] : memref<1x128xf32, #tpu.memory_space<vmem>>, vector<1x128xf32>
    %add3A_15 = vector.broadcast %get3A_14 : vector<1x128xf32> to vector<2048x128xf32>
    %add3A_16 = arith.addf %dot_general3A_11, %add3A_15 : vector<2048x128xf32>
    %max3A = arith.constant 0.000000e+00 : f32
    %max3A_17 = vector.broadcast %max3A : f32 to vector<2048x128xf32>
    %max3A_18 = arith.maximumf %add3A_16, %max3A_17 : vector<2048x128xf32>
    %swap3A = arith.constant 0 : index
    %swap3A_19 = arith.constant 0 : index
    %swap3A_20 = vector.load %arg6[%swap3A, %swap3A_19] : memref<2048x128xf32, #tpu.memory_space<vmem>>, vector<2048x128xf32>
    tpu.vector_store %arg6[%swap3A, %swap3A_19], %max3A_18 {strides = array<i32>} : memref<2048x128xf32, #tpu.memory_space<vmem>>, vector<2048x128xf32>,
    return
  }
  func.func @transform_0(%arg0: i32) -> (i32, i32) {
    %c0_i32 = arith.constant 0 : i32
    %c0_i32_0 = arith.constant 0 : i32
    return %arg0, %c0_i32 : i32, i32
  }
  func.func @transform_1(%arg0: i32) -> (i32, i32) {
    %c0_i32 = arith.constant 0 : i32
    %c0_i32_0 = arith.constant 0 : i32
    return %arg0, %c0_i32 : i32, i32
  }
  func.func @transform_2(%arg0: i32) -> (i32, i32) {
    %c0_i32 = arith.constant 0 : i32
    %c0_i32_0 = arith.constant 0 : i32
    return %arg0, %c0_i32 : i32, i32
  }
  func.func @transform_3(%arg0: i32) -> (i32, i32) {
    %c0_i32 = arith.constant 0 : i32
    %c0_i32_0 = arith.constant 0 : i32
    %c0_i32_1 = arith.constant 0 : i32
    return %c0_i32, %c0_i32_0 : i32, i32
  }
  func.func @transform_4(%arg0: i32) -> (i32, i32) {
    %c0_i32 = arith.constant 0 : i32
    %c0_i32_0 = arith.constant 0 : i32
    %c0_i32_1 = arith.constant 0 : i32
    return %c0_i32, %c0_i32_0 : i32, i32
  }
  func.func @transform_5(%arg0: i32) -> (i32, i32) {
    %c0_i32 = arith.constant 0 : i32
    %c0_i32_0 = arith.constant 0 : i32
    return %arg0, %c0_i32 : i32, i32
  }
}

module attributes {stable_mosaic.version = 14 : i64} {
  func.func @_actor_body(%arg0: i32, %arg1: memref<2000x128xf32, #tpu.memory_space<vmem>>, %arg2: memref<2000x128xf32, #tpu.memory_space<vmem>>, %arg3: memref<2000x128xf32, #tpu.memory_space<vmem>>, %arg4: memref<2000x128xf32, #tpu.memory_space<vmem>>, %arg5: memref<2000x128xf32, #tpu.memory_space<vmem>>, %arg6: memref<2000x128xf32, #tpu.memory_space<vmem>>, %arg7: memref<272x128xf32, #tpu.memory_space<vmem>>, %arg8: memref<1x128xf32, #tpu.memory_space<vmem>>, %arg9: memref<128x2xf32, #tpu.memory_space<vmem>>, %arg10: memref<1x2xf32, #tpu.memory_space<vmem>>, %arg11: memref<2000x2xf32, #tpu.memory_space<vmem>>) attributes {dimension_semantics = [#tpu.dimension_semantics<arbitrary>], iteration_bounds = array<i64: 40>, scalar_prefetch = 0 : i64, scratch_operands = 0 : i64, tpu.core_type = #tpu.core_type<tc>, window_params = [{transform_indices = @transform_0, window_bounds = array<i64: 2000, 128>}, {transform_indices = @transform_1, window_bounds = array<i64: 2000, 128>}, {transform_indices = @transform_2, window_bounds = array<i64: 2000, 128>}, {transform_indices = @transform_3, window_bounds = array<i64: 2000, 128>}, {transform_indices = @transform_4, window_bounds = array<i64: 2000, 128>}, {transform_indices = @transform_5, window_bounds = array<i64: 2000, 128>}, {pipeline_mode = #tpu.pipeline_mode<synchronous>, transform_indices = @transform_6, window_bounds = array<i64: 272, 128>}, {pipeline_mode = #tpu.pipeline_mode<synchronous>, transform_indices = @transform_7, window_bounds = array<i64: 1, 128>}, {pipeline_mode = #tpu.pipeline_mode<synchronous>, transform_indices = @transform_8, window_bounds = array<i64: 128, 2>}, {pipeline_mode = #tpu.pipeline_mode<synchronous>, transform_indices = @transform_9, window_bounds = array<i64: 1, 2>}, {transform_indices = @transform_10, window_bounds = array<i64: 2000, 2>}]} {
    %get3A = arith.constant 0 : index
    %get3A_0 = arith.constant 0 : index
    %get3A_1 = vector.load %arg7[%get3A, %get3A_0] : memref<272x128xf32, #tpu.memory_space<vmem>>, vector<272x128xf32>
    %get3A_2 = arith.constant 0 : index
    %get3A_3 = arith.constant 0 : index
    %get3A_4 = vector.load %arg8[%get3A_2, %get3A_3] : memref<1x128xf32, #tpu.memory_space<vmem>>, vector<1x128xf32>
    %get3A_5 = arith.constant 0 : index
    %get3A_6 = arith.constant 0 : index
    %get3A_7 = vector.load %arg1[%get3A_5, %get3A_6] : memref<2000x128xf32, #tpu.memory_space<vmem>>, vector<2000x128xf32>
    %get3A_8 = arith.constant 0 : index
    %get3A_9 = arith.constant 0 : index
    %get3A_10 = vector.load %arg2[%get3A_8, %get3A_9] : memref<2000x128xf32, #tpu.memory_space<vmem>>, vector<2000x128xf32>
    %get3A_11 = arith.constant 0 : index
    %get3A_12 = arith.constant 0 : index
    %get3A_13 = vector.load %arg3[%get3A_11, %get3A_12] : memref<2000x128xf32, #tpu.memory_space<vmem>>, vector<2000x16xf32>
    %concatenate3A = tpu.concatenate %get3A_7, %get3A_10, %get3A_13 in 1 : vector<2000x128xf32>, vector<2000x128xf32>, vector<2000x16xf32> -> vector<2000x272xf32>
    %get3A_14 = arith.constant 0 : index
    %get3A_15 = arith.constant 0 : index
    %get3A_16 = vector.load %arg4[%get3A_14, %get3A_15] : memref<2000x128xf32, #tpu.memory_space<vmem>>, vector<2000x128xf32>
    %get3A_17 = arith.constant 0 : index
    %get3A_18 = arith.constant 0 : index
    %get3A_19 = vector.load %arg5[%get3A_17, %get3A_18] : memref<2000x128xf32, #tpu.memory_space<vmem>>, vector<2000x128xf32>
    %get3A_20 = arith.constant 0 : index
    %get3A_21 = arith.constant 0 : index
    %get3A_22 = vector.load %arg6[%get3A_20, %get3A_21] : memref<2000x128xf32, #tpu.memory_space<vmem>>, vector<2000x16xf32>
    %concatenate3A_23 = tpu.concatenate %get3A_16, %get3A_19, %get3A_22 in 1 : vector<2000x128xf32>, vector<2000x128xf32>, vector<2000x16xf32> -> vector<2000x272xf32>
    %dot_general3A = arith.constant dense<0.000000e+00> : vector<2000x128xf32>
    %dot_general3A_24 = tpu.matmul %concatenate3A, %get3A_1, %dot_general3A {dimension_numbers = #tpu.dot_dimension_numbers<[1], [0], [0], [1], [0, 0, 1, 1], [], []>, transpose_lhs_hint = false} : vector<2000x272xf32>, vector<272x128xf32>, vector<2000x128xf32> -> vector<2000x128xf32>
    %add3A = vector.broadcast %get3A_4 : vector<1x128xf32> to vector<2000x128xf32>
    %add3A_25 = arith.addf %dot_general3A_24, %add3A : vector<2000x128xf32>
    %dot_general3A_26 = arith.constant dense<0.000000e+00> : vector<2000x128xf32>
    %dot_general3A_27 = tpu.matmul %concatenate3A_23, %get3A_1, %dot_general3A_26 {dimension_numbers = #tpu.dot_dimension_numbers<[1], [0], [0], [1], [0, 0, 1, 1], [], []>, transpose_lhs_hint = false} : vector<2000x272xf32>, vector<272x128xf32>, vector<2000x128xf32> -> vector<2000x128xf32>
    %add3A_28 = vector.broadcast %get3A_4 : vector<1x128xf32> to vector<2000x128xf32>
    %add3A_29 = arith.addf %dot_general3A_27, %add3A_28 : vector<2000x128xf32>
    %max3A = arith.constant 0.000000e+00 : f32
    %max3A_30 = vector.broadcast %max3A : f32 to vector<2000x128xf32>
    %max3A_31 = arith.maximumf %add3A_25, %max3A_30 : vector<2000x128xf32>
    %get3A_32 = arith.constant 0 : index
    %get3A_33 = arith.constant 0 : index
    %get3A_34 = vector.load %arg9[%get3A_32, %get3A_33] : memref<128x2xf32, #tpu.memory_space<vmem>>, vector<128x2xf32>
    %dot_general3A_35 = arith.constant dense<0.000000e+00> : vector<2000x2xf32>
    %dot_general3A_36 = tpu.matmul %max3A_31, %get3A_34, %dot_general3A_35 {dimension_numbers = #tpu.dot_dimension_numbers<[1], [0], [0], [1], [0, 0, 1, 1], [], []>, transpose_lhs_hint = false} : vector<2000x128xf32>, vector<128x2xf32>, vector<2000x2xf32> -> vector<2000x2xf32>
    %max3A_37 = arith.constant 0.000000e+00 : f32
    %max3A_38 = vector.broadcast %max3A_37 : f32 to vector<2000x128xf32>
    %max3A_39 = arith.maximumf %add3A_29, %max3A_38 : vector<2000x128xf32>
    %get3A_40 = arith.constant 0 : index
    %get3A_41 = arith.constant 0 : index
    %get3A_42 = vector.load %arg9[%get3A_40, %get3A_41] : memref<128x2xf32, #tpu.memory_space<vmem>>, vector<128x2xf32>
    %dot_general3A_43 = arith.constant dense<0.000000e+00> : vector<2000x2xf32>
    %dot_general3A_44 = tpu.matmul %max3A_39, %get3A_42, %dot_general3A_43 {dimension_numbers = #tpu.dot_dimension_numbers<[1], [0], [0], [1], [0, 0, 1, 1], [], []>, transpose_lhs_hint = false} : vector<2000x128xf32>, vector<128x2xf32>, vector<2000x2xf32> -> vector<2000x2xf32>
    %add3A_45 = arith.addf %dot_general3A_36, %dot_general3A_44 : vector<2000x2xf32>
    %mul3A = arith.constant 5.000000e-01 : f32
    %mul3A_46 = vector.broadcast %mul3A : f32 to vector<2000x2xf32>
    %mul3A_47 = arith.mulf %mul3A_46, %add3A_45 : vector<2000x2xf32>
    %get3A_48 = arith.constant 0 : index
    %get3A_49 = arith.constant 0 : index
    %get3A_50 = vector.load %arg10[%get3A_48, %get3A_49] : memref<1x2xf32, #tpu.memory_space<vmem>>, vector<1x2xf32>
    %add3A_51 = vector.broadcast %get3A_50 : vector<1x2xf32> to vector<2000x2xf32>
    %add3A_52 = arith.addf %mul3A_47, %add3A_51 : vector<2000x2xf32>
    %iota3A = tpu.iota {dimensions = array<i32: 1>} : vector<2000x2xi32>
    %eq3A = arith.constant 0 : i32
    %eq3A_53 = vector.broadcast %eq3A : i32 to vector<2000x2xi32>
    %eq3A_54 = arith.cmpi eq, %iota3A, %eq3A_53 : vector<2000x2xi32>
    %jit3A = arith.constant -2.000000e+01 : f32
    %jit3A_55 = arith.constant 2.000000e+00 : f32
    %max3A_56 = vector.broadcast %jit3A : f32 to vector<2000x2xf32>
    %max3A_57 = arith.maximumf %max3A_56, %add3A_52 : vector<2000x2xf32>
    %min3A = vector.broadcast %jit3A_55 : f32 to vector<2000x2xf32>
    %min3A_58 = arith.minimumf %min3A, %max3A_57 : vector<2000x2xf32>
    %exp3A = math.exp %min3A_58 : vector<2000x2xf32>
    %select_n3A = arith.select %eq3A_54, %add3A_52, %exp3A : vector<2000x2xi1>, vector<2000x2xf32>
    %swap3A = arith.constant 0 : index
    %swap3A_59 = arith.constant 0 : index
    %swap3A_60 = vector.load %arg11[%swap3A, %swap3A_59] : memref<2000x2xf32, #tpu.memory_space<vmem>>, vector<2000x2xf32>
    tpu.vector_store %arg11[%swap3A, %swap3A_59], %select_n3A {strides = array<i32>} : memref<2000x2xf32, #tpu.memory_space<vmem>>, vector<2000x2xf32>,
    return
  }
  func.func @transform_0(%arg0: i32) -> (i32, i32) {
    %c0_i32 = arith.constant 0 : i32
    %c0_i32_0 = arith.constant 0 : i32
    return %arg0, %c0_i32 : i32, i32
  }
  func.func @transform_1(%arg0: i32) -> (i32, i32) {
    %c0_i32 = arith.constant 0 : i32
    %c0_i32_0 = arith.constant 0 : i32
    return %arg0, %c0_i32 : i32, i32
  }
  func.func @transform_2(%arg0: i32) -> (i32, i32) {
    %c0_i32 = arith.constant 0 : i32
    %c0_i32_0 = arith.constant 0 : i32
    return %arg0, %c0_i32 : i32, i32
  }
  func.func @transform_3(%arg0: i32) -> (i32, i32) {
    %c0_i32 = arith.constant 0 : i32
    %c0_i32_0 = arith.constant 0 : i32
    return %arg0, %c0_i32 : i32, i32
  }
  func.func @transform_4(%arg0: i32) -> (i32, i32) {
    %c0_i32 = arith.constant 0 : i32
    %c0_i32_0 = arith.constant 0 : i32
    return %arg0, %c0_i32 : i32, i32
  }
  func.func @transform_5(%arg0: i32) -> (i32, i32) {
    %c0_i32 = arith.constant 0 : i32
    %c0_i32_0 = arith.constant 0 : i32
    return %arg0, %c0_i32 : i32, i32
  }
  func.func @transform_6(%arg0: i32) -> (i32, i32) {
    %c0_i32 = arith.constant 0 : i32
    %c0_i32_0 = arith.constant 0 : i32
    %c0_i32_1 = arith.constant 0 : i32
    return %c0_i32, %c0_i32_0 : i32, i32
  }
  func.func @transform_7(%arg0: i32) -> (i32, i32) {
    %c0_i32 = arith.constant 0 : i32
    %c0_i32_0 = arith.constant 0 : i32
    %c0_i32_1 = arith.constant 0 : i32
    return %c0_i32, %c0_i32_0 : i32, i32
  }
  func.func @transform_8(%arg0: i32) -> (i32, i32) {
    %c0_i32 = arith.constant 0 : i32
    %c0_i32_0 = arith.constant 0 : i32
    %c0_i32_1 = arith.constant 0 : i32
    return %c0_i32, %c0_i32_0 : i32, i32
  }
  func.func @transform_9(%arg0: i32) -> (i32, i32) {
    %c0_i32 = arith.constant 0 : i32
    %c0_i32_0 = arith.constant 0 : i32
    %c0_i32_1 = arith.constant 0 : i32
    return %c0_i32, %c0_i32_0 : i32, i32
  }
  func.func @transform_10(%arg0: i32) -> (i32, i32) {
    %c0_i32 = arith.constant 0 : i32
    %c0_i32_0 = arith.constant 0 : i32
    return %arg0, %c0_i32 : i32, i32
  }
}

</mosaic_0001>

<sc_bundles>
// kernel: kernel.13.cloned.1.call-start
scs
__scs_entry_jumppad:
0x0: {  	(pc) =	sbr.rel $0x88, $3  }
0x1: {  	(tag) =	ssettag $0x0;
	lr =	simm.s32 $0x1  }
0x2: {  	[smem:$0x3F8D] =	sst lr;
	_ =	strace $0xD0000000  }
0x3: {  	_ = 	snop  }
0x4: {  	_ = 	snop  }
0x5: {  	_ = 	snop  }
0x6: {  	_ = 	snop  }
0x7: {  	_ = 	snop  }
__scs_overlays_trampoline_lowered:
0x8: {  	[smem:$0x3F9C] =	sst s0  }
0x9: {  	[smem:$0x3F9D] =	sst s1  }
0xa: {  	[smem:$0x3F9E] =	sst s2  }
0xb: {  	[smem:$0x3F9F] =	sst s3  }
0xc: {  	[smem:$0x3FA0] =	sst s4  }
0xd: {  	[smem:$0x3FA1] =	sst s5  }
0xe: {  	[smem:$0x3FA2] =	sst s6  }
0xf: {  	[smem:$0x3FA3] =	sst s7  }
0x10: {  	[smem:$0x3FA4] =	sst s8  }
0x11: {  	[smem:$0x3FA5] =	sst s9;
	s0 =	simm.s32 @!p0 $0x0  }
0x12: {  	s1 =	sld [smem:$0x3F8B];
	s0 =	simm.s32 @p0 $0x1  }
0x13: {  	[smem:$0x3FA6] =	sst s0;
	s0 =	simm.s32 @!p1 $0x0  }
0x14: {  	s2 =	sld [smem:$0x3F8A];
	s0 =	simm.s32 @p1 $0x1  }
0x15: {  	[smem:$0x3FA7] =	sst s0;
	s0 =	simm.s32 @!p2 $0x0  }
0x16: {  	s3 =	sld [smem:$0x3FDB];
	s0 =	simm.s32 @p2 $0x1  }
0x17: {  	s4 =	simm.s32 $0x1BF5;
	[smem:$0x3FA9] =	sst s0  }
0x18: {  	s0 =	sld [smem:$0x3F8C];
	_ =	swait.ge [sflag:s4], $0x0  }
0x19: {  	s7 =	sld [smem:$0x3F8D]  }
0x1a: {  	s8 =	sadd.s32 $0xFFFFE003, lr  }
0x1b: {  	s9 =	sadd.s32 $0xFFFFFEF7, lr;
	s5 =	simm.s32 $0xFFFFFFFF;
	p2 =	slt.u32 s8, $0xFFFFF086  }
0x1c: {  	p1 =	slt.u32 s9, $0xF7A;
	s5 =	simm.s32 @!p2 $0x0  }
0x1d: {  	s5 =	simm.s32 @p1 $0x1;
	p0 =	seq.s32 s7, s2  }
0x1e: {  	s7 =	smul.u32 @!p0 $0xF7A, s2;
	p2 =	seq.s32 @!p0 s5, $0x0  }
0x1f: {  	s9 =	smul.u32 $0xF7A, s1;
	s8 =	simm.s32 @!p0 $0x1BF5;
	p2 =	por !p2, p0  }
0x20: {  	[sflag:s8] =	ssyncset.s32 @!p0 $0xFFFFF086;
	s6 =	sadd.s32 @!p0 s3, s7;
	s7 =	simm.s32 @!p0 $0x108  }
0x21: {  	s3 =	sadd.s32 s3, s9;
	s6 =	sadd.s32 @!p0 $0x88, s6;
	s7 =	simm.s32 @p2 $0x1082  }
0x22: {  	[simem:s7], [sflag:s8] =	dma.local @!p0 [hbm:s6], $0xF7A  }
0x23: {  	s9 =	sor.u32 $0xD0000000, s2;
	s6 =	simm.s32 $0x108;
	_ =	swait.ge @!p0 [sflag:s8], $0x0  }
0x24: {  	s3 =	sadd.s32 $0x88, s3;
	s6 =	simm.s32 @!p1 $0x1082;
	[sflag:s4] =	ssyncset.s32 $0xFFFFF086  }
0x25: {  	[simem:s6], [sflag:s4] =	dma.local [hbm:s3], $0xF7A  }
0x26: {  	[smem:$0x3F8D] =	sst s1;
	(tag) =	ssettag s2;
	_ =	strace s9  }
0x27: {  	s1 =	sld [smem:$0x3F9D]  }
0x28: {  	s2 =	sld [smem:$0x3F9E]  }
0x29: {  	s4 =	sld [smem:$0x3FA0]  }
0x2a: {  	p0 =	seq.s32 s5, $0x0;
	s5 =	sld [smem:$0x3FA1]  }
0x2b: {  	s6 =	sld [smem:$0x3FA2]  }
0x2c: {  	s7 =	sld [smem:$0x3FA3]  }
0x2d: {  	s3 =	simm.s32 $0x108;
	s8 =	sld [smem:$0x3FA4]  }
0x2e: {  	s3 =	simm.s32 @!p0 $0x1082;
	s9 =	sld [smem:$0x3FA5]  }
0x2f: {  	lr =	sadd.s32 s0, s3;
	s0 =	sld [smem:$0x3F9C]  }
0x30: {  	s3 =	sld [smem:$0x3F9F]  }
0x31: {  	[smem:$0x3FA8] =	sst s10  }
0x32: {  	s10 =	sld [smem:$0x3FA6];
	_ =	sdelay $0x3  }
0x33: {  	p0 =	seq.s32 s10, $0x1;
	s10 =	sld [smem:$0x3FA8];
	_ =	sdelay $0x3  }
0x34: {  	[smem:$0x3FA8] =	sst s10  }
0x35: {  	s10 =	sld [smem:$0x3FA7];
	_ =	sdelay $0x3  }
0x36: {  	p1 =	seq.s32 s10, $0x1;
	s10 =	sld [smem:$0x3FA8];
	_ =	sdelay $0x3  }
0x37: {  	[smem:$0x3FA8] =	sst s10  }
0x38: {  	s10 =	sld [smem:$0x3FA9]  }
0x39: {  	_ = 	snop;
	(pc) =	sbr.ind lr, $3  }
0x3a: {  	_ = 	snop  }
0x3b: {  	_ = 	snop  }
0x3c: {  	p2 =	seq.s32 s10, $0x1;
	s10 =	sld [smem:$0x3FA8]  }
0x3d: {  	_ =	shalt  }
0x3e: {  	_ =	shalt  }
0x3f: {  	_ =	shalt  }
0x40: {  	_ =	shalt  }
0x41: {  	_ =	shalt  }
0x42: {  	_ =	shalt  }
0x43: {  	_ =	shalt  }
0x44: {  	_ =	shalt  }
0x45: {  	_ =	shalt  }
0x46: {  	_ =	shalt  }
0x47: {  	_ =	shalt  }
0x48: {  	_ =	shalt  }
0x49: {  	_ =	shalt  }
0x4a: {  	_ =	shalt  }
0x4b: {  	_ =	shalt  }
0x4c: {  	_ =	shalt  }
0x4d: {  	_ =	shalt  }
0x4e: {  	_ =	shalt  }
0x4f: {  	_ =	shalt  }
0x50: {  	_ =	shalt  }
0x51: {  	_ =	shalt  }
0x52: {  	_ =	shalt  }
0x53: {  	_ =	shalt  }
0x54: {  	_ =	shalt  }
0x55: {  	_ =	shalt  }
0x56: {  	_ =	shalt  }
0x57: {  	_ =	shalt  }
0x58: {  	_ =	shalt  }
0x59: {  	_ =	shalt  }
0x5a: {  	_ =	shalt  }
0x5b: {  	_ =	shalt  }
0x5c: {  	_ =	shalt  }
0x5d: {  	_ =	shalt  }
0x5e: {  	_ =	shalt  }
0x5f: {  	_ =	shalt  }
0x60: {  	_ =	shalt  }
0x61: {  	_ =	shalt  }
0x62: {  	_ =	shalt  }
0x63: {  	_ =	shalt  }
0x64: {  	_ =	shalt  }
0x65: {  	_ =	shalt  }
0x66: {  	_ =	shalt  }
0x67: {  	_ =	shalt  }
0x68: {  	_ =	shalt  }
0x69: {  	_ =	shalt  }
0x6a: {  	_ =	shalt  }
0x6b: {  	_ =	shalt  }
0x6c: {  	_ =	shalt  }
0x6d: {  	_ =	shalt  }
0x6e: {  	_ =	shalt  }
0x6f: {  	_ =	shalt  }
0x70: {  	_ =	shalt  }
0x71: {  	_ =	shalt  }
0x72: {  	_ =	shalt  }
0x73: {  	_ =	shalt  }
0x74: {  	_ =	shalt  }
0x75: {  	_ =	shalt  }
0x76: {  	_ =	shalt  }
0x77: {  	_ =	shalt  }
0x78: {  	_ =	shalt  }
0x79: {  	_ =	shalt  }
0x7a: {  	_ =	shalt  }
0x7b: {  	_ =	shalt  }
0x7c: {  	_ =	shalt  }
0x7d: {  	_ =	shalt  }
0x7e: {  	_ =	shalt  }
0x7f: {  	_ =	shalt  }
0x80: {  	_ =	shalt  }
0x81: {  	_ =	shalt  }
0x82: {  	_ =	shalt  }
0x83: {  	_ =	shalt  }
0x84: {  	_ =	shalt  }
0x85: {  	_ =	shalt  }
0x86: {  	_ =	shalt  }
0x87: {  	_ =	shalt  }
.Lfunc_end0:
.L_simem_size_0:
called_computation_lowered:
.L_overlay_start_0:
0x88: {  	s2 =	sld [smem:$0x3FD9]  }
0x89: {  	s3 =	sld [smem:$0x3FFE];
	_ =	sdelay $0x1  }
0x8a: {  	s1 =	srdreg.scid  }
0x8b: {  	s0 =	sand.u32 $0x1, s1  }
0x8c: {  	s16 =	sshll.u32 s0, $0xA;
	s2 =	sadd.s32 s3, s2  }
0x8d: {  	s2 =	sadd.s32 s2, s16  }
0x8e: {  	[smem:$0x3FB4] =	sst s2  }
0x8f: {  	_ = 	snop  }
0x90: {  	(tm) =	ssettm $0x1  }
0x91: {  	s17 =	sld [smem:$0x3FFB];
	_ =	sdelay $0x3  }
0x92: {  	_ =	strace s17  }
0x93: {  	s2 =	sld [smem:$0x3FFC];
	_ =	sdelay $0x3  }
0x94: {  	_ =	strace s2  }
0x95: {  	s2 =	sld [smem:$0x3FFD];
	_ =	sdelay $0x3  }
0x96: {  	_ =	strace s2  }
0x97: {  	_ =	strace $0x8FFFFFFF  }
0x98: {  	s18 =	sld [smem:$0x3FDB];
	_ =	sdelay $0x1  }
0x99: {  	s19 =	simm.s32 $_scs_section_size  }
0x9a: {  	s4 =	simm.s32 $_size__tile_overlayer_lowered;
	s5 =	simm.s32 $_tile_overlayer_lowered  }
0x9b: {  	s22 =	simm.s32 $0x1BFF;
	s21 =	sshll.u32 s5, $0x1;
	s2 =	sadd.s32 s19, s18  }
0x9c: {  	s6 =	simm.s32 $0x0;
	s20 =	sshll.u32 s4, $0x1;
	s4 =	sadd.s32 s21, s2  }
0x9d: {  	[timem:s6], [sflag:s22] =	dma.local [hbm:s4], s20  }
0x9e: {  	_ =	swait.ge [sflag:s22], s20  }
0x9f: {  	s3 =	ssub.s32 $0x0, s20;
	[sflag:s22] =	ssyncset.done $0x0  }
0xa0: {  	[sflag:s22] =	ssyncadd.s32 s3;
	_ =	sdelay $0x1  }
0xa1: {  	s23 =	simm.s32 $0x1B8B  }
0xa2: {  	_ =	swait.ge [sflag:s23], $0x1  }
0xa3: {  	[sflag:s23] =	ssyncset.done $0x0  }
0xa4: {  	s25 =	simm.s32 $0x1B8E;
	s24 =	sld [smem:$0x3FFE];
	[sflag:s23] =	ssyncadd.s32 $0xFFFFFFFF  }
0xa5: {  	s26 =	simm.s32 $execute0_lowered;
	[smem:$0x3FD2] =	sst s25  }
0xa6: {  	s4 =	sshll.u32 s26, $0x1;
	_ =	strace $0x80000046;
	[dreg:$0x1] =	wrdreg $0xFFFFFFFF  }
0xa7: {  	s28 =	simm.s32 $_size_execute0_lowered;
	s2 =	sadd.s32 s2, s4;
	[dreg:$0x0] =	wrdreg $0x0  }
0xa8: {  	s4 =	sshll.u32 s28, $0x1;
	[dreg:$0x2] =	wrdreg s2  }
0xa9: {  	[dreg:$0x3] =	wrdreg s4  }
0xaa: {  	[dreg:$0x4] =	wrdreg $0xC0  }
0xab: {  	_ =	task [dreg:s6], $0x5FFFF  }
0xac: {  	[dreg:$0x1] =	wrdreg $0xFFFFFFFF  }
0xad: {  	[dreg:$0x0] =	wrdreg $0x60  }
0xae: {  	[dreg:$0x2] =	wrdreg s24  }
0xaf: {  	[dreg:$0x3] =	wrdreg $0x9  }
0xb0: {  	_ =	task.clear_ibuf [dreg:s6], $0x4FFFF;
	_ =	strace $0x90000046  }
0xb1: {  	s29 =	simm.s32 $0x9;
	_ =	strace $0x80000048  }
0xb2: {  	_ =	swait.ge [sflag:s29], $0x1  }
0xb3: {  	[sflag:s29] =	ssyncadd.s32 $0xFFFFFFFF  }
0xb4: {  	_ =	strace $0x90000048  }
0xb5: {  	_ =	sfence  }
0xb6: {  	s30 =	sld [smem:$0x0];
	_ =	sdelay $0x2  }
0xb7: {  	s31 =	sshll.u32 s1, $0xD;
	s1 =	sshrl.u32 s1, $0x2  }
0xb8: {  	s3 =	sand.u32 $0x4000, s31;
	s1 =	sadd.s32 s1, s30  }
0xb9: {  	s0 =	sor.u32 s3, s0;
	s1 =	sshll.u32 s1, $0x11  }
0xba: {  	s0 =	sor.u32 s1, s0  }
0xbb: {  	s0 =	sadd.s32 $0x8F2B, s0  }
0xbc: {  	[sflag:s0] =	ssyncadd.remote.s32 $0x1  }
0xbd: {  	_ =	sfence.sel $0xFFFF  }
0xbe: {  	[dreg:$0x0] =	wrdreg $0xFFFFFFFF;
	(pc) =	sbr.abs _section_cstart, $3  }
0xbf: {  	[dreg:$0x1] =	wrdreg $0xFFFFFFFF  }
0xc0: {  	_ =	task.clear_ibuf [dreg:s6], $0x2FFFF;
	_ =	strace $0x9FFFFFFF  }
0xc1: {  	(tm) =	ssettm $0x7FFFFFFF  }
tec
execute0_lowered:
.L_overlay_start_1:
0x0: {  	(tag) =	ssettag $0x1  }
0x1: {  	s4 =	rddreg [dreg:$0x0]  }
0x2: {  	s0 =	rddreg [dreg:$0x1];
	s1 =	simm.s32 $0x0;
	s5 =	srdreg.scid  }
0x3: {  	s2 =	stileid.u32;
	s12 =	simm.s32 $0x6;
	s13 =	simm.s32 $0x80  }
0x4: {  	s14 =	simm.s32 $0x100;
	s15 =	simm.s32 $0x4100;
	s16 =	simm.s32 $0x1  }
0x5: {  	s17 =	simm.s32 $0x2;
	s18 =	simm.s32 $0x0;
	[smem:$0x7FF] =	sst s1  }
0x6: {  	s3 =	sadd.s32 $0x1A000, s4;
	s11 =	sand.u32 $0x1, s5;
	s29 =	sshll.u32 s2, $0x5  }
0x7: {  	s6 =	sshll.u32 s2, $0xC;
	_ =	strace $0x80000047;
	s7 =	ssub.s32 $0x2, s11  }
.Ltmp0:
0x8: {  	s6 =	sadd.s32 s6, s4;
	s9 =	sshll.u32 s11, $0xB;
	(pc) =	sbr.rel .LBB2_1-.Ltmp0, $4  }
0x9: {  	s10 =	sadd.s32 s29, s4;
	s4 =	sshll.u32 s2, $0x1;
	s8 =	sshrl.u32 s7, $0x1  }
0xa: {  	s31 =	sadd.s32 s9, s6;
	s9 =	sadd.s32 $0x6400, s10;
	s10 =	sadd.s32 $0x10200, s10  }
0xb: {  	s30 =	ssub.s32 s7, s8;
	s6 =	sadd.s32 $0x524000, s31;
	s7 =	sadd.s32 $0x42000, s31  }
0xc: {  	s8 =	sshll.u32 s11, $0x4;
	s11 =	sor.u32 $0x20, s11;
	s5 =	smax.u32 s30, $0x1  }
.LBB2_5:
0xd: {  	s18 =	sadd.s32 $0x1, s18  }
0xe: {  	p0 =	sne.s32 s18, s5  }
.Ltmp1:
0xf: {  	_ = 	snop;
	(pc) =	sbr.rel @!p0 .LBB2_6-.Ltmp1, $1  }
0x10: {  	_ =	sdelay $0x3  }
.LBB2_1:
.Ltmp2:
0x11: {  	(pc) =	sbr.rel .LBB2_2-.Ltmp2, $3  }
0x12: {  	_ =	sdelay $0x1  }
0x13: {  	s19 =	smov.u32 s10  }
0x14: {  	s20 =	smov.u32 s9;
	s21 =	smov.u32 s4;
	s22 =	simm.s32 $0x0  }
.LBB2_4:
0x15: {  	s22 =	sadd.s32 $0x20000, s22  }
0x16: {  	p0 =	sne.s32 s22, $0x500000  }
.Ltmp3:
0x17: {  	_ = 	snop;
	(pc) =	sbr.rel @!p0 .LBB2_5-.Ltmp3, $2  }
0x18: {  	_ =	sdelay $0x2  }
0x19: {  	s21 =	sadd.s32 $0x40, s21;
	s20 =	sadd.s32 $0x400, s20;
	s19 =	sadd.s32 $0x400, s19  }
.LBB2_2:
0x1a: {  	p0 =	sgt.u32 s21, $0x9C3  }
.Ltmp4:
0x1b: {  	_ = 	snop;
	(pc) =	sbr.rel @p0 .LBB2_4-.Ltmp4, $1  }
0x1c: {  	_ =	sdelay $0x3  }
0x1d: {  	s23 =	sadd.s32 s19, s8  }
0x1e: {  	[tilespmem:s1], [sflag:$0x6] =	stream.linear.gather [hbm4b:s23+s1], $0x80, $0x38;
	[tilespmem:$0x10200] =	vst v63  }
0x1f: {  	_ =	swait.ge [sflag:s12], $0x80  }
0x20: {  	[sflag:s12] =	ssyncset.done $0x0  }
0x21: {  	s29 =	sadd.s32 s20, s8;
	[sflag:s12] =	ssyncadd.s32 $0xFFFFFF80  }
0x22: {  	[tilespmem:s13], [sflag:$0x6] =	stream.linear.gather [hbm4b:s29+s1], $0x80, $0x38;
	[tilespmem:$0x10200] =	vst v63  }
0x23: {  	_ =	swait.ge [sflag:s12], $0x80  }
0x24: {  	s23 =	sadd.s32 s21, s11;
	[sflag:s12] =	ssyncset.done $0x0  }
0x25: {  	p0 =	sgt.u32 s23, $0x9C3;
	[sflag:s12] =	ssyncadd.s32 $0xFFFFFF80  }
0x26: {  	[tilespmem:s14], [sflag:$0x1] =	stream.indirect.gather [hbm4b:s3+s13], $0x80, s1, s13, $0xb8;
	[tilespmem:$0x10200] =	vst v63  }
0x27: {  	s24 =	sadd.s32 @!p0 s19, s8  }
0x28: {  	[tilespmem:s15], [sflag:$0x2] =	stream.indirect.gather [hbm4b:s3+s13], $0x80, s13, s13, $0xb8;
	[tilespmem:$0x10200] =	vst v63  }
0x29: {  	s25 =	simm.s32 @!p0 $0x0;
	s26 =	simm.s32 @!p0 $0x8100;
	s24 =	sadd.s32 @!p0 $0x200, s24  }
0x2a: {  	[tilespmem:s26], [sflag:$0x6] =	stream.linear.gather @!p0 [hbm4b:s24+s25], $0x80, $0x38;
	[tilespmem:$0x10200] =	vst v63  }
0x2b: {  	s24 =	simm.s32 @!p0 $0x6  }
0x2c: {  	_ =	swait.ge @!p0 [sflag:s24], $0x80  }
0x2d: {  	s28 =	sadd.s32 @!p0 s20, s8;
	[sflag:s24] =	ssyncset.done @!p0 $0x0  }
0x2e: {  	s28 =	sadd.s32 @!p0 $0x200, s28;
	s29 =	simm.s32 @!p0 $0x8180;
	[sflag:s24] =	ssyncadd.s32 @!p0 $0xFFFFFF80  }
0x2f: {  	[tilespmem:s29], [sflag:$0x6] =	stream.linear.gather @!p0 [hbm4b:s28+s25], $0x80, $0x38;
	[tilespmem:$0x10200] =	vst v63  }
0x30: {  	_ =	swait.ge @!p0 [sflag:s24], $0x80  }
0x31: {  	[sflag:s24] =	ssyncset.done @!p0 $0x0  }
0x32: {  	s25 =	simm.s32 @!p0 $0x8200;
	[sflag:s24] =	ssyncadd.s32 @!p0 $0xFFFFFF80;
	s24 =	simm.s32 @!p0 $0x80  }
0x33: {  	[tilespmem:s25], [sflag:$0x3] =	stream.indirect.gather @!p0 [hbm4b:s3+s24], $0x80, s26, s24, $0xb8;
	[tilespmem:$0x10200] =	vst v63  }
0x34: {  	s25 =	simm.s32 @!p0 $0xC200  }
0x35: {  	[tilespmem:s25], [sflag:$0x4] =	stream.indirect.gather @!p0 [hbm4b:s3+s24], $0x80, s29, s24, $0xb8;
	[tilespmem:$0x10200] =	vst v63  }
0x36: {  	_ =	swait.ge [sflag:s16], $0x4000  }
0x37: {  	[sflag:s16] =	ssyncset.done $0x0  }
0x38: {  	[sflag:s16] =	ssyncadd.s32 $0xFFFFC000  }
0x39: {  	_ =	swait.ge [sflag:s17], $0x4000  }
0x3a: {  	[sflag:s17] =	ssyncset.done $0x0  }
0x3b: {  	s30 =	sadd.s32 s22, s7;
	[sflag:s17] =	ssyncadd.s32 $0xFFFFC000  }
0x3c: {  	[hbm4b:s30+s1] =	stream.linear.scatter [tilespmem:s14], [sflag:$0x6], $0x4000, $0x38;
	[tilespmem:$0x10200] =	vst v63  }
0x3d: {  	_ =	swait.ge [sflag:s12], $0x4000  }
0x3e: {  	[sflag:s12] =	ssyncset.done $0x0  }
0x3f: {  	s31 =	sadd.s32 s22, s6;
	[sflag:s12] =	ssyncadd.s32 $0xFFFFC000  }
0x40: {  	[hbm4b:s31+s1] =	stream.linear.scatter [tilespmem:s15], [sflag:$0x6], $0x4000, $0x38;
	[tilespmem:$0x10200] =	vst v63  }
0x41: {  	_ =	swait.ge [sflag:s12], $0x4000  }
0x42: {  	p0 =	slt.u32 s23, $0x9C4;
	[sflag:s12] =	ssyncset.done $0x0  }
0x43: {  	s23 =	simm.s32 @p0 $0x3;
	[sflag:s12] =	ssyncadd.s32 $0xFFFFC000  }
0x44: {  	_ =	swait.ge @p0 [sflag:s23], $0x4000  }
0x45: {  	[sflag:s23] =	ssyncset.done @p0 $0x0  }
0x46: {  	[sflag:s23] =	ssyncadd.s32 @p0 $0xFFFFC000;
	s23 =	simm.s32 @p0 $0x4  }
0x47: {  	_ =	swait.ge @p0 [sflag:s23], $0x4000  }
0x48: {  	[sflag:s23] =	ssyncset.done @p0 $0x0  }
0x49: {  	[sflag:s23] =	ssyncadd.s32 @p0 $0xFFFFC000;
	s23 =	sadd.s32 @p0 s22, s7  }
0x4a: {  	s24 =	simm.s32 @p0 $0x0;
	s25 =	simm.s32 @p0 $0x8200;
	s23 =	sadd.s32 @p0 $0x10000, s23  }
0x4b: {  	[hbm4b:s23+s24] =	stream.linear.scatter @p0 [tilespmem:s25], [sflag:$0x6], $0x4000, $0x38;
	[tilespmem:$0x10200] =	vst v63  }
0x4c: {  	s23 =	simm.s32 @p0 $0x6  }
0x4d: {  	_ =	swait.ge @p0 [sflag:s23], $0x4000  }
0x4e: {  	s25 =	sadd.s32 @p0 s22, s6;
	[sflag:s23] =	ssyncset.done @p0 $0x0  }
0x4f: {  	[sflag:s23] =	ssyncadd.s32 @p0 $0xFFFFC000;
	s23 =	sadd.s32 @p0 $0x10000, s25;
	s25 =	simm.s32 @p0 $0xC200  }
0x50: {  	[hbm4b:s23+s24] =	stream.linear.scatter @p0 [tilespmem:s25], [sflag:$0x5], $0x4000, $0x38;
	[tilespmem:$0x10200] =	vst v63  }
.Ltmp5:
0x51: {  	_ = 	snop;
	(pc) =	sbr.rel .LBB2_4-.Ltmp5, $4  }
0x52: {  	s23 =	simm.s32 @p0 $0x5  }
0x53: {  	_ =	swait.ge @p0 [sflag:s23], $0x4000  }
0x54: {  	[sflag:s23] =	ssyncset.done @p0 $0x0  }
0x55: {  	[sflag:s23] =	ssyncadd.s32 @p0 $0xFFFFC000  }
.LBB2_6:
0x56: {  	_ =	sfence.sel $0x180000  }
0x57: {  	[bflag:$0x0] =	sbarrier.arrive $0xFFFF  }
0x58: {  	p0 =	sne.s32 s2, $0x0;
	_ =	strace $0x90000047  }
0x59: {  	s0 =	sadd.s32 @!p0 $0x100000, s0;
	[bflag:$0x2] =	sbarrier.arrive $0xFFFF  }
0x5a: {  	[sflag:s0] =	ssyncadd.tile.s32 @!p0 $0x1;
	_ =	shalt  }
.Lfunc_end2:
_tile_overlayer_lowered:
.L_overlay_start_2:
0x5b: {  	(tag) =	ssettag $0x2  }
0x5c: {  	s0 =	rddreg [dreg:$0x0];
	s2 =	stileid.u32  }
0x5d: {  	s1 =	rddreg [dreg:$0x1];
	p0 =	sne.s32 s2, $0x0  }
0x5e: {  	s3 =	rddreg [dreg:$0x2];
	[bflag:$0x3] =	sbarrier.arrive $0xFFFF;
	s2 =	simm.s32 @!p0 $0x1C05  }
0x5f: {  	[timem:s3], [sflag:s2] =	dma.local @!p0 [hbm:s0], s1  }
0x60: {  	s0 =	simm.s32 @!p0 $0x5  }
0x61: {  	_ =	swait.ge @!p0 [sflag:s0], s1  }
0x62: {  	s1 =	ssub.s32 @!p0 $0x0, s1;
	[sflag:s0] =	ssyncset.done @!p0 $0x0  }
0x63: {  	[sflag:s0] =	ssyncadd.s32 @!p0 s1  }
0x64: {  	[bflag:$0x3] =	sbarrier.arrive $0xFFFF  }
0x65: {  	_ =	shalt  }

// kernel: kernel.16.cloned.1.call-start
scs
__scs_entry_jumppad:
0x0: {  	(pc) =	sbr.rel $0x88, $3  }
0x1: {  	(tag) =	ssettag $0x0;
	lr =	simm.s32 $0x1  }
0x2: {  	[smem:$0x3F8D] =	sst lr;
	_ =	strace $0xD0000000  }
0x3: {  	_ = 	snop  }
0x4: {  	_ = 	snop  }
0x5: {  	_ = 	snop  }
0x6: {  	_ = 	snop  }
0x7: {  	_ = 	snop  }
__scs_overlays_trampoline_lowered:
0x8: {  	[smem:$0x3F9C] =	sst s0  }
0x9: {  	[smem:$0x3F9D] =	sst s1  }
0xa: {  	[smem:$0x3F9E] =	sst s2  }
0xb: {  	[smem:$0x3F9F] =	sst s3  }
0xc: {  	[smem:$0x3FA0] =	sst s4  }
0xd: {  	[smem:$0x3FA1] =	sst s5  }
0xe: {  	[smem:$0x3FA2] =	sst s6  }
0xf: {  	[smem:$0x3FA3] =	sst s7  }
0x10: {  	[smem:$0x3FA4] =	sst s8  }
0x11: {  	[smem:$0x3FA5] =	sst s9;
	s0 =	simm.s32 @!p0 $0x0  }
0x12: {  	s1 =	sld [smem:$0x3F8B];
	s0 =	simm.s32 @p0 $0x1  }
0x13: {  	[smem:$0x3FA6] =	sst s0;
	s0 =	simm.s32 @!p1 $0x0  }
0x14: {  	s2 =	sld [smem:$0x3F8A];
	s0 =	simm.s32 @p1 $0x1  }
0x15: {  	[smem:$0x3FA7] =	sst s0;
	s0 =	simm.s32 @!p2 $0x0  }
0x16: {  	s3 =	sld [smem:$0x3FDB];
	s0 =	simm.s32 @p2 $0x1  }
0x17: {  	s4 =	simm.s32 $0x1BF5;
	[smem:$0x3FA9] =	sst s0  }
0x18: {  	s0 =	sld [smem:$0x3F8C];
	_ =	swait.ge [sflag:s4], $0x0  }
0x19: {  	s7 =	sld [smem:$0x3F8D]  }
0x1a: {  	s8 =	sadd.s32 $0xFFFFE003, lr  }
0x1b: {  	s9 =	sadd.s32 $0xFFFFFEF7, lr;
	s5 =	simm.s32 $0xFFFFFFFF;
	p2 =	slt.u32 s8, $0xFFFFF086  }
0x1c: {  	p1 =	slt.u32 s9, $0xF7A;
	s5 =	simm.s32 @!p2 $0x0  }
0x1d: {  	s5 =	simm.s32 @p1 $0x1;
	p0 =	seq.s32 s7, s2  }
0x1e: {  	s7 =	smul.u32 @!p0 $0xF7A, s2;
	p2 =	seq.s32 @!p0 s5, $0x0  }
0x1f: {  	s9 =	smul.u32 $0xF7A, s1;
	s8 =	simm.s32 @!p0 $0x1BF5;
	p2 =	por !p2, p0  }
0x20: {  	[sflag:s8] =	ssyncset.s32 @!p0 $0xFFFFF086;
	s6 =	sadd.s32 @!p0 s3, s7;
	s7 =	simm.s32 @!p0 $0x108  }
0x21: {  	s3 =	sadd.s32 s3, s9;
	s6 =	sadd.s32 @!p0 $0x88, s6;
	s7 =	simm.s32 @p2 $0x1082  }
0x22: {  	[simem:s7], [sflag:s8] =	dma.local @!p0 [hbm:s6], $0xF7A  }
0x23: {  	s9 =	sor.u32 $0xD0000000, s2;
	s6 =	simm.s32 $0x108;
	_ =	swait.ge @!p0 [sflag:s8], $0x0  }
0x24: {  	s3 =	sadd.s32 $0x88, s3;
	s6 =	simm.s32 @!p1 $0x1082;
	[sflag:s4] =	ssyncset.s32 $0xFFFFF086  }
0x25: {  	[simem:s6], [sflag:s4] =	dma.local [hbm:s3], $0xF7A  }
0x26: {  	[smem:$0x3F8D] =	sst s1;
	(tag) =	ssettag s2;
	_ =	strace s9  }
0x27: {  	s1 =	sld [smem:$0x3F9D]  }
0x28: {  	s2 =	sld [smem:$0x3F9E]  }
0x29: {  	s4 =	sld [smem:$0x3FA0]  }
0x2a: {  	p0 =	seq.s32 s5, $0x0;
	s5 =	sld [smem:$0x3FA1]  }
0x2b: {  	s6 =	sld [smem:$0x3FA2]  }
0x2c: {  	s7 =	sld [smem:$0x3FA3]  }
0x2d: {  	s3 =	simm.s32 $0x108;
	s8 =	sld [smem:$0x3FA4]  }
0x2e: {  	s3 =	simm.s32 @!p0 $0x1082;
	s9 =	sld [smem:$0x3FA5]  }
0x2f: {  	lr =	sadd.s32 s0, s3;
	s0 =	sld [smem:$0x3F9C]  }
0x30: {  	s3 =	sld [smem:$0x3F9F]  }
0x31: {  	[smem:$0x3FA8] =	sst s10  }
0x32: {  	s10 =	sld [smem:$0x3FA6];
	_ =	sdelay $0x3  }
0x33: {  	p0 =	seq.s32 s10, $0x1;
	s10 =	sld [smem:$0x3FA8];
	_ =	sdelay $0x3  }
0x34: {  	[smem:$0x3FA8] =	sst s10  }
0x35: {  	s10 =	sld [smem:$0x3FA7];
	_ =	sdelay $0x3  }
0x36: {  	p1 =	seq.s32 s10, $0x1;
	s10 =	sld [smem:$0x3FA8];
	_ =	sdelay $0x3  }
0x37: {  	[smem:$0x3FA8] =	sst s10  }
0x38: {  	s10 =	sld [smem:$0x3FA9]  }
0x39: {  	_ = 	snop;
	(pc) =	sbr.ind lr, $3  }
0x3a: {  	_ = 	snop  }
0x3b: {  	_ = 	snop  }
0x3c: {  	p2 =	seq.s32 s10, $0x1;
	s10 =	sld [smem:$0x3FA8]  }
0x3d: {  	_ =	shalt  }
0x3e: {  	_ =	shalt  }
0x3f: {  	_ =	shalt  }
0x40: {  	_ =	shalt  }
0x41: {  	_ =	shalt  }
0x42: {  	_ =	shalt  }
0x43: {  	_ =	shalt  }
0x44: {  	_ =	shalt  }
0x45: {  	_ =	shalt  }
0x46: {  	_ =	shalt  }
0x47: {  	_ =	shalt  }
0x48: {  	_ =	shalt  }
0x49: {  	_ =	shalt  }
0x4a: {  	_ =	shalt  }
0x4b: {  	_ =	shalt  }
0x4c: {  	_ =	shalt  }
0x4d: {  	_ =	shalt  }
0x4e: {  	_ =	shalt  }
0x4f: {  	_ =	shalt  }
0x50: {  	_ =	shalt  }
0x51: {  	_ =	shalt  }
0x52: {  	_ =	shalt  }
0x53: {  	_ =	shalt  }
0x54: {  	_ =	shalt  }
0x55: {  	_ =	shalt  }
0x56: {  	_ =	shalt  }
0x57: {  	_ =	shalt  }
0x58: {  	_ =	shalt  }
0x59: {  	_ =	shalt  }
0x5a: {  	_ =	shalt  }
0x5b: {  	_ =	shalt  }
0x5c: {  	_ =	shalt  }
0x5d: {  	_ =	shalt  }
0x5e: {  	_ =	shalt  }
0x5f: {  	_ =	shalt  }
0x60: {  	_ =	shalt  }
0x61: {  	_ =	shalt  }
0x62: {  	_ =	shalt  }
0x63: {  	_ =	shalt  }
0x64: {  	_ =	shalt  }
0x65: {  	_ =	shalt  }
0x66: {  	_ =	shalt  }
0x67: {  	_ =	shalt  }
0x68: {  	_ =	shalt  }
0x69: {  	_ =	shalt  }
0x6a: {  	_ =	shalt  }
0x6b: {  	_ =	shalt  }
0x6c: {  	_ =	shalt  }
0x6d: {  	_ =	shalt  }
0x6e: {  	_ =	shalt  }
0x6f: {  	_ =	shalt  }
0x70: {  	_ =	shalt  }
0x71: {  	_ =	shalt  }
0x72: {  	_ =	shalt  }
0x73: {  	_ =	shalt  }
0x74: {  	_ =	shalt  }
0x75: {  	_ =	shalt  }
0x76: {  	_ =	shalt  }
0x77: {  	_ =	shalt  }
0x78: {  	_ =	shalt  }
0x79: {  	_ =	shalt  }
0x7a: {  	_ =	shalt  }
0x7b: {  	_ =	shalt  }
0x7c: {  	_ =	shalt  }
0x7d: {  	_ =	shalt  }
0x7e: {  	_ =	shalt  }
0x7f: {  	_ =	shalt  }
0x80: {  	_ =	shalt  }
0x81: {  	_ =	shalt  }
0x82: {  	_ =	shalt  }
0x83: {  	_ =	shalt  }
0x84: {  	_ =	shalt  }
0x85: {  	_ =	shalt  }
0x86: {  	_ =	shalt  }
0x87: {  	_ =	shalt  }
.Lfunc_end0:
.L_simem_size_0:
called_computation.1_lowered:
.L_overlay_start_0:
0x88: {  	s2 =	sld [smem:$0x3FD9]  }
0x89: {  	s3 =	sld [smem:$0x3FFE];
	_ =	sdelay $0x1  }
0x8a: {  	s1 =	srdreg.scid  }
0x8b: {  	s0 =	sand.u32 $0x1, s1  }
0x8c: {  	s16 =	sshll.u32 s0, $0xA;
	s2 =	sadd.s32 s3, s2  }
0x8d: {  	s2 =	sadd.s32 s2, s16  }
0x8e: {  	[smem:$0x3FB4] =	sst s2  }
0x8f: {  	_ = 	snop  }
0x90: {  	(tm) =	ssettm $0x1  }
0x91: {  	s17 =	sld [smem:$0x3FFB];
	_ =	sdelay $0x3  }
0x92: {  	_ =	strace s17  }
0x93: {  	s2 =	sld [smem:$0x3FFC];
	_ =	sdelay $0x3  }
0x94: {  	_ =	strace s2  }
0x95: {  	s2 =	sld [smem:$0x3FFD];
	_ =	sdelay $0x3  }
0x96: {  	_ =	strace s2  }
0x97: {  	_ =	strace $0x8FFFFFFF  }
0x98: {  	s18 =	sld [smem:$0x3FDB];
	_ =	sdelay $0x1  }
0x99: {  	s19 =	simm.s32 $_scs_section_size  }
0x9a: {  	s4 =	simm.s32 $_size__tile_overlayer_lowered;
	s5 =	simm.s32 $_tile_overlayer_lowered  }
0x9b: {  	s22 =	simm.s32 $0x1BFF;
	s21 =	sshll.u32 s5, $0x1;
	s2 =	sadd.s32 s19, s18  }
0x9c: {  	s6 =	simm.s32 $0x0;
	s20 =	sshll.u32 s4, $0x1;
	s4 =	sadd.s32 s21, s2  }
0x9d: {  	[timem:s6], [sflag:s22] =	dma.local [hbm:s4], s20  }
0x9e: {  	_ =	swait.ge [sflag:s22], s20  }
0x9f: {  	s3 =	ssub.s32 $0x0, s20;
	[sflag:s22] =	ssyncset.done $0x0  }
0xa0: {  	[sflag:s22] =	ssyncadd.s32 s3;
	_ =	sdelay $0x1  }
0xa1: {  	s23 =	simm.s32 $0x1B8B  }
0xa2: {  	_ =	swait.ge [sflag:s23], $0x1  }
0xa3: {  	[sflag:s23] =	ssyncset.done $0x0  }
0xa4: {  	s25 =	simm.s32 $0x1B8E;
	s24 =	sld [smem:$0x3FFE];
	[sflag:s23] =	ssyncadd.s32 $0xFFFFFFFF  }
0xa5: {  	s26 =	simm.s32 $execute0_lowered;
	[smem:$0x3FD2] =	sst s25  }
0xa6: {  	s4 =	sshll.u32 s26, $0x1;
	_ =	strace $0x80000049;
	[dreg:$0x1] =	wrdreg $0xFFFFFFFF  }
0xa7: {  	s28 =	simm.s32 $_size_execute0_lowered;
	s2 =	sadd.s32 s2, s4;
	[dreg:$0x0] =	wrdreg $0x0  }
0xa8: {  	s4 =	sshll.u32 s28, $0x1;
	[dreg:$0x2] =	wrdreg s2  }
0xa9: {  	[dreg:$0x3] =	wrdreg s4  }
0xaa: {  	[dreg:$0x4] =	wrdreg $0xC0  }
0xab: {  	_ =	task [dreg:s6], $0x5FFFF  }
0xac: {  	[dreg:$0x1] =	wrdreg $0xFFFFFFFF  }
0xad: {  	[dreg:$0x0] =	wrdreg $0x60  }
0xae: {  	[dreg:$0x2] =	wrdreg s24  }
0xaf: {  	[dreg:$0x3] =	wrdreg $0x81000  }
0xb0: {  	[dreg:$0x4] =	wrdreg $0x9  }
0xb1: {  	_ =	task.clear_ibuf [dreg:s6], $0x5FFFF;
	_ =	strace $0x90000049  }
0xb2: {  	s29 =	simm.s32 $0x9;
	_ =	strace $0x8000004B  }
0xb3: {  	_ =	swait.ge [sflag:s29], $0x1  }
0xb4: {  	[sflag:s29] =	ssyncadd.s32 $0xFFFFFFFF  }
0xb5: {  	_ =	strace $0x9000004B  }
0xb6: {  	_ =	sfence  }
0xb7: {  	s30 =	sld [smem:$0x0];
	_ =	sdelay $0x2  }
0xb8: {  	s31 =	sshll.u32 s1, $0xD;
	s1 =	sshrl.u32 s1, $0x2  }
0xb9: {  	s3 =	sand.u32 $0x4000, s31;
	s1 =	sadd.s32 s1, s30  }
0xba: {  	s0 =	sor.u32 s3, s0;
	s1 =	sshll.u32 s1, $0x11  }
0xbb: {  	s0 =	sor.u32 s1, s0  }
0xbc: {  	s0 =	sadd.s32 $0x8F2B, s0  }
0xbd: {  	[sflag:s0] =	ssyncadd.remote.s32 $0x1  }
0xbe: {  	_ =	sfence.sel $0xFFFF  }
0xbf: {  	[dreg:$0x0] =	wrdreg $0xFFFFFFFF;
	(pc) =	sbr.abs _section_cstart, $3  }
0xc0: {  	[dreg:$0x1] =	wrdreg $0xFFFFFFFF  }
0xc1: {  	_ =	task.clear_ibuf [dreg:s6], $0x2FFFF;
	_ =	strace $0x9FFFFFFF  }
0xc2: {  	(tm) =	ssettm $0x7FFFFFFF  }
0xc3: {  	_ =	shalt  }
tec
execute0_lowered:
.L_overlay_start_1:
0x0: {  	(tag) =	ssettag $0x1  }
0x1: {  	s4 =	rddreg [dreg:$0x0]  }
0x2: {  	s2 =	rddreg [dreg:$0x1]  }
0x3: {  	s0 =	rddreg [dreg:$0x2]  }
0x4: {  	s1 =	stileid.u32;
	s5 =	srdreg.scid;
	s3 =	simm.s32 $0x0  }
0x5: {  	s16 =	simm.s32 $0x4080;
	s17 =	simm.s32 $0x4100;
	s18 =	simm.s32 $0x1  }
0x6: {  	s19 =	simm.s32 $0x2;
	s6 =	smul.u32 $0x14000, s1;
	s10 =	sand.u32 $0x1, s5  }
0x7: {  	[smem:$0x7FF] =	sst s3;
	s11 =	sadd.s32 $0xEE8000, s4;
	s12 =	sadd.s32 $0x10200, s4  }
0x8: {  	s8 =	smul.u32 $0x50000, s1;
	s22 =	sshll.u32 s1, $0x1;
	s24 =	sshll.u32 s1, $0x6  }
0x9: {  	s28 =	sshll.u32 s1, $0xC;
	s29 =	sshll.u32 s1, $0x5;
	s5 =	smul.u32 $0x140000, s10  }
0xa: {  	_ =	strace $0x8000004A;
	s20 =	ssub.s32 $0x2, s10;
	s30 =	sshll.u32 s10, $0xB  }
0xb: {  	s31 =	sshll.u32 s10, $0x4;
	s7 =	sshrl.u32 s6, $0x3;
	s21 =	sshrl.u32 s20, $0x1  }
0xc: {  	s23 =	sshrl.u32 s8, $0x2;
	s5 =	sadd.s32 s6, s5;
	s7 =	sadd.s32 s7, s4  }
0xd: {  	s13 =	ssub.s32 s20, s21;
	s14 =	sadd.s32 s23, s2;
	s20 =	sor.u32 $0x9C0, s22  }
0xe: {  	s5 =	sshrl.u32 s5, $0x3;
	s15 =	sor.u32 s10, s20;
	p0 =	sgt.u32 s20, $0x9C3  }
0xf: {  	s20 =	simm.s32 $0x0;
	s9 =	sadd.s32 s5, s4;
	s4 =	sadd.s32 $0x42000, s7  }
0x10: {  	s5 =	sor.u32 $0x1C03, s24;
	s7 =	smax.u32 s13, $0x1;
	s25 =	sshll.u32 s15, $0x4  }
0x11: {  	s26 =	sshll.u32 s15, $0xB;
	s13 =	simm.s32 $0x3;
	s15 =	simm.s32 $0x80  }
0x12: {  	s6 =	sadd.s32 $0x6A000, s9;
	s9 =	sadd.s32 s11, s26;
	s11 =	sadd.s32 s28, s11  }
0x13: {  	s8 =	sadd.s32 s12, s25;
	s12 =	sadd.s32 s29, s12;
	s10 =	sadd.s32 s30, s11  }
0x14: {  	s11 =	sadd.s32 s31, s12;
	s12 =	sshrl.u32 s14, $0x3;
	s14 =	simm.s32 $0x4  }
.LBB2_1:
0x15: {  	[spmem:s12], [sflag:s5] =	dma.local [hbm:s4], $0x2800  }
0x16: {  	_ =	swait.ge [sflag:s13], $0x2800  }
0x17: {  	[sflag:s13] =	ssyncset.done $0x0  }
0x18: {  	[sflag:s13] =	ssyncadd.s32 $0xFFFFD800  }
0x19: {  	[bflag:$0x0] =	sbarrier.arrive $0xFFFF  }
0x1a: {  	[tilespmem:s3], [sflag:$0x4] =	stream.linear.gather [hbm4b:s11+s3], $0x80, $0x38;
	[tilespmem:$0x1C100] =	vst v63  }
0x1b: {  	_ =	swait.ge [sflag:s14], $0x80  }
0x1c: {  	[sflag:s14] =	ssyncset.done $0x0  }
0x1d: {  	s21 =	sadd.s32 $0x0, s10;
	[sflag:s14] =	ssyncadd.s32 $0xFFFFFF80  }
0x1e: {  	[tilespmem:s15], [sflag:$0x1] =	stream.linear.gather [hbm4b:s21+s3], $0x4000, $0x38;
	[tilespmem:$0x1C100] =	vst v63  }
0x1f: {  	s22 =	sadd.s32 $0x200, s11  }
0x20: {  	[tilespmem:s16], [sflag:$0x4] =	stream.linear.gather [hbm4b:s22+s3], $0x80, $0x38;
	[tilespmem:$0x1C100] =	vst v63  }
0x21: {  	_ =	swait.ge [sflag:s14], $0x80  }
0x22: {  	[sflag:s14] =	ssyncset.done $0x0  }
0x23: {  	s21 =	sadd.s32 $0x10000, s21;
	[sflag:s14] =	ssyncadd.s32 $0xFFFFFF80  }
0x24: {  	[tilespmem:s17], [sflag:$0x2] =	stream.linear.gather [hbm4b:s21+s3], $0x4000, $0x38;
	[tilespmem:$0x1C100] =	vst v63  }
0x25: {  	_ =	swait.ge [sflag:s18], $0x4000  }
0x26: {  	[sflag:s18] =	ssyncset.done $0x0  }
0x27: {  	[sflag:s18] =	ssyncadd.s32 $0xFFFFC000  }
0x28: {  	[spmem:s2] =	stream.indirect.scatter.add.f32 [tilespmem:s15], [sflag:$0x4], $0x80, s3, s15, $0xb8;
	[tilespmem:$0x1C100] =	vst v63  }
0x29: {  	_ =	swait.ge [sflag:s14], $0x4000  }
0x2a: {  	[sflag:s14] =	ssyncset.done $0x0  }
0x2b: {  	[sflag:s14] =	ssyncadd.s32 $0xFFFFC000  }
0x2c: {  	_ =	swait.ge [sflag:s19], $0x4000  }
0x2d: {  	[sflag:s19] =	ssyncset.done $0x0  }
0x2e: {  	[sflag:s19] =	ssyncadd.s32 $0xFFFFC000  }
0x2f: {  	[spmem:s2] =	stream.indirect.scatter.add.f32 [tilespmem:s17], [sflag:$0x3], $0x80, s16, s15, $0xb8;
	[tilespmem:$0x1C100] =	vst v63  }
0x30: {  	_ =	swait.ge [sflag:s13], $0x4000  }
0x31: {  	s22 =	smov.u32 s11;
	s21 =	simm.s32 $0x20000;
	[sflag:s13] =	ssyncset.done $0x0  }
.LBB2_2:
0x32: {  	p1 =	sne.s32 s21, $0x4C0000;
	[sflag:s13] =	ssyncadd.s32 $0xFFFFC000;
	s22 =	sadd.s32 $0x400, s22  }
0x33: {  	[tilespmem:s3], [sflag:$0x4] =	stream.linear.gather [hbm4b:s22+s3], $0x80, $0x38;
	[tilespmem:$0x1C100] =	vst v63  }
0x34: {  	s23 =	smov.u32 s21;
	s21 =	sadd.s32 $0x20000, s21;
	_ =	swait.ge [sflag:s14], $0x80  }
0x35: {  	[sflag:s14] =	ssyncset.done $0x0  }
0x36: {  	s23 =	sadd.s32 s23, s10;
	[sflag:s14] =	ssyncadd.s32 $0xFFFFFF80  }
0x37: {  	[tilespmem:s15], [sflag:$0x1] =	stream.linear.gather [hbm4b:s23+s3], $0x4000, $0x38;
	[tilespmem:$0x1C100] =	vst v63  }
0x38: {  	s24 =	sadd.s32 $0x200, s22  }
0x39: {  	[tilespmem:s16], [sflag:$0x4] =	stream.linear.gather [hbm4b:s24+s3], $0x80, $0x38;
	[tilespmem:$0x1C100] =	vst v63  }
0x3a: {  	_ =	swait.ge [sflag:s14], $0x80  }
0x3b: {  	[sflag:s14] =	ssyncset.done $0x0  }
0x3c: {  	s23 =	sadd.s32 $0x10000, s23;
	[sflag:s14] =	ssyncadd.s32 $0xFFFFFF80  }
0x3d: {  	[tilespmem:s17], [sflag:$0x2] =	stream.linear.gather [hbm4b:s23+s3], $0x4000, $0x38;
	[tilespmem:$0x1C100] =	vst v63  }
0x3e: {  	_ =	swait.ge [sflag:s18], $0x4000  }
0x3f: {  	[sflag:s18] =	ssyncset.done $0x0  }
0x40: {  	[sflag:s18] =	ssyncadd.s32 $0xFFFFC000  }
0x41: {  	[spmem:s2] =	stream.indirect.scatter.add.f32 [tilespmem:s15], [sflag:$0x4], $0x80, s3, s15, $0xb8;
	[tilespmem:$0x1C100] =	vst v63  }
0x42: {  	_ =	swait.ge [sflag:s14], $0x4000  }
0x43: {  	[sflag:s14] =	ssyncset.done $0x0  }
0x44: {  	[sflag:s14] =	ssyncadd.s32 $0xFFFFC000  }
0x45: {  	_ =	swait.ge [sflag:s19], $0x4000  }
.Ltmp0:
0x46: {  	[sflag:s19] =	ssyncset.done $0x0;
	(pc) =	sbr.rel @p1 .LBB2_2-.Ltmp0, $4  }
0x47: {  	[sflag:s19] =	ssyncadd.s32 $0xFFFFC000  }
0x48: {  	[spmem:s2] =	stream.indirect.scatter.add.f32 [tilespmem:s17], [sflag:$0x3], $0x80, s16, s15, $0xb8;
	[tilespmem:$0x1C100] =	vst v63  }
0x49: {  	_ =	swait.ge [sflag:s13], $0x4000  }
0x4a: {  	[sflag:s13] =	ssyncset.done $0x0  }
0x4b: {  	[sflag:s13] =	ssyncadd.s32 $0xFFFFC000;
	s21 =	simm.s32 @!p0 $0x0;
	s22 =	simm.s32 @!p0 $0x4  }
0x4c: {  	[tilespmem:s21], [sflag:$0x4] =	stream.linear.gather @!p0 [hbm4b:s8+s21], $0x80, $0x38;
	[tilespmem:$0x1C100] =	vst v63  }
0x4d: {  	_ =	swait.ge @!p0 [sflag:s22], $0x80  }
0x4e: {  	[sflag:s22] =	ssyncset.done @!p0 $0x0  }
0x4f: {  	s23 =	simm.s32 @!p0 $0x80;
	s24 =	simm.s32 @!p0 $0x1;
	[sflag:s22] =	ssyncadd.s32 @!p0 $0xFFFFFF80  }
0x50: {  	[tilespmem:s23], [sflag:$0x1] =	stream.linear.gather @!p0 [hbm4b:s9+s21], $0x4000, $0x38;
	[tilespmem:$0x1C100] =	vst v63  }
0x51: {  	_ =	swait.ge @!p0 [sflag:s24], $0x4000  }
0x52: {  	[sflag:s24] =	ssyncset.done @!p0 $0x0  }
0x53: {  	[sflag:s24] =	ssyncadd.s32 @!p0 $0xFFFFC000  }
0x54: {  	[spmem:s2] =	stream.indirect.scatter.add.f32 @!p0 [tilespmem:s23], [sflag:$0x4], $0x80, s21, s23, $0xb8;
	[tilespmem:$0x1C100] =	vst v63  }
0x55: {  	_ =	swait.ge @!p0 [sflag:s22], $0x4000  }
0x56: {  	s20 =	sadd.s32 $0x1, s20;
	[sflag:s22] =	ssyncset.done @!p0 $0x0  }
0x57: {  	p1 =	sne.s32 s20, s7;
	[sflag:s22] =	ssyncadd.s32 @!p0 $0xFFFFC000  }
.Ltmp1:
0x58: {  	[bflag:$0x0] =	sbarrier.arrive $0xFFFF;
	(pc) =	sbr.rel @p1 .LBB2_1-.Ltmp1, $4  }
0x59: {  	[hbm:s6], [sflag:s5] =	dma.local [spmem:s12], $0x2800  }
0x5a: {  	_ =	swait.ge [sflag:s13], $0x2800  }
0x5b: {  	[sflag:s13] =	ssyncset.done $0x0  }
0x5c: {  	[sflag:s13] =	ssyncadd.s32 $0xFFFFD800  }
0x5d: {  	_ =	sfence.sel $0x180000  }
0x5e: {  	[bflag:$0x0] =	sbarrier.arrive $0xFFFF  }
0x5f: {  	p0 =	sne.s32 s1, $0x0;
	_ =	strace $0x9000004A  }
0x60: {  	s0 =	sadd.s32 @!p0 $0x100000, s0;
	[bflag:$0x2] =	sbarrier.arrive $0xFFFF  }
0x61: {  	[sflag:s0] =	ssyncadd.tile.s32 @!p0 $0x1;
	_ =	shalt  }
.Lfunc_end2:
_tile_overlayer_lowered:
.L_overlay_start_2:
0x62: {  	(tag) =	ssettag $0x2  }
0x63: {  	s0 =	rddreg [dreg:$0x0];
	s2 =	stileid.u32  }
0x64: {  	s1 =	rddreg [dreg:$0x1];
	p0 =	sne.s32 s2, $0x0  }
0x65: {  	s3 =	rddreg [dreg:$0x2];
	[bflag:$0x3] =	sbarrier.arrive $0xFFFF;
	s2 =	simm.s32 @!p0 $0x1C03  }
0x66: {  	[timem:s3], [sflag:s2] =	dma.local @!p0 [hbm:s0], s1  }
0x67: {  	s0 =	simm.s32 @!p0 $0x3  }
0x68: {  	_ =	swait.ge @!p0 [sflag:s0], s1  }
0x69: {  	s1 =	ssub.s32 @!p0 $0x0, s1;
	[sflag:s0] =	ssyncset.done @!p0 $0x0  }
0x6a: {  	[sflag:s0] =	ssyncadd.s32 @!p0 s1  }
0x6b: {  	[bflag:$0x3] =	sbarrier.arrive $0xFFFF  }
0x6c: {  	_ =	shalt  }

// kernel: kernel.19.cloned.1.call-start
scs
__scs_entry_jumppad:
0x0: {  	(pc) =	sbr.rel $0x88, $3  }
0x1: {  	(tag) =	ssettag $0x0;
	lr =	simm.s32 $0x1  }
0x2: {  	[smem:$0x3F8D] =	sst lr;
	_ =	strace $0xD0000000  }
0x3: {  	_ = 	snop  }
0x4: {  	_ = 	snop  }
0x5: {  	_ = 	snop  }
0x6: {  	_ = 	snop  }
0x7: {  	_ = 	snop  }
__scs_overlays_trampoline_lowered:
0x8: {  	[smem:$0x3F9C] =	sst s0  }
0x9: {  	[smem:$0x3F9D] =	sst s1  }
0xa: {  	[smem:$0x3F9E] =	sst s2  }
0xb: {  	[smem:$0x3F9F] =	sst s3  }
0xc: {  	[smem:$0x3FA0] =	sst s4  }
0xd: {  	[smem:$0x3FA1] =	sst s5  }
0xe: {  	[smem:$0x3FA2] =	sst s6  }
0xf: {  	[smem:$0x3FA3] =	sst s7  }
0x10: {  	[smem:$0x3FA4] =	sst s8  }
0x11: {  	[smem:$0x3FA5] =	sst s9;
	s0 =	simm.s32 @!p0 $0x0  }
0x12: {  	s1 =	sld [smem:$0x3F8B];
	s0 =	simm.s32 @p0 $0x1  }
0x13: {  	[smem:$0x3FA6] =	sst s0;
	s0 =	simm.s32 @!p1 $0x0  }
0x14: {  	s2 =	sld [smem:$0x3F8A];
	s0 =	simm.s32 @p1 $0x1  }
0x15: {  	[smem:$0x3FA7] =	sst s0;
	s0 =	simm.s32 @!p2 $0x0  }
0x16: {  	s3 =	sld [smem:$0x3FDB];
	s0 =	simm.s32 @p2 $0x1  }
0x17: {  	s4 =	simm.s32 $0x1BF5;
	[smem:$0x3FA9] =	sst s0  }
0x18: {  	s0 =	sld [smem:$0x3F8C];
	_ =	swait.ge [sflag:s4], $0x0  }
0x19: {  	s7 =	sld [smem:$0x3F8D]  }
0x1a: {  	s8 =	sadd.s32 $0xFFFFE003, lr  }
0x1b: {  	s9 =	sadd.s32 $0xFFFFFEF7, lr;
	s5 =	simm.s32 $0xFFFFFFFF;
	p2 =	slt.u32 s8, $0xFFFFF086  }
0x1c: {  	p1 =	slt.u32 s9, $0xF7A;
	s5 =	simm.s32 @!p2 $0x0  }
0x1d: {  	s5 =	simm.s32 @p1 $0x1;
	p0 =	seq.s32 s7, s2  }
0x1e: {  	s7 =	smul.u32 @!p0 $0xF7A, s2;
	p2 =	seq.s32 @!p0 s5, $0x0  }
0x1f: {  	s9 =	smul.u32 $0xF7A, s1;
	s8 =	simm.s32 @!p0 $0x1BF5;
	p2 =	por !p2, p0  }
0x20: {  	[sflag:s8] =	ssyncset.s32 @!p0 $0xFFFFF086;
	s6 =	sadd.s32 @!p0 s3, s7;
	s7 =	simm.s32 @!p0 $0x108  }
0x21: {  	s3 =	sadd.s32 s3, s9;
	s6 =	sadd.s32 @!p0 $0x88, s6;
	s7 =	simm.s32 @p2 $0x1082  }
0x22: {  	[simem:s7], [sflag:s8] =	dma.local @!p0 [hbm:s6], $0xF7A  }
0x23: {  	s9 =	sor.u32 $0xD0000000, s2;
	s6 =	simm.s32 $0x108;
	_ =	swait.ge @!p0 [sflag:s8], $0x0  }
0x24: {  	s3 =	sadd.s32 $0x88, s3;
	s6 =	simm.s32 @!p1 $0x1082;
	[sflag:s4] =	ssyncset.s32 $0xFFFFF086  }
0x25: {  	[simem:s6], [sflag:s4] =	dma.local [hbm:s3], $0xF7A  }
0x26: {  	[smem:$0x3F8D] =	sst s1;
	(tag) =	ssettag s2;
	_ =	strace s9  }
0x27: {  	s1 =	sld [smem:$0x3F9D]  }
0x28: {  	s2 =	sld [smem:$0x3F9E]  }
0x29: {  	s4 =	sld [smem:$0x3FA0]  }
0x2a: {  	p0 =	seq.s32 s5, $0x0;
	s5 =	sld [smem:$0x3FA1]  }
0x2b: {  	s6 =	sld [smem:$0x3FA2]  }
0x2c: {  	s7 =	sld [smem:$0x3FA3]  }
0x2d: {  	s3 =	simm.s32 $0x108;
	s8 =	sld [smem:$0x3FA4]  }
0x2e: {  	s3 =	simm.s32 @!p0 $0x1082;
	s9 =	sld [smem:$0x3FA5]  }
0x2f: {  	lr =	sadd.s32 s0, s3;
	s0 =	sld [smem:$0x3F9C]  }
0x30: {  	s3 =	sld [smem:$0x3F9F]  }
0x31: {  	[smem:$0x3FA8] =	sst s10  }
0x32: {  	s10 =	sld [smem:$0x3FA6];
	_ =	sdelay $0x3  }
0x33: {  	p0 =	seq.s32 s10, $0x1;
	s10 =	sld [smem:$0x3FA8];
	_ =	sdelay $0x3  }
0x34: {  	[smem:$0x3FA8] =	sst s10  }
0x35: {  	s10 =	sld [smem:$0x3FA7];
	_ =	sdelay $0x3  }
0x36: {  	p1 =	seq.s32 s10, $0x1;
	s10 =	sld [smem:$0x3FA8];
	_ =	sdelay $0x3  }
0x37: {  	[smem:$0x3FA8] =	sst s10  }
0x38: {  	s10 =	sld [smem:$0x3FA9]  }
0x39: {  	_ = 	snop;
	(pc) =	sbr.ind lr, $3  }
0x3a: {  	_ = 	snop  }
0x3b: {  	_ = 	snop  }
0x3c: {  	p2 =	seq.s32 s10, $0x1;
	s10 =	sld [smem:$0x3FA8]  }
0x3d: {  	_ =	shalt  }
0x3e: {  	_ =	shalt  }
0x3f: {  	_ =	shalt  }
0x40: {  	_ =	shalt  }
0x41: {  	_ =	shalt  }
0x42: {  	_ =	shalt  }
0x43: {  	_ =	shalt  }
0x44: {  	_ =	shalt  }
0x45: {  	_ =	shalt  }
0x46: {  	_ =	shalt  }
0x47: {  	_ =	shalt  }
0x48: {  	_ =	shalt  }
0x49: {  	_ =	shalt  }
0x4a: {  	_ =	shalt  }
0x4b: {  	_ =	shalt  }
0x4c: {  	_ =	shalt  }
0x4d: {  	_ =	shalt  }
0x4e: {  	_ =	shalt  }
0x4f: {  	_ =	shalt  }
0x50: {  	_ =	shalt  }
0x51: {  	_ =	shalt  }
0x52: {  	_ =	shalt  }
0x53: {  	_ =	shalt  }
0x54: {  	_ =	shalt  }
0x55: {  	_ =	shalt  }
0x56: {  	_ =	shalt  }
0x57: {  	_ =	shalt  }
0x58: {  	_ =	shalt  }
0x59: {  	_ =	shalt  }
0x5a: {  	_ =	shalt  }
0x5b: {  	_ =	shalt  }
0x5c: {  	_ =	shalt  }
0x5d: {  	_ =	shalt  }
0x5e: {  	_ =	shalt  }
0x5f: {  	_ =	shalt  }
0x60: {  	_ =	shalt  }
0x61: {  	_ =	shalt  }
0x62: {  	_ =	shalt  }
0x63: {  	_ =	shalt  }
0x64: {  	_ =	shalt  }
0x65: {  	_ =	shalt  }
0x66: {  	_ =	shalt  }
0x67: {  	_ =	shalt  }
0x68: {  	_ =	shalt  }
0x69: {  	_ =	shalt  }
0x6a: {  	_ =	shalt  }
0x6b: {  	_ =	shalt  }
0x6c: {  	_ =	shalt  }
0x6d: {  	_ =	shalt  }
0x6e: {  	_ =	shalt  }
0x6f: {  	_ =	shalt  }
0x70: {  	_ =	shalt  }
0x71: {  	_ =	shalt  }
0x72: {  	_ =	shalt  }
0x73: {  	_ =	shalt  }
0x74: {  	_ =	shalt  }
0x75: {  	_ =	shalt  }
0x76: {  	_ =	shalt  }
0x77: {  	_ =	shalt  }
0x78: {  	_ =	shalt  }
0x79: {  	_ =	shalt  }
0x7a: {  	_ =	shalt  }
0x7b: {  	_ =	shalt  }
0x7c: {  	_ =	shalt  }
0x7d: {  	_ =	shalt  }
0x7e: {  	_ =	shalt  }
0x7f: {  	_ =	shalt  }
0x80: {  	_ =	shalt  }
0x81: {  	_ =	shalt  }
0x82: {  	_ =	shalt  }
0x83: {  	_ =	shalt  }
0x84: {  	_ =	shalt  }
0x85: {  	_ =	shalt  }
0x86: {  	_ =	shalt  }
0x87: {  	_ =	shalt  }
.Lfunc_end0:
.L_simem_size_0:
called_computation.2_lowered:
.L_overlay_start_0:
0x88: {  	s2 =	sld [smem:$0x3FD9]  }
0x89: {  	s3 =	sld [smem:$0x3FFE];
	_ =	sdelay $0x1  }
0x8a: {  	s1 =	srdreg.scid  }
0x8b: {  	s0 =	sand.u32 $0x1, s1  }
0x8c: {  	s16 =	sshll.u32 s0, $0xA;
	s2 =	sadd.s32 s3, s2  }
0x8d: {  	s2 =	sadd.s32 s2, s16  }
0x8e: {  	[smem:$0x3FB4] =	sst s2  }
0x8f: {  	_ = 	snop  }
0x90: {  	(tm) =	ssettm $0x1  }
0x91: {  	s17 =	sld [smem:$0x3FFB];
	_ =	sdelay $0x3  }
0x92: {  	_ =	strace s17  }
0x93: {  	s2 =	sld [smem:$0x3FFC];
	_ =	sdelay $0x3  }
0x94: {  	_ =	strace s2  }
0x95: {  	s2 =	sld [smem:$0x3FFD];
	_ =	sdelay $0x3  }
0x96: {  	_ =	strace s2  }
0x97: {  	_ =	strace $0x8FFFFFFF  }
0x98: {  	s18 =	sld [smem:$0x3FDB];
	_ =	sdelay $0x1  }
0x99: {  	s19 =	simm.s32 $_scs_section_size  }
0x9a: {  	s4 =	simm.s32 $_size__tile_overlayer_lowered;
	s5 =	simm.s32 $_tile_overlayer_lowered  }
0x9b: {  	s22 =	simm.s32 $0x1BFF;
	s21 =	sshll.u32 s5, $0x1;
	s2 =	sadd.s32 s19, s18  }
0x9c: {  	s6 =	simm.s32 $0x0;
	s20 =	sshll.u32 s4, $0x1;
	s4 =	sadd.s32 s21, s2  }
0x9d: {  	[timem:s6], [sflag:s22] =	dma.local [hbm:s4], s20  }
0x9e: {  	_ =	swait.ge [sflag:s22], s20  }
0x9f: {  	s3 =	ssub.s32 $0x0, s20;
	[sflag:s22] =	ssyncset.done $0x0  }
0xa0: {  	[sflag:s22] =	ssyncadd.s32 s3;
	_ =	sdelay $0x1  }
0xa1: {  	s23 =	simm.s32 $0x1B8B  }
0xa2: {  	_ =	swait.ge [sflag:s23], $0x1  }
0xa3: {  	[sflag:s23] =	ssyncset.done $0x0  }
0xa4: {  	s25 =	simm.s32 $0x1B8E;
	s24 =	sld [smem:$0x3FFE];
	[sflag:s23] =	ssyncadd.s32 $0xFFFFFFFF  }
0xa5: {  	s26 =	simm.s32 $execute0_lowered;
	[smem:$0x3FD2] =	sst s25  }
0xa6: {  	s4 =	sshll.u32 s26, $0x1;
	_ =	strace $0x8000004C;
	[dreg:$0x1] =	wrdreg $0xFFFFFFFF  }
0xa7: {  	s28 =	simm.s32 $_size_execute0_lowered;
	s2 =	sadd.s32 s2, s4;
	[dreg:$0x0] =	wrdreg $0x0  }
0xa8: {  	s4 =	sshll.u32 s28, $0x1;
	[dreg:$0x2] =	wrdreg s2  }
0xa9: {  	[dreg:$0x3] =	wrdreg s4  }
0xaa: {  	[dreg:$0x4] =	wrdreg $0xC0  }
0xab: {  	_ =	task [dreg:s6], $0x5FFFF  }
0xac: {  	[dreg:$0x1] =	wrdreg $0xFFFFFFFF  }
0xad: {  	[dreg:$0x0] =	wrdreg $0x60  }
0xae: {  	[dreg:$0x2] =	wrdreg s24  }
0xaf: {  	[dreg:$0x3] =	wrdreg $0x9  }
0xb0: {  	_ =	task.clear_ibuf [dreg:s6], $0x4FFFF;
	_ =	strace $0x9000004C  }
0xb1: {  	s29 =	simm.s32 $0x9;
	_ =	strace $0x8000004E  }
0xb2: {  	_ =	swait.ge [sflag:s29], $0x1  }
0xb3: {  	[sflag:s29] =	ssyncadd.s32 $0xFFFFFFFF  }
0xb4: {  	_ =	strace $0x9000004E  }
0xb5: {  	_ =	sfence  }
0xb6: {  	s30 =	sld [smem:$0x0];
	_ =	sdelay $0x2  }
0xb7: {  	s31 =	sshll.u32 s1, $0xD;
	s1 =	sshrl.u32 s1, $0x2  }
0xb8: {  	s3 =	sand.u32 $0x4000, s31;
	s1 =	sadd.s32 s1, s30  }
0xb9: {  	s0 =	sor.u32 s3, s0;
	s1 =	sshll.u32 s1, $0x11  }
0xba: {  	s0 =	sor.u32 s1, s0  }
0xbb: {  	s0 =	sadd.s32 $0x8F2B, s0  }
0xbc: {  	[sflag:s0] =	ssyncadd.remote.s32 $0x1  }
0xbd: {  	_ =	sfence.sel $0xFFFF  }
0xbe: {  	[dreg:$0x0] =	wrdreg $0xFFFFFFFF;
	(pc) =	sbr.abs _section_cstart, $3  }
0xbf: {  	[dreg:$0x1] =	wrdreg $0xFFFFFFFF  }
0xc0: {  	_ =	task.clear_ibuf [dreg:s6], $0x2FFFF;
	_ =	strace $0x9FFFFFFF  }
0xc1: {  	(tm) =	ssettm $0x7FFFFFFF  }
tec
execute0_lowered:
.L_overlay_start_1:
0x0: {  	(tag) =	ssettag $0x1  }
0x1: {  	s4 =	rddreg [dreg:$0x0]  }
0x2: {  	s0 =	rddreg [dreg:$0x1];
	s1 =	simm.s32 $0x0;
	s5 =	srdreg.scid  }
0x3: {  	s2 =	stileid.u32;
	s12 =	simm.s32 $0x6;
	s13 =	simm.s32 $0x80  }
0x4: {  	s14 =	simm.s32 $0x100;
	s15 =	simm.s32 $0x4100;
	s16 =	simm.s32 $0x1  }
0x5: {  	s17 =	simm.s32 $0x2;
	s18 =	simm.s32 $0x0;
	[smem:$0x7FF] =	sst s1  }
0x6: {  	s3 =	sadd.s32 $0x1A000, s4;
	s11 =	sand.u32 $0x1, s5;
	s29 =	sshll.u32 s2, $0x5  }
0x7: {  	s6 =	sshll.u32 s2, $0xC;
	_ =	strace $0x8000004D;
	s7 =	ssub.s32 $0x2, s11  }
.Ltmp0:
0x8: {  	s6 =	sadd.s32 s6, s4;
	s9 =	sshll.u32 s11, $0xB;
	(pc) =	sbr.rel .LBB2_1-.Ltmp0, $4  }
0x9: {  	s10 =	sadd.s32 s29, s4;
	s4 =	sshll.u32 s2, $0x1;
	s8 =	sshrl.u32 s7, $0x1  }
0xa: {  	s31 =	sadd.s32 s9, s6;
	s9 =	sadd.s32 $0x6400, s10;
	s10 =	sadd.s32 $0x10200, s10  }
0xb: {  	s30 =	ssub.s32 s7, s8;
	s6 =	sadd.s32 $0xEE8000, s31;
	s7 =	sadd.s32 $0x6A000, s31  }
0xc: {  	s8 =	sshll.u32 s11, $0x4;
	s11 =	sor.u32 $0x20, s11;
	s5 =	smax.u32 s30, $0x1  }
.LBB2_5:
0xd: {  	s18 =	sadd.s32 $0x1, s18  }
0xe: {  	p0 =	sne.s32 s18, s5  }
.Ltmp1:
0xf: {  	_ = 	snop;
	(pc) =	sbr.rel @!p0 .LBB2_6-.Ltmp1, $1  }
0x10: {  	_ =	sdelay $0x3  }
.LBB2_1:
.Ltmp2:
0x11: {  	(pc) =	sbr.rel .LBB2_2-.Ltmp2, $3  }
0x12: {  	_ =	sdelay $0x1  }
0x13: {  	s19 =	smov.u32 s10  }
0x14: {  	s20 =	smov.u32 s9;
	s21 =	smov.u32 s4;
	s22 =	simm.s32 $0x0  }
.LBB2_4:
0x15: {  	s22 =	sadd.s32 $0x20000, s22  }
0x16: {  	p0 =	sne.s32 s22, $0x500000  }
.Ltmp3:
0x17: {  	_ = 	snop;
	(pc) =	sbr.rel @!p0 .LBB2_5-.Ltmp3, $2  }
0x18: {  	_ =	sdelay $0x2  }
0x19: {  	s21 =	sadd.s32 $0x40, s21;
	s20 =	sadd.s32 $0x400, s20;
	s19 =	sadd.s32 $0x400, s19  }
.LBB2_2:
0x1a: {  	p0 =	sgt.u32 s21, $0x9C3  }
.Ltmp4:
0x1b: {  	_ = 	snop;
	(pc) =	sbr.rel @p0 .LBB2_4-.Ltmp4, $1  }
0x1c: {  	_ =	sdelay $0x3  }
0x1d: {  	s23 =	sadd.s32 s19, s8  }
0x1e: {  	[tilespmem:s1], [sflag:$0x6] =	stream.linear.gather [hbm4b:s23+s1], $0x80, $0x38;
	[tilespmem:$0x10200] =	vst v63  }
0x1f: {  	_ =	swait.ge [sflag:s12], $0x80  }
0x20: {  	[sflag:s12] =	ssyncset.done $0x0  }
0x21: {  	s29 =	sadd.s32 s20, s8;
	[sflag:s12] =	ssyncadd.s32 $0xFFFFFF80  }
0x22: {  	[tilespmem:s13], [sflag:$0x6] =	stream.linear.gather [hbm4b:s29+s1], $0x80, $0x38;
	[tilespmem:$0x10200] =	vst v63  }
0x23: {  	_ =	swait.ge [sflag:s12], $0x80  }
0x24: {  	s23 =	sadd.s32 s21, s11;
	[sflag:s12] =	ssyncset.done $0x0  }
0x25: {  	p0 =	sgt.u32 s23, $0x9C3;
	[sflag:s12] =	ssyncadd.s32 $0xFFFFFF80  }
0x26: {  	[tilespmem:s14], [sflag:$0x1] =	stream.indirect.gather [hbm4b:s3+s13], $0x80, s1, s13, $0xb8;
	[tilespmem:$0x10200] =	vst v63  }
0x27: {  	s24 =	sadd.s32 @!p0 s19, s8  }
0x28: {  	[tilespmem:s15], [sflag:$0x2] =	stream.indirect.gather [hbm4b:s3+s13], $0x80, s13, s13, $0xb8;
	[tilespmem:$0x10200] =	vst v63  }
0x29: {  	s25 =	simm.s32 @!p0 $0x0;
	s26 =	simm.s32 @!p0 $0x8100;
	s24 =	sadd.s32 @!p0 $0x200, s24  }
0x2a: {  	[tilespmem:s26], [sflag:$0x6] =	stream.linear.gather @!p0 [hbm4b:s24+s25], $0x80, $0x38;
	[tilespmem:$0x10200] =	vst v63  }
0x2b: {  	s24 =	simm.s32 @!p0 $0x6  }
0x2c: {  	_ =	swait.ge @!p0 [sflag:s24], $0x80  }
0x2d: {  	s28 =	sadd.s32 @!p0 s20, s8;
	[sflag:s24] =	ssyncset.done @!p0 $0x0  }
0x2e: {  	s28 =	sadd.s32 @!p0 $0x200, s28;
	s29 =	simm.s32 @!p0 $0x8180;
	[sflag:s24] =	ssyncadd.s32 @!p0 $0xFFFFFF80  }
0x2f: {  	[tilespmem:s29], [sflag:$0x6] =	stream.linear.gather @!p0 [hbm4b:s28+s25], $0x80, $0x38;
	[tilespmem:$0x10200] =	vst v63  }
0x30: {  	_ =	swait.ge @!p0 [sflag:s24], $0x80  }
0x31: {  	[sflag:s24] =	ssyncset.done @!p0 $0x0  }
0x32: {  	s25 =	simm.s32 @!p0 $0x8200;
	[sflag:s24] =	ssyncadd.s32 @!p0 $0xFFFFFF80;
	s24 =	simm.s32 @!p0 $0x80  }
0x33: {  	[tilespmem:s25], [sflag:$0x3] =	stream.indirect.gather @!p0 [hbm4b:s3+s24], $0x80, s26, s24, $0xb8;
	[tilespmem:$0x10200] =	vst v63  }
0x34: {  	s25 =	simm.s32 @!p0 $0xC200  }
0x35: {  	[tilespmem:s25], [sflag:$0x4] =	stream.indirect.gather @!p0 [hbm4b:s3+s24], $0x80, s29, s24, $0xb8;
	[tilespmem:$0x10200] =	vst v63  }
0x36: {  	_ =	swait.ge [sflag:s16], $0x4000  }
0x37: {  	[sflag:s16] =	ssyncset.done $0x0  }
0x38: {  	[sflag:s16] =	ssyncadd.s32 $0xFFFFC000  }
0x39: {  	_ =	swait.ge [sflag:s17], $0x4000  }
0x3a: {  	[sflag:s17] =	ssyncset.done $0x0  }
0x3b: {  	s30 =	sadd.s32 s22, s7;
	[sflag:s17] =	ssyncadd.s32 $0xFFFFC000  }
0x3c: {  	[hbm4b:s30+s1] =	stream.linear.scatter [tilespmem:s14], [sflag:$0x6], $0x4000, $0x38;
	[tilespmem:$0x10200] =	vst v63  }
0x3d: {  	_ =	swait.ge [sflag:s12], $0x4000  }
0x3e: {  	[sflag:s12] =	ssyncset.done $0x0  }
0x3f: {  	s31 =	sadd.s32 s22, s6;
	[sflag:s12] =	ssyncadd.s32 $0xFFFFC000  }
0x40: {  	[hbm4b:s31+s1] =	stream.linear.scatter [tilespmem:s15], [sflag:$0x6], $0x4000, $0x38;
	[tilespmem:$0x10200] =	vst v63  }
0x41: {  	_ =	swait.ge [sflag:s12], $0x4000  }
0x42: {  	p0 =	slt.u32 s23, $0x9C4;
	[sflag:s12] =	ssyncset.done $0x0  }
0x43: {  	s23 =	simm.s32 @p0 $0x3;
	[sflag:s12] =	ssyncadd.s32 $0xFFFFC000  }
0x44: {  	_ =	swait.ge @p0 [sflag:s23], $0x4000  }
0x45: {  	[sflag:s23] =	ssyncset.done @p0 $0x0  }
0x46: {  	[sflag:s23] =	ssyncadd.s32 @p0 $0xFFFFC000;
	s23 =	simm.s32 @p0 $0x4  }
0x47: {  	_ =	swait.ge @p0 [sflag:s23], $0x4000  }
0x48: {  	[sflag:s23] =	ssyncset.done @p0 $0x0  }
0x49: {  	[sflag:s23] =	ssyncadd.s32 @p0 $0xFFFFC000;
	s23 =	sadd.s32 @p0 s22, s7  }
0x4a: {  	s24 =	simm.s32 @p0 $0x0;
	s25 =	simm.s32 @p0 $0x8200;
	s23 =	sadd.s32 @p0 $0x10000, s23  }
0x4b: {  	[hbm4b:s23+s24] =	stream.linear.scatter @p0 [tilespmem:s25], [sflag:$0x6], $0x4000, $0x38;
	[tilespmem:$0x10200] =	vst v63  }
0x4c: {  	s23 =	simm.s32 @p0 $0x6  }
0x4d: {  	_ =	swait.ge @p0 [sflag:s23], $0x4000  }
0x4e: {  	s25 =	sadd.s32 @p0 s22, s6;
	[sflag:s23] =	ssyncset.done @p0 $0x0  }
0x4f: {  	[sflag:s23] =	ssyncadd.s32 @p0 $0xFFFFC000;
	s23 =	sadd.s32 @p0 $0x10000, s25;
	s25 =	simm.s32 @p0 $0xC200  }
0x50: {  	[hbm4b:s23+s24] =	stream.linear.scatter @p0 [tilespmem:s25], [sflag:$0x5], $0x4000, $0x38;
	[tilespmem:$0x10200] =	vst v63  }
.Ltmp5:
0x51: {  	_ = 	snop;
	(pc) =	sbr.rel .LBB2_4-.Ltmp5, $4  }
0x52: {  	s23 =	simm.s32 @p0 $0x5  }
0x53: {  	_ =	swait.ge @p0 [sflag:s23], $0x4000  }
0x54: {  	[sflag:s23] =	ssyncset.done @p0 $0x0  }
0x55: {  	[sflag:s23] =	ssyncadd.s32 @p0 $0xFFFFC000  }
.LBB2_6:
0x56: {  	_ =	sfence.sel $0x180000  }
0x57: {  	[bflag:$0x0] =	sbarrier.arrive $0xFFFF  }
0x58: {  	p0 =	sne.s32 s2, $0x0;
	_ =	strace $0x9000004D  }
0x59: {  	s0 =	sadd.s32 @!p0 $0x100000, s0;
	[bflag:$0x2] =	sbarrier.arrive $0xFFFF  }
0x5a: {  	[sflag:s0] =	ssyncadd.tile.s32 @!p0 $0x1;
	_ =	shalt  }
.Lfunc_end2:
_tile_overlayer_lowered:
.L_overlay_start_2:
0x5b: {  	(tag) =	ssettag $0x2  }
0x5c: {  	s0 =	rddreg [dreg:$0x0];
	s2 =	stileid.u32  }
0x5d: {  	s1 =	rddreg [dreg:$0x1];
	p0 =	sne.s32 s2, $0x0  }
0x5e: {  	s3 =	rddreg [dreg:$0x2];
	[bflag:$0x3] =	sbarrier.arrive $0xFFFF;
	s2 =	simm.s32 @!p0 $0x1C05  }
0x5f: {  	[timem:s3], [sflag:s2] =	dma.local @!p0 [hbm:s0], s1  }
0x60: {  	s0 =	simm.s32 @!p0 $0x5  }
0x61: {  	_ =	swait.ge @!p0 [sflag:s0], s1  }
0x62: {  	s1 =	ssub.s32 @!p0 $0x0, s1;
	[sflag:s0] =	ssyncset.done @!p0 $0x0  }
0x63: {  	[sflag:s0] =	ssyncadd.s32 @!p0 s1  }
0x64: {  	[bflag:$0x3] =	sbarrier.arrive $0xFFFF  }
0x65: {  	_ =	shalt  }

// kernel: kernel.22.cloned.1.call-start
scs
__scs_entry_jumppad:
0x0: {  	(pc) =	sbr.rel $0x88, $3  }
0x1: {  	(tag) =	ssettag $0x0;
	lr =	simm.s32 $0x1  }
0x2: {  	[smem:$0x3F8D] =	sst lr;
	_ =	strace $0xD0000000  }
0x3: {  	_ = 	snop  }
0x4: {  	_ = 	snop  }
0x5: {  	_ = 	snop  }
0x6: {  	_ = 	snop  }
0x7: {  	_ = 	snop  }
__scs_overlays_trampoline_lowered:
0x8: {  	[smem:$0x3F9C] =	sst s0  }
0x9: {  	[smem:$0x3F9D] =	sst s1  }
0xa: {  	[smem:$0x3F9E] =	sst s2  }
0xb: {  	[smem:$0x3F9F] =	sst s3  }
0xc: {  	[smem:$0x3FA0] =	sst s4  }
0xd: {  	[smem:$0x3FA1] =	sst s5  }
0xe: {  	[smem:$0x3FA2] =	sst s6  }
0xf: {  	[smem:$0x3FA3] =	sst s7  }
0x10: {  	[smem:$0x3FA4] =	sst s8  }
0x11: {  	[smem:$0x3FA5] =	sst s9;
	s0 =	simm.s32 @!p0 $0x0  }
0x12: {  	s1 =	sld [smem:$0x3F8B];
	s0 =	simm.s32 @p0 $0x1  }
0x13: {  	[smem:$0x3FA6] =	sst s0;
	s0 =	simm.s32 @!p1 $0x0  }
0x14: {  	s2 =	sld [smem:$0x3F8A];
	s0 =	simm.s32 @p1 $0x1  }
0x15: {  	[smem:$0x3FA7] =	sst s0;
	s0 =	simm.s32 @!p2 $0x0  }
0x16: {  	s3 =	sld [smem:$0x3FDB];
	s0 =	simm.s32 @p2 $0x1  }
0x17: {  	s4 =	simm.s32 $0x1BF5;
	[smem:$0x3FA9] =	sst s0  }
0x18: {  	s0 =	sld [smem:$0x3F8C];
	_ =	swait.ge [sflag:s4], $0x0  }
0x19: {  	s7 =	sld [smem:$0x3F8D]  }
0x1a: {  	s8 =	sadd.s32 $0xFFFFE003, lr  }
0x1b: {  	s9 =	sadd.s32 $0xFFFFFEF7, lr;
	s5 =	simm.s32 $0xFFFFFFFF;
	p2 =	slt.u32 s8, $0xFFFFF086  }
0x1c: {  	p1 =	slt.u32 s9, $0xF7A;
	s5 =	simm.s32 @!p2 $0x0  }
0x1d: {  	s5 =	simm.s32 @p1 $0x1;
	p0 =	seq.s32 s7, s2  }
0x1e: {  	s7 =	smul.u32 @!p0 $0xF7A, s2;
	p2 =	seq.s32 @!p0 s5, $0x0  }
0x1f: {  	s9 =	smul.u32 $0xF7A, s1;
	s8 =	simm.s32 @!p0 $0x1BF5;
	p2 =	por !p2, p0  }
0x20: {  	[sflag:s8] =	ssyncset.s32 @!p0 $0xFFFFF086;
	s6 =	sadd.s32 @!p0 s3, s7;
	s7 =	simm.s32 @!p0 $0x108  }
0x21: {  	s3 =	sadd.s32 s3, s9;
	s6 =	sadd.s32 @!p0 $0x88, s6;
	s7 =	simm.s32 @p2 $0x1082  }
0x22: {  	[simem:s7], [sflag:s8] =	dma.local @!p0 [hbm:s6], $0xF7A  }
0x23: {  	s9 =	sor.u32 $0xD0000000, s2;
	s6 =	simm.s32 $0x108;
	_ =	swait.ge @!p0 [sflag:s8], $0x0  }
0x24: {  	s3 =	sadd.s32 $0x88, s3;
	s6 =	simm.s32 @!p1 $0x1082;
	[sflag:s4] =	ssyncset.s32 $0xFFFFF086  }
0x25: {  	[simem:s6], [sflag:s4] =	dma.local [hbm:s3], $0xF7A  }
0x26: {  	[smem:$0x3F8D] =	sst s1;
	(tag) =	ssettag s2;
	_ =	strace s9  }
0x27: {  	s1 =	sld [smem:$0x3F9D]  }
0x28: {  	s2 =	sld [smem:$0x3F9E]  }
0x29: {  	s4 =	sld [smem:$0x3FA0]  }
0x2a: {  	p0 =	seq.s32 s5, $0x0;
	s5 =	sld [smem:$0x3FA1]  }
0x2b: {  	s6 =	sld [smem:$0x3FA2]  }
0x2c: {  	s7 =	sld [smem:$0x3FA3]  }
0x2d: {  	s3 =	simm.s32 $0x108;
	s8 =	sld [smem:$0x3FA4]  }
0x2e: {  	s3 =	simm.s32 @!p0 $0x1082;
	s9 =	sld [smem:$0x3FA5]  }
0x2f: {  	lr =	sadd.s32 s0, s3;
	s0 =	sld [smem:$0x3F9C]  }
0x30: {  	s3 =	sld [smem:$0x3F9F]  }
0x31: {  	[smem:$0x3FA8] =	sst s10  }
0x32: {  	s10 =	sld [smem:$0x3FA6];
	_ =	sdelay $0x3  }
0x33: {  	p0 =	seq.s32 s10, $0x1;
	s10 =	sld [smem:$0x3FA8];
	_ =	sdelay $0x3  }
0x34: {  	[smem:$0x3FA8] =	sst s10  }
0x35: {  	s10 =	sld [smem:$0x3FA7];
	_ =	sdelay $0x3  }
0x36: {  	p1 =	seq.s32 s10, $0x1;
	s10 =	sld [smem:$0x3FA8];
	_ =	sdelay $0x3  }
0x37: {  	[smem:$0x3FA8] =	sst s10  }
0x38: {  	s10 =	sld [smem:$0x3FA9]  }
0x39: {  	_ = 	snop;
	(pc) =	sbr.ind lr, $3  }
0x3a: {  	_ = 	snop  }
0x3b: {  	_ = 	snop  }
0x3c: {  	p2 =	seq.s32 s10, $0x1;
	s10 =	sld [smem:$0x3FA8]  }
0x3d: {  	_ =	shalt  }
0x3e: {  	_ =	shalt  }
0x3f: {  	_ =	shalt  }
0x40: {  	_ =	shalt  }
0x41: {  	_ =	shalt  }
0x42: {  	_ =	shalt  }
0x43: {  	_ =	shalt  }
0x44: {  	_ =	shalt  }
0x45: {  	_ =	shalt  }
0x46: {  	_ =	shalt  }
0x47: {  	_ =	shalt  }
0x48: {  	_ =	shalt  }
0x49: {  	_ =	shalt  }
0x4a: {  	_ =	shalt  }
0x4b: {  	_ =	shalt  }
0x4c: {  	_ =	shalt  }
0x4d: {  	_ =	shalt  }
0x4e: {  	_ =	shalt  }
0x4f: {  	_ =	shalt  }
0x50: {  	_ =	shalt  }
0x51: {  	_ =	shalt  }
0x52: {  	_ =	shalt  }
0x53: {  	_ =	shalt  }
0x54: {  	_ =	shalt  }
0x55: {  	_ =	shalt  }
0x56: {  	_ =	shalt  }
0x57: {  	_ =	shalt  }
0x58: {  	_ =	shalt  }
0x59: {  	_ =	shalt  }
0x5a: {  	_ =	shalt  }
0x5b: {  	_ =	shalt  }
0x5c: {  	_ =	shalt  }
0x5d: {  	_ =	shalt  }
0x5e: {  	_ =	shalt  }
0x5f: {  	_ =	shalt  }
0x60: {  	_ =	shalt  }
0x61: {  	_ =	shalt  }
0x62: {  	_ =	shalt  }
0x63: {  	_ =	shalt  }
0x64: {  	_ =	shalt  }
0x65: {  	_ =	shalt  }
0x66: {  	_ =	shalt  }
0x67: {  	_ =	shalt  }
0x68: {  	_ =	shalt  }
0x69: {  	_ =	shalt  }
0x6a: {  	_ =	shalt  }
0x6b: {  	_ =	shalt  }
0x6c: {  	_ =	shalt  }
0x6d: {  	_ =	shalt  }
0x6e: {  	_ =	shalt  }
0x6f: {  	_ =	shalt  }
0x70: {  	_ =	shalt  }
0x71: {  	_ =	shalt  }
0x72: {  	_ =	shalt  }
0x73: {  	_ =	shalt  }
0x74: {  	_ =	shalt  }
0x75: {  	_ =	shalt  }
0x76: {  	_ =	shalt  }
0x77: {  	_ =	shalt  }
0x78: {  	_ =	shalt  }
0x79: {  	_ =	shalt  }
0x7a: {  	_ =	shalt  }
0x7b: {  	_ =	shalt  }
0x7c: {  	_ =	shalt  }
0x7d: {  	_ =	shalt  }
0x7e: {  	_ =	shalt  }
0x7f: {  	_ =	shalt  }
0x80: {  	_ =	shalt  }
0x81: {  	_ =	shalt  }
0x82: {  	_ =	shalt  }
0x83: {  	_ =	shalt  }
0x84: {  	_ =	shalt  }
0x85: {  	_ =	shalt  }
0x86: {  	_ =	shalt  }
0x87: {  	_ =	shalt  }
.Lfunc_end0:
.L_simem_size_0:
called_computation.3_lowered:
.L_overlay_start_0:
0x88: {  	s2 =	sld [smem:$0x3FD9]  }
0x89: {  	s3 =	sld [smem:$0x3FFE];
	_ =	sdelay $0x1  }
0x8a: {  	s1 =	srdreg.scid  }
0x8b: {  	s0 =	sand.u32 $0x1, s1  }
0x8c: {  	s16 =	sshll.u32 s0, $0xA;
	s2 =	sadd.s32 s3, s2  }
0x8d: {  	s2 =	sadd.s32 s2, s16  }
0x8e: {  	[smem:$0x3FB4] =	sst s2  }
0x8f: {  	_ = 	snop  }
0x90: {  	(tm) =	ssettm $0x1  }
0x91: {  	s17 =	sld [smem:$0x3FFB];
	_ =	sdelay $0x3  }
0x92: {  	_ =	strace s17  }
0x93: {  	s2 =	sld [smem:$0x3FFC];
	_ =	sdelay $0x3  }
0x94: {  	_ =	strace s2  }
0x95: {  	s2 =	sld [smem:$0x3FFD];
	_ =	sdelay $0x3  }
0x96: {  	_ =	strace s2  }
0x97: {  	_ =	strace $0x8FFFFFFF  }
0x98: {  	s18 =	sld [smem:$0x3FDB];
	_ =	sdelay $0x1  }
0x99: {  	s19 =	simm.s32 $_scs_section_size  }
0x9a: {  	s4 =	simm.s32 $_size__tile_overlayer_lowered;
	s5 =	simm.s32 $_tile_overlayer_lowered  }
0x9b: {  	s22 =	simm.s32 $0x1BFF;
	s21 =	sshll.u32 s5, $0x1;
	s2 =	sadd.s32 s19, s18  }
0x9c: {  	s6 =	simm.s32 $0x0;
	s20 =	sshll.u32 s4, $0x1;
	s4 =	sadd.s32 s21, s2  }
0x9d: {  	[timem:s6], [sflag:s22] =	dma.local [hbm:s4], s20  }
0x9e: {  	_ =	swait.ge [sflag:s22], s20  }
0x9f: {  	s3 =	ssub.s32 $0x0, s20;
	[sflag:s22] =	ssyncset.done $0x0  }
0xa0: {  	[sflag:s22] =	ssyncadd.s32 s3;
	_ =	sdelay $0x1  }
0xa1: {  	s23 =	simm.s32 $0x1B8B  }
0xa2: {  	_ =	swait.ge [sflag:s23], $0x1  }
0xa3: {  	[sflag:s23] =	ssyncset.done $0x0  }
0xa4: {  	s25 =	simm.s32 $0x1B8E;
	s24 =	sld [smem:$0x3FFE];
	[sflag:s23] =	ssyncadd.s32 $0xFFFFFFFF  }
0xa5: {  	s26 =	simm.s32 $execute0_lowered;
	[smem:$0x3FD2] =	sst s25  }
0xa6: {  	s4 =	sshll.u32 s26, $0x1;
	_ =	strace $0x8000004F;
	[dreg:$0x1] =	wrdreg $0xFFFFFFFF  }
0xa7: {  	s28 =	simm.s32 $_size_execute0_lowered;
	s2 =	sadd.s32 s2, s4;
	[dreg:$0x0] =	wrdreg $0x0  }
0xa8: {  	s4 =	sshll.u32 s28, $0x1;
	[dreg:$0x2] =	wrdreg s2  }
0xa9: {  	[dreg:$0x3] =	wrdreg s4  }
0xaa: {  	[dreg:$0x4] =	wrdreg $0xC0  }
0xab: {  	_ =	task [dreg:s6], $0x5FFFF  }
0xac: {  	[dreg:$0x1] =	wrdreg $0xFFFFFFFF  }
0xad: {  	[dreg:$0x0] =	wrdreg $0x60  }
0xae: {  	[dreg:$0x2] =	wrdreg s24  }
0xaf: {  	[dreg:$0x3] =	wrdreg $0x81000  }
0xb0: {  	[dreg:$0x4] =	wrdreg $0x9  }
0xb1: {  	_ =	task.clear_ibuf [dreg:s6], $0x5FFFF;
	_ =	strace $0x9000004F  }
0xb2: {  	s29 =	simm.s32 $0x9;
	_ =	strace $0x80000051  }
0xb3: {  	_ =	swait.ge [sflag:s29], $0x1  }
0xb4: {  	[sflag:s29] =	ssyncadd.s32 $0xFFFFFFFF  }
0xb5: {  	_ =	strace $0x90000051  }
0xb6: {  	_ =	sfence  }
0xb7: {  	s30 =	sld [smem:$0x0];
	_ =	sdelay $0x2  }
0xb8: {  	s31 =	sshll.u32 s1, $0xD;
	s1 =	sshrl.u32 s1, $0x2  }
0xb9: {  	s3 =	sand.u32 $0x4000, s31;
	s1 =	sadd.s32 s1, s30  }
0xba: {  	s0 =	sor.u32 s3, s0;
	s1 =	sshll.u32 s1, $0x11  }
0xbb: {  	s0 =	sor.u32 s1, s0  }
0xbc: {  	s0 =	sadd.s32 $0x8F2B, s0  }
0xbd: {  	[sflag:s0] =	ssyncadd.remote.s32 $0x1  }
0xbe: {  	_ =	sfence.sel $0xFFFF  }
0xbf: {  	[dreg:$0x0] =	wrdreg $0xFFFFFFFF;
	(pc) =	sbr.abs _section_cstart, $3  }
0xc0: {  	[dreg:$0x1] =	wrdreg $0xFFFFFFFF  }
0xc1: {  	_ =	task.clear_ibuf [dreg:s6], $0x2FFFF;
	_ =	strace $0x9FFFFFFF  }
0xc2: {  	(tm) =	ssettm $0x7FFFFFFF  }
0xc3: {  	_ =	shalt  }
tec
execute0_lowered:
.L_overlay_start_1:
0x0: {  	(tag) =	ssettag $0x1  }
0x1: {  	s4 =	rddreg [dreg:$0x0]  }
0x2: {  	s2 =	rddreg [dreg:$0x1]  }
0x3: {  	s0 =	rddreg [dreg:$0x2]  }
0x4: {  	s1 =	stileid.u32;
	s5 =	srdreg.scid;
	s3 =	simm.s32 $0x0  }
0x5: {  	s16 =	simm.s32 $0x4080;
	s17 =	simm.s32 $0x4100;
	s18 =	simm.s32 $0x1  }
0x6: {  	s19 =	simm.s32 $0x2;
	s6 =	smul.u32 $0x14000, s1;
	s10 =	sand.u32 $0x1, s5  }
0x7: {  	[smem:$0x7FF] =	sst s3;
	s11 =	sadd.s32 $0x13CA000, s4;
	s12 =	sadd.s32 $0x10200, s4  }
0x8: {  	s8 =	smul.u32 $0x50000, s1;
	s22 =	sshll.u32 s1, $0x1;
	s24 =	sshll.u32 s1, $0x6  }
0x9: {  	s28 =	sshll.u32 s1, $0xC;
	s29 =	sshll.u32 s1, $0x5;
	s5 =	smul.u32 $0x140000, s10  }
0xa: {  	_ =	strace $0x80000050;
	s20 =	ssub.s32 $0x2, s10;
	s30 =	sshll.u32 s10, $0xB  }
0xb: {  	s31 =	sshll.u32 s10, $0x4;
	s7 =	sshrl.u32 s6, $0x3;
	s21 =	sshrl.u32 s20, $0x1  }
0xc: {  	s23 =	sshrl.u32 s8, $0x2;
	s5 =	sadd.s32 s6, s5;
	s7 =	sadd.s32 s7, s4  }
0xd: {  	s13 =	ssub.s32 s20, s21;
	s14 =	sadd.s32 s23, s2;
	s20 =	sor.u32 $0x9C0, s22  }
0xe: {  	s5 =	sshrl.u32 s5, $0x3;
	s15 =	sor.u32 s10, s20;
	p0 =	sgt.u32 s20, $0x9C3  }
0xf: {  	s20 =	simm.s32 $0x0;
	s9 =	sadd.s32 s5, s4;
	s4 =	sadd.s32 $0x42000, s7  }
0x10: {  	s5 =	sor.u32 $0x1C03, s24;
	s7 =	smax.u32 s13, $0x1;
	s25 =	sshll.u32 s15, $0x4  }
0x11: {  	s26 =	sshll.u32 s15, $0xB;
	s13 =	simm.s32 $0x3;
	s15 =	simm.s32 $0x80  }
0x12: {  	s6 =	sadd.s32 $0xEE8000, s9;
	s9 =	sadd.s32 s11, s26;
	s11 =	sadd.s32 s28, s11  }
0x13: {  	s8 =	sadd.s32 s12, s25;
	s12 =	sadd.s32 s29, s12;
	s10 =	sadd.s32 s30, s11  }
0x14: {  	s11 =	sadd.s32 s31, s12;
	s12 =	sshrl.u32 s14, $0x3;
	s14 =	simm.s32 $0x4  }
.LBB2_1:
0x15: {  	[spmem:s12], [sflag:s5] =	dma.local [hbm:s4], $0x2800  }
0x16: {  	_ =	swait.ge [sflag:s13], $0x2800  }
0x17: {  	[sflag:s13] =	ssyncset.done $0x0  }
0x18: {  	[sflag:s13] =	ssyncadd.s32 $0xFFFFD800  }
0x19: {  	[bflag:$0x0] =	sbarrier.arrive $0xFFFF  }
0x1a: {  	[tilespmem:s3], [sflag:$0x4] =	stream.linear.gather [hbm4b:s11+s3], $0x80, $0x38;
	[tilespmem:$0x1C100] =	vst v63  }
0x1b: {  	_ =	swait.ge [sflag:s14], $0x80  }
0x1c: {  	[sflag:s14] =	ssyncset.done $0x0  }
0x1d: {  	s21 =	sadd.s32 $0x0, s10;
	[sflag:s14] =	ssyncadd.s32 $0xFFFFFF80  }
0x1e: {  	[tilespmem:s15], [sflag:$0x1] =	stream.linear.gather [hbm4b:s21+s3], $0x4000, $0x38;
	[tilespmem:$0x1C100] =	vst v63  }
0x1f: {  	s22 =	sadd.s32 $0x200, s11  }
0x20: {  	[tilespmem:s16], [sflag:$0x4] =	stream.linear.gather [hbm4b:s22+s3], $0x80, $0x38;
	[tilespmem:$0x1C100] =	vst v63  }
0x21: {  	_ =	swait.ge [sflag:s14], $0x80  }
0x22: {  	[sflag:s14] =	ssyncset.done $0x0  }
0x23: {  	s21 =	sadd.s32 $0x10000, s21;
	[sflag:s14] =	ssyncadd.s32 $0xFFFFFF80  }
0x24: {  	[tilespmem:s17], [sflag:$0x2] =	stream.linear.gather [hbm4b:s21+s3], $0x4000, $0x38;
	[tilespmem:$0x1C100] =	vst v63  }
0x25: {  	_ =	swait.ge [sflag:s18], $0x4000  }
0x26: {  	[sflag:s18] =	ssyncset.done $0x0  }
0x27: {  	[sflag:s18] =	ssyncadd.s32 $0xFFFFC000  }
0x28: {  	[spmem:s2] =	stream.indirect.scatter.add.f32 [tilespmem:s15], [sflag:$0x4], $0x80, s3, s15, $0xb8;
	[tilespmem:$0x1C100] =	vst v63  }
0x29: {  	_ =	swait.ge [sflag:s14], $0x4000  }
0x2a: {  	[sflag:s14] =	ssyncset.done $0x0  }
0x2b: {  	[sflag:s14] =	ssyncadd.s32 $0xFFFFC000  }
0x2c: {  	_ =	swait.ge [sflag:s19], $0x4000  }
0x2d: {  	[sflag:s19] =	ssyncset.done $0x0  }
0x2e: {  	[sflag:s19] =	ssyncadd.s32 $0xFFFFC000  }
0x2f: {  	[spmem:s2] =	stream.indirect.scatter.add.f32 [tilespmem:s17], [sflag:$0x3], $0x80, s16, s15, $0xb8;
	[tilespmem:$0x1C100] =	vst v63  }
0x30: {  	_ =	swait.ge [sflag:s13], $0x4000  }
0x31: {  	s22 =	smov.u32 s11;
	s21 =	simm.s32 $0x20000;
	[sflag:s13] =	ssyncset.done $0x0  }
.LBB2_2:
0x32: {  	p1 =	sne.s32 s21, $0x4C0000;
	[sflag:s13] =	ssyncadd.s32 $0xFFFFC000;
	s22 =	sadd.s32 $0x400, s22  }
0x33: {  	[tilespmem:s3], [sflag:$0x4] =	stream.linear.gather [hbm4b:s22+s3], $0x80, $0x38;
	[tilespmem:$0x1C100] =	vst v63  }
0x34: {  	s23 =	smov.u32 s21;
	s21 =	sadd.s32 $0x20000, s21;
	_ =	swait.ge [sflag:s14], $0x80  }
0x35: {  	[sflag:s14] =	ssyncset.done $0x0  }
0x36: {  	s23 =	sadd.s32 s23, s10;
	[sflag:s14] =	ssyncadd.s32 $0xFFFFFF80  }
0x37: {  	[tilespmem:s15], [sflag:$0x1] =	stream.linear.gather [hbm4b:s23+s3], $0x4000, $0x38;
	[tilespmem:$0x1C100] =	vst v63  }
0x38: {  	s24 =	sadd.s32 $0x200, s22  }
0x39: {  	[tilespmem:s16], [sflag:$0x4] =	stream.linear.gather [hbm4b:s24+s3], $0x80, $0x38;
	[tilespmem:$0x1C100] =	vst v63  }
0x3a: {  	_ =	swait.ge [sflag:s14], $0x80  }
0x3b: {  	[sflag:s14] =	ssyncset.done $0x0  }
0x3c: {  	s23 =	sadd.s32 $0x10000, s23;
	[sflag:s14] =	ssyncadd.s32 $0xFFFFFF80  }
0x3d: {  	[tilespmem:s17], [sflag:$0x2] =	stream.linear.gather [hbm4b:s23+s3], $0x4000, $0x38;
	[tilespmem:$0x1C100] =	vst v63  }
0x3e: {  	_ =	swait.ge [sflag:s18], $0x4000  }
0x3f: {  	[sflag:s18] =	ssyncset.done $0x0  }
0x40: {  	[sflag:s18] =	ssyncadd.s32 $0xFFFFC000  }
0x41: {  	[spmem:s2] =	stream.indirect.scatter.add.f32 [tilespmem:s15], [sflag:$0x4], $0x80, s3, s15, $0xb8;
	[tilespmem:$0x1C100] =	vst v63  }
0x42: {  	_ =	swait.ge [sflag:s14], $0x4000  }
0x43: {  	[sflag:s14] =	ssyncset.done $0x0  }
0x44: {  	[sflag:s14] =	ssyncadd.s32 $0xFFFFC000  }
0x45: {  	_ =	swait.ge [sflag:s19], $0x4000  }
.Ltmp0:
0x46: {  	[sflag:s19] =	ssyncset.done $0x0;
	(pc) =	sbr.rel @p1 .LBB2_2-.Ltmp0, $4  }
0x47: {  	[sflag:s19] =	ssyncadd.s32 $0xFFFFC000  }
0x48: {  	[spmem:s2] =	stream.indirect.scatter.add.f32 [tilespmem:s17], [sflag:$0x3], $0x80, s16, s15, $0xb8;
	[tilespmem:$0x1C100] =	vst v63  }
0x49: {  	_ =	swait.ge [sflag:s13], $0x4000  }
0x4a: {  	[sflag:s13] =	ssyncset.done $0x0  }
0x4b: {  	[sflag:s13] =	ssyncadd.s32 $0xFFFFC000;
	s21 =	simm.s32 @!p0 $0x0;
	s22 =	simm.s32 @!p0 $0x4  }
0x4c: {  	[tilespmem:s21], [sflag:$0x4] =	stream.linear.gather @!p0 [hbm4b:s8+s21], $0x80, $0x38;
	[tilespmem:$0x1C100] =	vst v63  }
0x4d: {  	_ =	swait.ge @!p0 [sflag:s22], $0x80  }
0x4e: {  	[sflag:s22] =	ssyncset.done @!p0 $0x0  }
0x4f: {  	s23 =	simm.s32 @!p0 $0x80;
	s24 =	simm.s32 @!p0 $0x1;
	[sflag:s22] =	ssyncadd.s32 @!p0 $0xFFFFFF80  }
0x50: {  	[tilespmem:s23], [sflag:$0x1] =	stream.linear.gather @!p0 [hbm4b:s9+s21], $0x4000, $0x38;
	[tilespmem:$0x1C100] =	vst v63  }
0x51: {  	_ =	swait.ge @!p0 [sflag:s24], $0x4000  }
0x52: {  	[sflag:s24] =	ssyncset.done @!p0 $0x0  }
0x53: {  	[sflag:s24] =	ssyncadd.s32 @!p0 $0xFFFFC000  }
0x54: {  	[spmem:s2] =	stream.indirect.scatter.add.f32 @!p0 [tilespmem:s23], [sflag:$0x4], $0x80, s21, s23, $0xb8;
	[tilespmem:$0x1C100] =	vst v63  }
0x55: {  	_ =	swait.ge @!p0 [sflag:s22], $0x4000  }
0x56: {  	s20 =	sadd.s32 $0x1, s20;
	[sflag:s22] =	ssyncset.done @!p0 $0x0  }
0x57: {  	p1 =	sne.s32 s20, s7;
	[sflag:s22] =	ssyncadd.s32 @!p0 $0xFFFFC000  }
.Ltmp1:
0x58: {  	[bflag:$0x0] =	sbarrier.arrive $0xFFFF;
	(pc) =	sbr.rel @p1 .LBB2_1-.Ltmp1, $4  }
0x59: {  	[hbm:s6], [sflag:s5] =	dma.local [spmem:s12], $0x2800  }
0x5a: {  	_ =	swait.ge [sflag:s13], $0x2800  }
0x5b: {  	[sflag:s13] =	ssyncset.done $0x0  }
0x5c: {  	[sflag:s13] =	ssyncadd.s32 $0xFFFFD800  }
0x5d: {  	_ =	sfence.sel $0x180000  }
0x5e: {  	[bflag:$0x0] =	sbarrier.arrive $0xFFFF  }
0x5f: {  	p0 =	sne.s32 s1, $0x0;
	_ =	strace $0x90000050  }
0x60: {  	s0 =	sadd.s32 @!p0 $0x100000, s0;
	[bflag:$0x2] =	sbarrier.arrive $0xFFFF  }
0x61: {  	[sflag:s0] =	ssyncadd.tile.s32 @!p0 $0x1;
	_ =	shalt  }
.Lfunc_end2:
_tile_overlayer_lowered:
.L_overlay_start_2:
0x62: {  	(tag) =	ssettag $0x2  }
0x63: {  	s0 =	rddreg [dreg:$0x0];
	s2 =	stileid.u32  }
0x64: {  	s1 =	rddreg [dreg:$0x1];
	p0 =	sne.s32 s2, $0x0  }
0x65: {  	s3 =	rddreg [dreg:$0x2];
	[bflag:$0x3] =	sbarrier.arrive $0xFFFF;
	s2 =	simm.s32 @!p0 $0x1C03  }
0x66: {  	[timem:s3], [sflag:s2] =	dma.local @!p0 [hbm:s0], s1  }
0x67: {  	s0 =	simm.s32 @!p0 $0x3  }
0x68: {  	_ =	swait.ge @!p0 [sflag:s0], s1  }
0x69: {  	s1 =	ssub.s32 @!p0 $0x0, s1;
	[sflag:s0] =	ssyncset.done @!p0 $0x0  }
0x6a: {  	[sflag:s0] =	ssyncadd.s32 @!p0 s1  }
0x6b: {  	[bflag:$0x3] =	sbarrier.arrive $0xFFFF  }
0x6c: {  	_ =	shalt  }

// kernel: kernel.25.cloned.1.call-start
scs
__scs_entry_jumppad:
0x0: {  	(pc) =	sbr.rel $0x88, $3  }
0x1: {  	(tag) =	ssettag $0x0;
	lr =	simm.s32 $0x1  }
0x2: {  	[smem:$0x3F8D] =	sst lr;
	_ =	strace $0xD0000000  }
0x3: {  	_ = 	snop  }
0x4: {  	_ = 	snop  }
0x5: {  	_ = 	snop  }
0x6: {  	_ = 	snop  }
0x7: {  	_ = 	snop  }
__scs_overlays_trampoline_lowered:
0x8: {  	[smem:$0x3F9C] =	sst s0  }
0x9: {  	[smem:$0x3F9D] =	sst s1  }
0xa: {  	[smem:$0x3F9E] =	sst s2  }
0xb: {  	[smem:$0x3F9F] =	sst s3  }
0xc: {  	[smem:$0x3FA0] =	sst s4  }
0xd: {  	[smem:$0x3FA1] =	sst s5  }
0xe: {  	[smem:$0x3FA2] =	sst s6  }
0xf: {  	[smem:$0x3FA3] =	sst s7  }
0x10: {  	[smem:$0x3FA4] =	sst s8  }
0x11: {  	[smem:$0x3FA5] =	sst s9;
	s0 =	simm.s32 @!p0 $0x0  }
0x12: {  	s1 =	sld [smem:$0x3F8B];
	s0 =	simm.s32 @p0 $0x1  }
0x13: {  	[smem:$0x3FA6] =	sst s0;
	s0 =	simm.s32 @!p1 $0x0  }
0x14: {  	s2 =	sld [smem:$0x3F8A];
	s0 =	simm.s32 @p1 $0x1  }
0x15: {  	[smem:$0x3FA7] =	sst s0;
	s0 =	simm.s32 @!p2 $0x0  }
0x16: {  	s3 =	sld [smem:$0x3FDB];
	s0 =	simm.s32 @p2 $0x1  }
0x17: {  	s4 =	simm.s32 $0x1BF5;
	[smem:$0x3FA9] =	sst s0  }
0x18: {  	s0 =	sld [smem:$0x3F8C];
	_ =	swait.ge [sflag:s4], $0x0  }
0x19: {  	s7 =	sld [smem:$0x3F8D]  }
0x1a: {  	s8 =	sadd.s32 $0xFFFFE003, lr  }
0x1b: {  	s9 =	sadd.s32 $0xFFFFFEF7, lr;
	s5 =	simm.s32 $0xFFFFFFFF;
	p2 =	slt.u32 s8, $0xFFFFF086  }
0x1c: {  	p1 =	slt.u32 s9, $0xF7A;
	s5 =	simm.s32 @!p2 $0x0  }
0x1d: {  	s5 =	simm.s32 @p1 $0x1;
	p0 =	seq.s32 s7, s2  }
0x1e: {  	s7 =	smul.u32 @!p0 $0xF7A, s2;
	p2 =	seq.s32 @!p0 s5, $0x0  }
0x1f: {  	s9 =	smul.u32 $0xF7A, s1;
	s8 =	simm.s32 @!p0 $0x1BF5;
	p2 =	por !p2, p0  }
0x20: {  	[sflag:s8] =	ssyncset.s32 @!p0 $0xFFFFF086;
	s6 =	sadd.s32 @!p0 s3, s7;
	s7 =	simm.s32 @!p0 $0x108  }
0x21: {  	s3 =	sadd.s32 s3, s9;
	s6 =	sadd.s32 @!p0 $0x88, s6;
	s7 =	simm.s32 @p2 $0x1082  }
0x22: {  	[simem:s7], [sflag:s8] =	dma.local @!p0 [hbm:s6], $0xF7A  }
0x23: {  	s9 =	sor.u32 $0xD0000000, s2;
	s6 =	simm.s32 $0x108;
	_ =	swait.ge @!p0 [sflag:s8], $0x0  }
0x24: {  	s3 =	sadd.s32 $0x88, s3;
	s6 =	simm.s32 @!p1 $0x1082;
	[sflag:s4] =	ssyncset.s32 $0xFFFFF086  }
0x25: {  	[simem:s6], [sflag:s4] =	dma.local [hbm:s3], $0xF7A  }
0x26: {  	[smem:$0x3F8D] =	sst s1;
	(tag) =	ssettag s2;
	_ =	strace s9  }
0x27: {  	s1 =	sld [smem:$0x3F9D]  }
0x28: {  	s2 =	sld [smem:$0x3F9E]  }
0x29: {  	s4 =	sld [smem:$0x3FA0]  }
0x2a: {  	p0 =	seq.s32 s5, $0x0;
	s5 =	sld [smem:$0x3FA1]  }
0x2b: {  	s6 =	sld [smem:$0x3FA2]  }
0x2c: {  	s7 =	sld [smem:$0x3FA3]  }
0x2d: {  	s3 =	simm.s32 $0x108;
	s8 =	sld [smem:$0x3FA4]  }
0x2e: {  	s3 =	simm.s32 @!p0 $0x1082;
	s9 =	sld [smem:$0x3FA5]  }
0x2f: {  	lr =	sadd.s32 s0, s3;
	s0 =	sld [smem:$0x3F9C]  }
0x30: {  	s3 =	sld [smem:$0x3F9F]  }
0x31: {  	[smem:$0x3FA8] =	sst s10  }
0x32: {  	s10 =	sld [smem:$0x3FA6];
	_ =	sdelay $0x3  }
0x33: {  	p0 =	seq.s32 s10, $0x1;
	s10 =	sld [smem:$0x3FA8];
	_ =	sdelay $0x3  }
0x34: {  	[smem:$0x3FA8] =	sst s10  }
0x35: {  	s10 =	sld [smem:$0x3FA7];
	_ =	sdelay $0x3  }
0x36: {  	p1 =	seq.s32 s10, $0x1;
	s10 =	sld [smem:$0x3FA8];
	_ =	sdelay $0x3  }
0x37: {  	[smem:$0x3FA8] =	sst s10  }
0x38: {  	s10 =	sld [smem:$0x3FA9]  }
0x39: {  	_ = 	snop;
	(pc) =	sbr.ind lr, $3  }
0x3a: {  	_ = 	snop  }
0x3b: {  	_ = 	snop  }
0x3c: {  	p2 =	seq.s32 s10, $0x1;
	s10 =	sld [smem:$0x3FA8]  }
0x3d: {  	_ =	shalt  }
0x3e: {  	_ =	shalt  }
0x3f: {  	_ =	shalt  }
0x40: {  	_ =	shalt  }
0x41: {  	_ =	shalt  }
0x42: {  	_ =	shalt  }
0x43: {  	_ =	shalt  }
0x44: {  	_ =	shalt  }
0x45: {  	_ =	shalt  }
0x46: {  	_ =	shalt  }
0x47: {  	_ =	shalt  }
0x48: {  	_ =	shalt  }
0x49: {  	_ =	shalt  }
0x4a: {  	_ =	shalt  }
0x4b: {  	_ =	shalt  }
0x4c: {  	_ =	shalt  }
0x4d: {  	_ =	shalt  }
0x4e: {  	_ =	shalt  }
0x4f: {  	_ =	shalt  }
0x50: {  	_ =	shalt  }
0x51: {  	_ =	shalt  }
0x52: {  	_ =	shalt  }
0x53: {  	_ =	shalt  }
0x54: {  	_ =	shalt  }
0x55: {  	_ =	shalt  }
0x56: {  	_ =	shalt  }
0x57: {  	_ =	shalt  }
0x58: {  	_ =	shalt  }
0x59: {  	_ =	shalt  }
0x5a: {  	_ =	shalt  }
0x5b: {  	_ =	shalt  }
0x5c: {  	_ =	shalt  }
0x5d: {  	_ =	shalt  }
0x5e: {  	_ =	shalt  }
0x5f: {  	_ =	shalt  }
0x60: {  	_ =	shalt  }
0x61: {  	_ =	shalt  }
0x62: {  	_ =	shalt  }
0x63: {  	_ =	shalt  }
0x64: {  	_ =	shalt  }
0x65: {  	_ =	shalt  }
0x66: {  	_ =	shalt  }
0x67: {  	_ =	shalt  }
0x68: {  	_ =	shalt  }
0x69: {  	_ =	shalt  }
0x6a: {  	_ =	shalt  }
0x6b: {  	_ =	shalt  }
0x6c: {  	_ =	shalt  }
0x6d: {  	_ =	shalt  }
0x6e: {  	_ =	shalt  }
0x6f: {  	_ =	shalt  }
0x70: {  	_ =	shalt  }
0x71: {  	_ =	shalt  }
0x72: {  	_ =	shalt  }
0x73: {  	_ =	shalt  }
0x74: {  	_ =	shalt  }
0x75: {  	_ =	shalt  }
0x76: {  	_ =	shalt  }
0x77: {  	_ =	shalt  }
0x78: {  	_ =	shalt  }
0x79: {  	_ =	shalt  }
0x7a: {  	_ =	shalt  }
0x7b: {  	_ =	shalt  }
0x7c: {  	_ =	shalt  }
0x7d: {  	_ =	shalt  }
0x7e: {  	_ =	shalt  }
0x7f: {  	_ =	shalt  }
0x80: {  	_ =	shalt  }
0x81: {  	_ =	shalt  }
0x82: {  	_ =	shalt  }
0x83: {  	_ =	shalt  }
0x84: {  	_ =	shalt  }
0x85: {  	_ =	shalt  }
0x86: {  	_ =	shalt  }
0x87: {  	_ =	shalt  }
.Lfunc_end0:
.L_simem_size_0:
called_computation.4_lowered:
.L_overlay_start_0:
0x88: {  	s2 =	sld [smem:$0x3FD9]  }
0x89: {  	s3 =	sld [smem:$0x3FFE];
	_ =	sdelay $0x1  }
0x8a: {  	s1 =	srdreg.scid  }
0x8b: {  	s0 =	sand.u32 $0x1, s1  }
0x8c: {  	s17 =	sshll.u32 s0, $0xA;
	s2 =	sadd.s32 s3, s2  }
0x8d: {  	s2 =	sadd.s32 s2, s17  }
0x8e: {  	[smem:$0x3FB4] =	sst s2  }
0x8f: {  	_ = 	snop  }
0x90: {  	(tm) =	ssettm $0x1  }
0x91: {  	s18 =	sld [smem:$0x3FFB];
	_ =	sdelay $0x3  }
0x92: {  	_ =	strace s18  }
0x93: {  	s2 =	sld [smem:$0x3FFC];
	_ =	sdelay $0x3  }
0x94: {  	_ =	strace s2  }
0x95: {  	s2 =	sld [smem:$0x3FFD];
	_ =	sdelay $0x3  }
0x96: {  	_ =	strace s2  }
0x97: {  	_ =	strace $0x8FFFFFFF  }
0x98: {  	s19 =	sld [smem:$0x3FDB];
	_ =	sdelay $0x1  }
0x99: {  	s20 =	simm.s32 $_scs_section_size  }
0x9a: {  	s4 =	simm.s32 $_size__tile_overlayer_lowered;
	s5 =	simm.s32 $_tile_overlayer_lowered  }
0x9b: {  	s6 =	simm.s32 $0x1BFF;
	s21 =	sshll.u32 s5, $0x1;
	s3 =	sadd.s32 s20, s19  }
0x9c: {  	s22 =	simm.s32 $0x0;
	s4 =	sshll.u32 s4, $0x1;
	s5 =	sadd.s32 s21, s3  }
0x9d: {  	[timem:s22], [sflag:s6] =	dma.local [hbm:s5], s4  }
0x9e: {  	_ =	swait.ge [sflag:s6], s4  }
0x9f: {  	s4 =	ssub.s32 $0x0, s4;
	[sflag:s6] =	ssyncset.done $0x0  }
0xa0: {  	[sflag:s6] =	ssyncadd.s32 s4;
	_ =	sdelay $0x1  }
0xa1: {  	s23 =	simm.s32 $0x1B8B  }
0xa2: {  	_ =	swait.ge [sflag:s23], $0x1  }
0xa3: {  	[sflag:s23] =	ssyncset.done $0x0  }
0xa4: {  	[sflag:s23] =	ssyncadd.s32 $0xFFFFFFFF  }
0xa5: {  	s4 =	sld [smem:$0x0]  }
0xa6: {  	s5 =	sand.u32 $0xFFFFFFFE, s1  }
0xa7: {  	p0 =	sne.s32 s1, s5  }
0xa8: {  	s5 =	sshll.u32 @p0 s5, $0xE  }
0xa9: {  	s5 =	sadd.s32 @p0 $0x11B8D, s5;
	s6 =	sshll.u32 @p0 s4, $0x11  }
0xaa: {  	s5 =	sor.u32 @p0 s6, s5  }
0xab: {  	[sflag:s5] =	ssyncadd.remote.s32 @p0 $0x1;
	_ =	sdelay $0x1  }
0xac: {  	s5 =	simm.s32 @p0 $0x1B8D  }
0xad: {  	_ =	swait.eq @p0 [sflag:s5], $0x1  }
0xae: {  	[sflag:s5] =	ssyncadd.s32 @p0 $0xFFFFFFFF  }
0xaf: {  	s6 =	sshll.u32 @!p0 s1, $0xE  }
0xb0: {  	s6 =	sor.u32 @!p0 $0x4000, s6;
	s5 =	simm.s32 @!p0 $0x1B8D  }
0xb1: {  	s4 =	sshll.u32 @!p0 s4, $0x11;
	s6 =	sadd.s32 @!p0 $0x11B8D, s6;
	_ =	swait.eq @!p0 [sflag:s5], $0x1  }
0xb2: {  	s4 =	sor.u32 @!p0 s4, s6;
	[sflag:s5] =	ssyncadd.s32 @!p0 $0xFFFFFFFF  }
0xb3: {  	s25 =	simm.s32 $0x1B8E;
	s24 =	sld [smem:$0x3FFE];
	[sflag:s4] =	ssyncadd.remote.s32 @!p0 $0x1  }
0xb4: {  	s26 =	simm.s32 $execute0_lowered;
	[smem:$0x3FD2] =	sst s25  }
0xb5: {  	s5 =	sshll.u32 s26, $0x1;
	_ =	strace $0x80000055;
	[dreg:$0x1] =	wrdreg $0xFFFFFFFF  }
0xb6: {  	s28 =	simm.s32 $_size_execute0_lowered;
	s3 =	sadd.s32 s3, s5;
	[dreg:$0x0] =	wrdreg $0x0  }
0xb7: {  	s5 =	sshll.u32 s28, $0x1;
	[dreg:$0x2] =	wrdreg s3  }
0xb8: {  	[dreg:$0x3] =	wrdreg s5  }
0xb9: {  	[dreg:$0x4] =	wrdreg $0xC0  }
0xba: {  	_ =	task [dreg:s22], $0x5FFFF  }
0xbb: {  	[dreg:$0x1] =	wrdreg $0xFFFFFFFF  }
0xbc: {  	[dreg:$0x0] =	wrdreg $0x60  }
0xbd: {  	[dreg:$0x2] =	wrdreg s24  }
0xbe: {  	[dreg:$0x3] =	wrdreg $0x9  }
0xbf: {  	_ =	task.clear_ibuf [dreg:s22], $0x4FFFF;
	_ =	strace $0x90000055  }
0xc0: {  	s29 =	simm.s32 $0x9;
	_ =	strace $0x80000057  }
0xc1: {  	_ =	swait.ge [sflag:s29], $0x1  }
0xc2: {  	[sflag:s29] =	ssyncadd.s32 $0xFFFFFFFF  }
0xc3: {  	_ =	strace $0x90000057  }
0xc4: {  	_ =	sfence  }
0xc5: {  	s30 =	sld [smem:$0x0];
	_ =	sdelay $0x2  }
0xc6: {  	s31 =	sshll.u32 s1, $0xD;
	s1 =	sshrl.u32 s1, $0x2  }
0xc7: {  	s4 =	sand.u32 $0x4000, s31;
	s1 =	sadd.s32 s1, s30  }
0xc8: {  	s0 =	sor.u32 s4, s0;
	s1 =	sshll.u32 s1, $0x11  }
0xc9: {  	s0 =	sor.u32 s1, s0  }
0xca: {  	s0 =	sadd.s32 $0x8F2B, s0  }
0xcb: {  	[sflag:s0] =	ssyncadd.remote.s32 $0x1  }
0xcc: {  	_ =	sfence.sel $0xFFFF  }
0xcd: {  	[dreg:$0x0] =	wrdreg $0xFFFFFFFF;
	(pc) =	sbr.abs _section_cstart, $3  }
0xce: {  	[dreg:$0x1] =	wrdreg $0xFFFFFFFF  }
0xcf: {  	_ =	task.clear_ibuf [dreg:s22], $0x2FFFF;
	_ =	strace $0x9FFFFFFF  }
0xd0: {  	(tm) =	ssettm $0x7FFFFFFF  }
0xd1: {  	_ =	shalt  }
tec
execute0_lowered:
.L_overlay_start_1:
0x0: {  	(tag) =	ssettag $0x1  }
0x1: {  	s0 =	rddreg [dreg:$0x0]  }
0x2: {  	s2 =	simm.s32 $0x0;
	s11 =	stileid.u32;
	s1 =	srdreg.scid  }
0x3: {  	s29 =	simm.s32 $0x100;
	s13 =	simm.s32 $0x8;
	s14 =	simm.s32 $0x80  }
0x4: {  	s15 =	simm.s32 $0x8180;
	s16 =	simm.s32 $0x1;
	s30 =	simm.s32 $0x180  }
0x5: {  	s17 =	simm.s32 $0x2;
	s31 =	simm.s32 $0x4180;
	s18 =	simm.s32 $0x3  }
0x6: {  	[smem:$0x7FF] =	sst s2;
	s3 =	sadd.s32 $0x1A000, s0;
	s4 =	sadd.s32 $0x10200, s0  }
0x7: {  	s6 =	sshll.u32 s11, $0x5;
	s1 =	sand.u32 $0x1, s1;
	s5 =	sadd.s32 $0x6400, s0  }
0x8: {  	s9 =	sshll.u32 s11, $0xC;
	s11 =	sshll.u32 s11, $0x1;
	_ =	strace $0x80000056  }
0x9: {  	s7 =	sadd.s32 s6, s0;
	s8 =	ssub.s32 $0x2, s1;
	s6 =	sadd.s32 $0x6A000, s0  }
0xa: {  	s0 =	sadd.s32 s9, s0;
	s25 =	sshll.u32 s1, $0x4;
	[dreg:$0x2] =	wrdreg s29  }
0xb: {  	s26 =	sshll.u32 s1, $0xB;
	s1 =	sor.u32 s1, s11;
	[dreg:$0x3] =	wrdreg s30  }
0xc: {  	[dreg:$0x4] =	wrdreg s31;
	s10 =	sshrl.u32 s8, $0x1;
	s7 =	sadd.s32 s25, s7  }
0xd: {  	s0 =	sadd.s32 s26, s0;
	s28 =	sor.u32 $0x20, s1;
	s8 =	ssub.s32 s8, s10  }
0xe: {  	s7 =	sadd.s32 $0x42000, s7;
	s9 =	sadd.s32 $0xB66800, s0;
	[dreg:$0x7] =	wrdreg s28  }
0xf: {  	s10 =	sadd.s32 $0xA2E000, s0;
	s8 =	smax.u32 s8, $0x1;
	[dreg:$0x6] =	wrdreg s7  }
0x10: {  	s11 =	sadd.s32 $0x8F5800, s0;
	s7 =	simm.s32 $0x0;
	[dreg:$0x5] =	wrdreg s8  }
.LBB2_1:
0x11: {  	[dreg:$0x8] =	wrdreg s7  }
0x12: {  	s8 =	rddreg [dreg:$0x6]  }
0x13: {  	[tilespmem:s2], [sflag:$0x8] =	stream.linear.gather [hbm4b:s8+s2], $0x80, $0x38;
	[tilespmem:$0x18300] =	vst v63  }
0x14: {  	_ =	swait.ge [sflag:s13], $0x80  }
0x15: {  	[sflag:s13] =	ssyncset.done $0x0  }
0x16: {  	s12 =	rddreg [dreg:$0x7];
	[sflag:s13] =	ssyncadd.s32 $0xFFFFFF80  }
0x17: {  	[tilespmem:s14], [sflag:$0x1] =	stream.indirect.gather [hbm4b:s4+s14], $0x1, s2, s14, $0xb8;
	[tilespmem:$0x18300] =	vst v63  }
0x18: {  	s0 =	rddreg [dreg:$0x2];
	p0 =	sgt.u32 s12, $0x270  }
0x19: {  	[tilespmem:s0], [sflag:$0x2] =	stream.indirect.gather [hbm4b:s5+s14], $0x1, s2, s14, $0xb8;
	[tilespmem:$0x18300] =	vst v63  }
0x1a: {  	s0 =	simm.s32 @p0 $0x1  }
0x1b: {  	[tilespmem:s15], [sflag:$0x3] =	stream.indirect.gather [hbm4b:s6+s14], $0x80, s2, s14, $0xb8;
	[tilespmem:$0x18300] =	vst v63  }
0x1c: {  	_ =	swait.ge @p0 [sflag:s0], $0x80  }
0x1d: {  	[sflag:s0] =	ssyncset.done @p0 $0x0  }
0x1e: {  	s1 =	simm.s32 @p0 $0x2;
	[sflag:s0] =	ssyncadd.s32 @p0 $0xFFFFFF80  }
0x1f: {  	_ =	swait.ge @p0 [sflag:s1], $0x80  }
0x20: {  	[sflag:s1] =	ssyncset.done @p0 $0x0  }
0x21: {  	s7 =	simm.s32 @p0 $0x180;
	s0 =	simm.s32 @p0 $0x80;
	[sflag:s1] =	ssyncadd.s32 @p0 $0xFFFFFF80  }
0x22: {  	[tilespmem:s7], [sflag:$0x1] =	stream.indirect.gather @p0 [hbm4b:s3+s0], $0x80, s0, s0, $0xb8;
	[tilespmem:$0x18300] =	vst v63  }
0x23: {  	s22 =	sadd.s32 @!p0 $0x200, s8;
	s1 =	simm.s32 @p0 $0x100;
	s7 =	simm.s32 @p0 $0x4180  }
0x24: {  	[tilespmem:s7], [sflag:$0x2] =	stream.indirect.gather @p0 [hbm4b:s3+s0], $0x80, s1, s0, $0xb8;
	[tilespmem:$0x18300] =	vst v63  }
0x25: {  	s20 =	simm.s32 @!p0 $0x0;
	s21 =	simm.s32 @!p0 $0x8;
	s1 =	simm.s32 @!p0 $0xC180  }
0x26: {  	[tilespmem:s1], [sflag:$0x8] =	stream.linear.gather @!p0 [hbm4b:s22+s20], $0x80, $0x38;
	[tilespmem:$0x18300] =	vst v63  }
0x27: {  	_ =	swait.ge @!p0 [sflag:s21], $0x80  }
0x28: {  	[sflag:s21] =	ssyncset.done @!p0 $0x0  }
0x29: {  	s7 =	simm.s32 @!p0 $0x80;
	s22 =	simm.s32 @!p0 $0xC200;
	[sflag:s21] =	ssyncadd.s32 @!p0 $0xFFFFFF80  }
0x2a: {  	[tilespmem:s22], [sflag:$0x4] =	stream.indirect.gather @!p0 [hbm4b:s4+s7], $0x1, s1, s7, $0xb8;
	[tilespmem:$0x18300] =	vst v63  }
0x2b: {  	s23 =	simm.s32 @!p0 $0xC280  }
0x2c: {  	[tilespmem:s23], [sflag:$0x5] =	stream.indirect.gather @!p0 [hbm4b:s5+s7], $0x1, s1, s7, $0xb8;
	[tilespmem:$0x18300] =	vst v63  }
0x2d: {  	s24 =	simm.s32 @!p0 $0x1;
	s0 =	simm.s32 @!p0 $0x14300  }
0x2e: {  	[tilespmem:s0], [sflag:$0x6] =	stream.indirect.gather @!p0 [hbm4b:s6+s7], $0x80, s1, s7, $0xb8;
	[tilespmem:$0x18300] =	vst v63  }
0x2f: {  	_ =	swait.ge @!p0 [sflag:s24], $0x80  }
0x30: {  	[sflag:s24] =	ssyncset.done @!p0 $0x0  }
0x31: {  	s1 =	simm.s32 @!p0 $0x2;
	[sflag:s24] =	ssyncadd.s32 @!p0 $0xFFFFFF80  }
0x32: {  	_ =	swait.ge @!p0 [sflag:s1], $0x80  }
0x33: {  	[sflag:s1] =	ssyncset.done @!p0 $0x0  }
0x34: {  	s24 =	simm.s32 @!p0 $0x180;
	[sflag:s1] =	ssyncadd.s32 @!p0 $0xFFFFFF80  }
0x35: {  	[tilespmem:s24], [sflag:$0x1] =	stream.indirect.gather @!p0 [hbm4b:s3+s7], $0x80, s7, s7, $0xb8;
	[tilespmem:$0x18300] =	vst v63  }
0x36: {  	s25 =	simm.s32 @!p0 $0x4;
	s1 =	simm.s32 @!p0 $0x100;
	s24 =	simm.s32 @!p0 $0x4180  }
0x37: {  	[tilespmem:s24], [sflag:$0x2] =	stream.indirect.gather @!p0 [hbm4b:s3+s7], $0x80, s1, s7, $0xb8;
	[tilespmem:$0x18300] =	vst v63  }
0x38: {  	_ =	swait.ge @!p0 [sflag:s25], $0x80  }
0x39: {  	[sflag:s25] =	ssyncset.done @!p0 $0x0  }
0x3a: {  	s1 =	simm.s32 @!p0 $0x5;
	[sflag:s25] =	ssyncadd.s32 @!p0 $0xFFFFFF80  }
0x3b: {  	_ =	swait.ge @!p0 [sflag:s1], $0x80  }
0x3c: {  	[sflag:s1] =	ssyncset.done @!p0 $0x0  }
0x3d: {  	s24 =	simm.s32 @!p0 $0xC300;
	[sflag:s1] =	ssyncadd.s32 @!p0 $0xFFFFFF80  }
0x3e: {  	[tilespmem:s24], [sflag:$0x4] =	stream.indirect.gather @!p0 [hbm4b:s3+s7], $0x80, s22, s7, $0xb8;
	[tilespmem:$0x18300] =	vst v63  }
0x3f: {  	s22 =	simm.s32 @!p0 $0x10300  }
0x40: {  	[tilespmem:s22], [sflag:$0x5] =	stream.indirect.gather @!p0 [hbm4b:s3+s7], $0x80, s23, s7, $0xb8;
	[tilespmem:$0x18300] =	vst v63  }
0x41: {  	_ =	swait.ge [sflag:s16], $0x4000  }
0x42: {  	[sflag:s16] =	ssyncset.done $0x0  }
0x43: {  	[sflag:s16] =	ssyncadd.s32 $0xFFFFC000  }
0x44: {  	_ =	swait.ge [sflag:s17], $0x4000  }
0x45: {  	[sflag:s17] =	ssyncset.done $0x0  }
0x46: {  	[sflag:s17] =	ssyncadd.s32 $0xFFFFC000  }
0x47: {  	_ =	swait.ge [sflag:s18], $0x4000  }
0x48: {  	[sflag:s18] =	ssyncset.done $0x0  }
0x49: {  	s28 =	sadd.s32 $0x0, s11;
	s26 =	rddreg [dreg:$0x3];
	[sflag:s18] =	ssyncadd.s32 $0xFFFFC000  }
0x4a: {  	[hbm4b:s28+s2] =	stream.linear.scatter [tilespmem:s26], [sflag:$0x8], $0x4000, $0x38;
	[tilespmem:$0x18300] =	vst v63  }
0x4b: {  	_ =	swait.ge [sflag:s13], $0x4000  }
0x4c: {  	[sflag:s13] =	ssyncset.done $0x0  }
0x4d: {  	s30 =	sadd.s32 $0x0, s10;
	s29 =	rddreg [dreg:$0x4];
	[sflag:s13] =	ssyncadd.s32 $0xFFFFC000  }
0x4e: {  	[hbm4b:s30+s2] =	stream.linear.scatter [tilespmem:s29], [sflag:$0x8], $0x4000, $0x38;
	[tilespmem:$0x18300] =	vst v63  }
0x4f: {  	_ =	swait.ge [sflag:s13], $0x4000  }
0x50: {  	[sflag:s13] =	ssyncset.done $0x0  }
0x51: {  	s31 =	sadd.s32 $0x0, s9;
	[sflag:s13] =	ssyncadd.s32 $0xFFFFC000  }
0x52: {  	[hbm4b:s31+s2] =	stream.linear.scatter [tilespmem:s15], [sflag:$0x8], $0x4000, $0x38;
	[tilespmem:$0x18300] =	vst v63  }
0x53: {  	_ =	swait.ge [sflag:s13], $0x4000  }
0x54: {  	[sflag:s13] =	ssyncset.done $0x0  }
0x55: {  	[sflag:s13] =	ssyncadd.s32 $0xFFFFC000  }
0x56: {  	_ =	swait.ge @!p0 [sflag:s25], $0x4000  }
0x57: {  	[sflag:s25] =	ssyncset.done @!p0 $0x0  }
0x58: {  	[sflag:s25] =	ssyncadd.s32 @!p0 $0xFFFFC000  }
0x59: {  	_ =	swait.ge @!p0 [sflag:s1], $0x4000  }
0x5a: {  	[sflag:s1] =	ssyncset.done @!p0 $0x0  }
0x5b: {  	s7 =	simm.s32 @!p0 $0x6;
	[sflag:s1] =	ssyncadd.s32 @!p0 $0xFFFFC000  }
0x5c: {  	_ =	swait.ge @!p0 [sflag:s7], $0x4000  }
0x5d: {  	s1 =	sadd.s32 @!p0 $0x0, s11;
	[sflag:s7] =	ssyncset.done @!p0 $0x0  }
0x5e: {  	s1 =	sadd.s32 @!p0 $0x10000, s1;
	[sflag:s7] =	ssyncadd.s32 @!p0 $0xFFFFC000  }
0x5f: {  	[hbm4b:s1+s20] =	stream.linear.scatter @!p0 [tilespmem:s24], [sflag:$0x8], $0x4000, $0x38;
	[tilespmem:$0x18300] =	vst v63  }
0x60: {  	_ =	swait.ge @!p0 [sflag:s21], $0x4000  }
0x61: {  	s1 =	sadd.s32 @!p0 $0x0, s10;
	[sflag:s21] =	ssyncset.done @!p0 $0x0  }
0x62: {  	s1 =	sadd.s32 @!p0 $0x10000, s1;
	[sflag:s21] =	ssyncadd.s32 @!p0 $0xFFFFC000  }
0x63: {  	[hbm4b:s1+s20] =	stream.linear.scatter @!p0 [tilespmem:s22], [sflag:$0x8], $0x4000, $0x38;
	[tilespmem:$0x18300] =	vst v63  }
0x64: {  	_ =	swait.ge @!p0 [sflag:s21], $0x4000  }
0x65: {  	s1 =	sadd.s32 @!p0 $0x0, s9;
	[sflag:s21] =	ssyncset.done @!p0 $0x0  }
0x66: {  	s1 =	sadd.s32 @!p0 $0x10000, s1;
	[sflag:s21] =	ssyncadd.s32 @!p0 $0xFFFFC000  }
0x67: {  	[hbm4b:s1+s20] =	stream.linear.scatter @!p0 [tilespmem:s0], [sflag:$0x7], $0x4000, $0x38;
	[tilespmem:$0x18300] =	vst v63  }
0x68: {  	s22 =	smov.u32 s8;
	s0 =	simm.s32 @!p0 $0x7  }
0x69: {  	s21 =	sadd.s32 $0x40, s12;
	s20 =	simm.s32 $0x20000;
	_ =	swait.ge @!p0 [sflag:s0], $0x4000  }
.LBB2_2:
0x6a: {  	[sflag:s0] =	ssyncset.done @!p0 $0x0  }
0x6b: {  	s22 =	sadd.s32 $0x400, s22;
	[sflag:s0] =	ssyncadd.s32 @!p0 $0xFFFFC000  }
0x6c: {  	[tilespmem:s2], [sflag:$0x8] =	stream.linear.gather [hbm4b:s22+s2], $0x80, $0x38;
	[tilespmem:$0x18300] =	vst v63  }
0x6d: {  	_ =	swait.ge [sflag:s13], $0x80  }
0x6e: {  	[sflag:s13] =	ssyncset.done $0x0  }
0x6f: {  	[sflag:s13] =	ssyncadd.s32 $0xFFFFFF80  }
0x70: {  	[tilespmem:s14], [sflag:$0x1] =	stream.indirect.gather [hbm4b:s4+s14], $0x1, s2, s14, $0xb8;
	[tilespmem:$0x18300] =	vst v63  }
0x71: {  	p0 =	sgt.u32 s21, $0x270;
	s8 =	rddreg [dreg:$0x2]  }
0x72: {  	[tilespmem:s8], [sflag:$0x2] =	stream.indirect.gather [hbm4b:s5+s14], $0x1, s2, s14, $0xb8;
	[tilespmem:$0x18300] =	vst v63  }
0x73: {  	s0 =	simm.s32 @p0 $0x1  }
0x74: {  	[tilespmem:s15], [sflag:$0x3] =	stream.indirect.gather [hbm4b:s6+s14], $0x80, s2, s14, $0xb8;
	[tilespmem:$0x18300] =	vst v63  }
0x75: {  	s26 =	smov.u32 s20;
	_ =	swait.ge @p0 [sflag:s0], $0x80  }
0x76: {  	s1 =	sadd.s32 @!p0 s26, s11;
	s7 =	sadd.s32 @!p0 s26, s10;
	[sflag:s0] =	ssyncset.done @p0 $0x0  }
0x77: {  	s25 =	sadd.s32 @!p0 $0x10000, s1;
	s1 =	simm.s32 @p0 $0x2;
	[sflag:s0] =	ssyncadd.s32 @p0 $0xFFFFFF80  }
0x78: {  	s24 =	sadd.s32 @!p0 $0x10000, s7;
	s7 =	sadd.s32 @!p0 s26, s9;
	_ =	swait.ge @p0 [sflag:s1], $0x80  }
0x79: {  	s23 =	sadd.s32 @!p0 $0x10000, s7;
	[sflag:s1] =	ssyncset.done @p0 $0x0  }
0x7a: {  	s7 =	simm.s32 @p0 $0x180;
	s0 =	simm.s32 @p0 $0x80;
	[sflag:s1] =	ssyncadd.s32 @p0 $0xFFFFFF80  }
0x7b: {  	[tilespmem:s7], [sflag:$0x1] =	stream.indirect.gather @p0 [hbm4b:s3+s0], $0x80, s0, s0, $0xb8;
	[tilespmem:$0x18300] =	vst v63  }
0x7c: {  	s29 =	simm.s32 @p0 $0x4180;
	s28 =	simm.s32 @!p0 $0x0;
	s1 =	simm.s32 @p0 $0x100  }
0x7d: {  	[tilespmem:s29], [sflag:$0x2] =	stream.indirect.gather @p0 [hbm4b:s3+s0], $0x80, s1, s0, $0xb8;
	[tilespmem:$0x18300] =	vst v63  }
0x7e: {  	s31 =	simm.s32 @!p0 $0xC180;
	s7 =	sadd.s32 @!p0 $0x200, s22;
	s29 =	simm.s32 @!p0 $0x8  }
0x7f: {  	[tilespmem:s31], [sflag:$0x8] =	stream.linear.gather @!p0 [hbm4b:s7+s28], $0x80, $0x38;
	[tilespmem:$0x18300] =	vst v63  }
0x80: {  	_ =	swait.ge @!p0 [sflag:s29], $0x80  }
0x81: {  	[sflag:s29] =	ssyncset.done @!p0 $0x0  }
0x82: {  	s12 =	simm.s32 @!p0 $0x80;
	s8 =	simm.s32 @!p0 $0xC200;
	[sflag:s29] =	ssyncadd.s32 @!p0 $0xFFFFFF80  }
0x83: {  	[tilespmem:s8], [sflag:$0x4] =	stream.indirect.gather @!p0 [hbm4b:s4+s12], $0x1, s31, s12, $0xb8;
	[tilespmem:$0x18300] =	vst v63  }
0x84: {  	s19 =	simm.s32 @!p0 $0xC280  }
0x85: {  	[tilespmem:s19], [sflag:$0x5] =	stream.indirect.gather @!p0 [hbm4b:s5+s12], $0x1, s31, s12, $0xb8;
	[tilespmem:$0x18300] =	vst v63  }
0x86: {  	s30 =	simm.s32 @!p0 $0x14300;
	s0 =	simm.s32 @!p0 $0x1  }
0x87: {  	[tilespmem:s30], [sflag:$0x6] =	stream.indirect.gather @!p0 [hbm4b:s6+s12], $0x80, s31, s12, $0xb8;
	[tilespmem:$0x18300] =	vst v63  }
0x88: {  	_ =	swait.ge @!p0 [sflag:s0], $0x80  }
0x89: {  	[sflag:s0] =	ssyncset.done @!p0 $0x0  }
0x8a: {  	s1 =	simm.s32 @!p0 $0x2;
	[sflag:s0] =	ssyncadd.s32 @!p0 $0xFFFFFF80  }
0x8b: {  	_ =	swait.ge @!p0 [sflag:s1], $0x80  }
0x8c: {  	[sflag:s1] =	ssyncset.done @!p0 $0x0  }
0x8d: {  	s0 =	simm.s32 @!p0 $0x180;
	[sflag:s1] =	ssyncadd.s32 @!p0 $0xFFFFFF80  }
0x8e: {  	[tilespmem:s0], [sflag:$0x1] =	stream.indirect.gather @!p0 [hbm4b:s3+s12], $0x80, s12, s12, $0xb8;
	[tilespmem:$0x18300] =	vst v63  }
0x8f: {  	s7 =	simm.s32 @!p0 $0x100;
	s31 =	simm.s32 @!p0 $0x4180;
	s1 =	simm.s32 @!p0 $0x4  }
0x90: {  	[tilespmem:s31], [sflag:$0x2] =	stream.indirect.gather @!p0 [hbm4b:s3+s12], $0x80, s7, s12, $0xb8;
	[tilespmem:$0x18300] =	vst v63  }
0x91: {  	_ =	swait.ge @!p0 [sflag:s1], $0x80  }
0x92: {  	[sflag:s1] =	ssyncset.done @!p0 $0x0  }
0x93: {  	s7 =	simm.s32 @!p0 $0x5;
	[sflag:s1] =	ssyncadd.s32 @!p0 $0xFFFFFF80  }
0x94: {  	_ =	swait.ge @!p0 [sflag:s7], $0x80  }
0x95: {  	[sflag:s7] =	ssyncset.done @!p0 $0x0  }
0x96: {  	s0 =	simm.s32 @!p0 $0xC300;
	[sflag:s7] =	ssyncadd.s32 @!p0 $0xFFFFFF80  }
0x97: {  	[tilespmem:s0], [sflag:$0x4] =	stream.indirect.gather @!p0 [hbm4b:s3+s12], $0x80, s8, s12, $0xb8;
	[tilespmem:$0x18300] =	vst v63  }
0x98: {  	s31 =	simm.s32 @!p0 $0x10300  }
0x99: {  	[tilespmem:s31], [sflag:$0x5] =	stream.indirect.gather @!p0 [hbm4b:s3+s12], $0x80, s19, s12, $0xb8;
	[tilespmem:$0x18300] =	vst v63  }
0x9a: {  	_ =	swait.ge [sflag:s16], $0x4000  }
0x9b: {  	[sflag:s16] =	ssyncset.done $0x0  }
0x9c: {  	[sflag:s16] =	ssyncadd.s32 $0xFFFFC000  }
0x9d: {  	_ =	swait.ge [sflag:s17], $0x4000  }
0x9e: {  	[sflag:s17] =	ssyncset.done $0x0  }
0x9f: {  	[sflag:s17] =	ssyncadd.s32 $0xFFFFC000  }
0xa0: {  	_ =	swait.ge [sflag:s18], $0x4000  }
0xa1: {  	[sflag:s18] =	ssyncset.done $0x0  }
0xa2: {  	s19 =	sadd.s32 s26, s11;
	s12 =	rddreg [dreg:$0x3];
	[sflag:s18] =	ssyncadd.s32 $0xFFFFC000  }
0xa3: {  	[hbm4b:s19+s2] =	stream.linear.scatter [tilespmem:s12], [sflag:$0x8], $0x4000, $0x38;
	[tilespmem:$0x18300] =	vst v63  }
0xa4: {  	_ =	swait.ge [sflag:s13], $0x4000  }
0xa5: {  	[sflag:s13] =	ssyncset.done $0x0  }
0xa6: {  	s19 =	sadd.s32 s26, s10;
	s12 =	rddreg [dreg:$0x4];
	[sflag:s13] =	ssyncadd.s32 $0xFFFFC000  }
0xa7: {  	[hbm4b:s19+s2] =	stream.linear.scatter [tilespmem:s12], [sflag:$0x8], $0x4000, $0x38;
	[tilespmem:$0x18300] =	vst v63  }
0xa8: {  	_ =	swait.ge [sflag:s13], $0x4000  }
0xa9: {  	[sflag:s13] =	ssyncset.done $0x0  }
0xaa: {  	s26 =	sadd.s32 s26, s9;
	[sflag:s13] =	ssyncadd.s32 $0xFFFFC000  }
0xab: {  	[hbm4b:s26+s2] =	stream.linear.scatter [tilespmem:s15], [sflag:$0x8], $0x4000, $0x38;
	[tilespmem:$0x18300] =	vst v63  }
0xac: {  	_ =	swait.ge [sflag:s13], $0x4000  }
0xad: {  	[sflag:s13] =	ssyncset.done $0x0  }
0xae: {  	[sflag:s13] =	ssyncadd.s32 $0xFFFFC000  }
0xaf: {  	_ =	swait.ge @!p0 [sflag:s1], $0x4000  }
0xb0: {  	[sflag:s1] =	ssyncset.done @!p0 $0x0  }
0xb1: {  	[sflag:s1] =	ssyncadd.s32 @!p0 $0xFFFFC000  }
0xb2: {  	_ =	swait.ge @!p0 [sflag:s7], $0x4000  }
0xb3: {  	[sflag:s7] =	ssyncset.done @!p0 $0x0  }
0xb4: {  	s1 =	simm.s32 @!p0 $0x6;
	[sflag:s7] =	ssyncadd.s32 @!p0 $0xFFFFC000  }
0xb5: {  	_ =	swait.ge @!p0 [sflag:s1], $0x4000  }
0xb6: {  	[sflag:s1] =	ssyncset.done @!p0 $0x0  }
0xb7: {  	[sflag:s1] =	ssyncadd.s32 @!p0 $0xFFFFC000  }
0xb8: {  	[hbm4b:s25+s28] =	stream.linear.scatter @!p0 [tilespmem:s0], [sflag:$0x8], $0x4000, $0x38;
	[tilespmem:$0x18300] =	vst v63  }
0xb9: {  	_ =	swait.ge @!p0 [sflag:s29], $0x4000  }
0xba: {  	s20 =	sadd.s32 $0x20000, s20;
	[sflag:s29] =	ssyncset.done @!p0 $0x0  }
0xbb: {  	p1 =	sne.s32 s20, $0x140000;
	[sflag:s29] =	ssyncadd.s32 @!p0 $0xFFFFC000  }
0xbc: {  	[hbm4b:s24+s28] =	stream.linear.scatter @!p0 [tilespmem:s31], [sflag:$0x8], $0x4000, $0x38;
	[tilespmem:$0x18300] =	vst v63  }
.Ltmp0:
0xbd: {  	_ =	swait.ge @!p0 [sflag:s29], $0x4000;
	(pc) =	sbr.rel @p1 .LBB2_2-.Ltmp0, $4  }
0xbe: {  	[sflag:s29] =	ssyncset.done @!p0 $0x0  }
0xbf: {  	s0 =	simm.s32 @!p0 $0x7;
	[sflag:s29] =	ssyncadd.s32 @!p0 $0xFFFFC000  }
0xc0: {  	[hbm4b:s23+s28] =	stream.linear.scatter @!p0 [tilespmem:s30], [sflag:$0x7], $0x4000, $0x38;
	[tilespmem:$0x18300] =	vst v63  }
0xc1: {  	s21 =	sadd.s32 $0x40, s21;
	_ =	swait.ge @!p0 [sflag:s0], $0x4000  }
0xc2: {  	s7 =	rddreg [dreg:$0x8]  }
0xc3: {  	s1 =	rddreg [dreg:$0x5];
	s7 =	sadd.s32 $0x1, s7  }
0xc4: {  	p1 =	sne.s32 s7, s1  }
.Ltmp1:
0xc5: {  	_ = 	snop;
	(pc) =	sbr.rel @p1 .LBB2_1-.Ltmp1, $3  }
0xc6: {  	_ =	sdelay $0x1  }
0xc7: {  	[sflag:s0] =	ssyncset.done @!p0 $0x0  }
0xc8: {  	[sflag:s0] =	ssyncadd.s32 @!p0 $0xFFFFC000  }
0xc9: {  	_ =	sfence.sel $0x180000  }
0xca: {  	[bflag:$0x0] =	sbarrier.arrive $0xFFFF  }
0xcb: {  	_ =	strace $0x90000056  }
0xcc: {  	s0 =	stileid.u32;
	[bflag:$0x2] =	sbarrier.arrive $0xFFFF  }
0xcd: {  	p0 =	sne.s32 s0, $0x0;
	s0 =	rddreg [dreg:$0x1]  }
0xce: {  	s0 =	sadd.s32 @!p0 $0x100000, s0  }
0xcf: {  	[sflag:s0] =	ssyncadd.tile.s32 @!p0 $0x1;
	_ =	shalt  }
.Lfunc_end2:
_tile_overlayer_lowered:
.L_overlay_start_2:
0xd0: {  	(tag) =	ssettag $0x2  }
0xd1: {  	s0 =	rddreg [dreg:$0x0];
	s2 =	stileid.u32  }
0xd2: {  	s1 =	rddreg [dreg:$0x1];
	p0 =	sne.s32 s2, $0x0  }
0xd3: {  	s3 =	rddreg [dreg:$0x2];
	[bflag:$0x3] =	sbarrier.arrive $0xFFFF;
	s2 =	simm.s32 @!p0 $0x1C07  }
0xd4: {  	[timem:s3], [sflag:s2] =	dma.local @!p0 [hbm:s0], s1  }
0xd5: {  	s0 =	simm.s32 @!p0 $0x7  }
0xd6: {  	_ =	swait.ge @!p0 [sflag:s0], s1  }
0xd7: {  	s1 =	ssub.s32 @!p0 $0x0, s1;
	[sflag:s0] =	ssyncset.done @!p0 $0x0  }
0xd8: {  	[sflag:s0] =	ssyncadd.s32 @!p0 s1  }
0xd9: {  	[bflag:$0x3] =	sbarrier.arrive $0xFFFF  }
0xda: {  	_ =	shalt  }

// kernel: kernel.28.cloned.1.call-start
scs
__scs_entry_jumppad:
0x0: {  	(pc) =	sbr.rel $0x88, $3  }
0x1: {  	(tag) =	ssettag $0x0;
	lr =	simm.s32 $0x1  }
0x2: {  	[smem:$0x3F8D] =	sst lr;
	_ =	strace $0xD0000000  }
0x3: {  	_ = 	snop  }
0x4: {  	_ = 	snop  }
0x5: {  	_ = 	snop  }
0x6: {  	_ = 	snop  }
0x7: {  	_ = 	snop  }
__scs_overlays_trampoline_lowered:
0x8: {  	[smem:$0x3F9C] =	sst s0  }
0x9: {  	[smem:$0x3F9D] =	sst s1  }
0xa: {  	[smem:$0x3F9E] =	sst s2  }
0xb: {  	[smem:$0x3F9F] =	sst s3  }
0xc: {  	[smem:$0x3FA0] =	sst s4  }
0xd: {  	[smem:$0x3FA1] =	sst s5  }
0xe: {  	[smem:$0x3FA2] =	sst s6  }
0xf: {  	[smem:$0x3FA3] =	sst s7  }
0x10: {  	[smem:$0x3FA4] =	sst s8  }
0x11: {  	[smem:$0x3FA5] =	sst s9;
	s0 =	simm.s32 @!p0 $0x0  }
0x12: {  	s1 =	sld [smem:$0x3F8B];
	s0 =	simm.s32 @p0 $0x1  }
0x13: {  	[smem:$0x3FA6] =	sst s0;
	s0 =	simm.s32 @!p1 $0x0  }
0x14: {  	s2 =	sld [smem:$0x3F8A];
	s0 =	simm.s32 @p1 $0x1  }
0x15: {  	[smem:$0x3FA7] =	sst s0;
	s0 =	simm.s32 @!p2 $0x0  }
0x16: {  	s3 =	sld [smem:$0x3FDB];
	s0 =	simm.s32 @p2 $0x1  }
0x17: {  	s4 =	simm.s32 $0x1BF5;
	[smem:$0x3FA9] =	sst s0  }
0x18: {  	s0 =	sld [smem:$0x3F8C];
	_ =	swait.ge [sflag:s4], $0x0  }
0x19: {  	s7 =	sld [smem:$0x3F8D]  }
0x1a: {  	s8 =	sadd.s32 $0xFFFFE003, lr  }
0x1b: {  	s9 =	sadd.s32 $0xFFFFFEF7, lr;
	s5 =	simm.s32 $0xFFFFFFFF;
	p2 =	slt.u32 s8, $0xFFFFF086  }
0x1c: {  	p1 =	slt.u32 s9, $0xF7A;
	s5 =	simm.s32 @!p2 $0x0  }
0x1d: {  	s5 =	simm.s32 @p1 $0x1;
	p0 =	seq.s32 s7, s2  }
0x1e: {  	s7 =	smul.u32 @!p0 $0xF7A, s2;
	p2 =	seq.s32 @!p0 s5, $0x0  }
0x1f: {  	s9 =	smul.u32 $0xF7A, s1;
	s8 =	simm.s32 @!p0 $0x1BF5;
	p2 =	por !p2, p0  }
0x20: {  	[sflag:s8] =	ssyncset.s32 @!p0 $0xFFFFF086;
	s6 =	sadd.s32 @!p0 s3, s7;
	s7 =	simm.s32 @!p0 $0x108  }
0x21: {  	s3 =	sadd.s32 s3, s9;
	s6 =	sadd.s32 @!p0 $0x88, s6;
	s7 =	simm.s32 @p2 $0x1082  }
0x22: {  	[simem:s7], [sflag:s8] =	dma.local @!p0 [hbm:s6], $0xF7A  }
0x23: {  	s9 =	sor.u32 $0xD0000000, s2;
	s6 =	simm.s32 $0x108;
	_ =	swait.ge @!p0 [sflag:s8], $0x0  }
0x24: {  	s3 =	sadd.s32 $0x88, s3;
	s6 =	simm.s32 @!p1 $0x1082;
	[sflag:s4] =	ssyncset.s32 $0xFFFFF086  }
0x25: {  	[simem:s6], [sflag:s4] =	dma.local [hbm:s3], $0xF7A  }
0x26: {  	[smem:$0x3F8D] =	sst s1;
	(tag) =	ssettag s2;
	_ =	strace s9  }
0x27: {  	s1 =	sld [smem:$0x3F9D]  }
0x28: {  	s2 =	sld [smem:$0x3F9E]  }
0x29: {  	s4 =	sld [smem:$0x3FA0]  }
0x2a: {  	p0 =	seq.s32 s5, $0x0;
	s5 =	sld [smem:$0x3FA1]  }
0x2b: {  	s6 =	sld [smem:$0x3FA2]  }
0x2c: {  	s7 =	sld [smem:$0x3FA3]  }
0x2d: {  	s3 =	simm.s32 $0x108;
	s8 =	sld [smem:$0x3FA4]  }
0x2e: {  	s3 =	simm.s32 @!p0 $0x1082;
	s9 =	sld [smem:$0x3FA5]  }
0x2f: {  	lr =	sadd.s32 s0, s3;
	s0 =	sld [smem:$0x3F9C]  }
0x30: {  	s3 =	sld [smem:$0x3F9F]  }
0x31: {  	[smem:$0x3FA8] =	sst s10  }
0x32: {  	s10 =	sld [smem:$0x3FA6];
	_ =	sdelay $0x3  }
0x33: {  	p0 =	seq.s32 s10, $0x1;
	s10 =	sld [smem:$0x3FA8];
	_ =	sdelay $0x3  }
0x34: {  	[smem:$0x3FA8] =	sst s10  }
0x35: {  	s10 =	sld [smem:$0x3FA7];
	_ =	sdelay $0x3  }
0x36: {  	p1 =	seq.s32 s10, $0x1;
	s10 =	sld [smem:$0x3FA8];
	_ =	sdelay $0x3  }
0x37: {  	[smem:$0x3FA8] =	sst s10  }
0x38: {  	s10 =	sld [smem:$0x3FA9]  }
0x39: {  	_ = 	snop;
	(pc) =	sbr.ind lr, $3  }
0x3a: {  	_ = 	snop  }
0x3b: {  	_ = 	snop  }
0x3c: {  	p2 =	seq.s32 s10, $0x1;
	s10 =	sld [smem:$0x3FA8]  }
0x3d: {  	_ =	shalt  }
0x3e: {  	_ =	shalt  }
0x3f: {  	_ =	shalt  }
0x40: {  	_ =	shalt  }
0x41: {  	_ =	shalt  }
0x42: {  	_ =	shalt  }
0x43: {  	_ =	shalt  }
0x44: {  	_ =	shalt  }
0x45: {  	_ =	shalt  }
0x46: {  	_ =	shalt  }
0x47: {  	_ =	shalt  }
0x48: {  	_ =	shalt  }
0x49: {  	_ =	shalt  }
0x4a: {  	_ =	shalt  }
0x4b: {  	_ =	shalt  }
0x4c: {  	_ =	shalt  }
0x4d: {  	_ =	shalt  }
0x4e: {  	_ =	shalt  }
0x4f: {  	_ =	shalt  }
0x50: {  	_ =	shalt  }
0x51: {  	_ =	shalt  }
0x52: {  	_ =	shalt  }
0x53: {  	_ =	shalt  }
0x54: {  	_ =	shalt  }
0x55: {  	_ =	shalt  }
0x56: {  	_ =	shalt  }
0x57: {  	_ =	shalt  }
0x58: {  	_ =	shalt  }
0x59: {  	_ =	shalt  }
0x5a: {  	_ =	shalt  }
0x5b: {  	_ =	shalt  }
0x5c: {  	_ =	shalt  }
0x5d: {  	_ =	shalt  }
0x5e: {  	_ =	shalt  }
0x5f: {  	_ =	shalt  }
0x60: {  	_ =	shalt  }
0x61: {  	_ =	shalt  }
0x62: {  	_ =	shalt  }
0x63: {  	_ =	shalt  }
0x64: {  	_ =	shalt  }
0x65: {  	_ =	shalt  }
0x66: {  	_ =	shalt  }
0x67: {  	_ =	shalt  }
0x68: {  	_ =	shalt  }
0x69: {  	_ =	shalt  }
0x6a: {  	_ =	shalt  }
0x6b: {  	_ =	shalt  }
0x6c: {  	_ =	shalt  }
0x6d: {  	_ =	shalt  }
0x6e: {  	_ =	shalt  }
0x6f: {  	_ =	shalt  }
0x70: {  	_ =	shalt  }
0x71: {  	_ =	shalt  }
0x72: {  	_ =	shalt  }
0x73: {  	_ =	shalt  }
0x74: {  	_ =	shalt  }
0x75: {  	_ =	shalt  }
0x76: {  	_ =	shalt  }
0x77: {  	_ =	shalt  }
0x78: {  	_ =	shalt  }
0x79: {  	_ =	shalt  }
0x7a: {  	_ =	shalt  }
0x7b: {  	_ =	shalt  }
0x7c: {  	_ =	shalt  }
0x7d: {  	_ =	shalt  }
0x7e: {  	_ =	shalt  }
0x7f: {  	_ =	shalt  }
0x80: {  	_ =	shalt  }
0x81: {  	_ =	shalt  }
0x82: {  	_ =	shalt  }
0x83: {  	_ =	shalt  }
0x84: {  	_ =	shalt  }
0x85: {  	_ =	shalt  }
0x86: {  	_ =	shalt  }
0x87: {  	_ =	shalt  }
.Lfunc_end0:
.L_simem_size_0:
called_computation.5_lowered:
.L_overlay_start_0:
0x88: {  	s2 =	sld [smem:$0x3FD9]  }
0x89: {  	s3 =	sld [smem:$0x3FFE];
	_ =	sdelay $0x1  }
0x8a: {  	s1 =	srdreg.scid  }
0x8b: {  	s0 =	sand.u32 $0x1, s1  }
0x8c: {  	s16 =	sshll.u32 s0, $0xA;
	s2 =	sadd.s32 s3, s2  }
0x8d: {  	s2 =	sadd.s32 s2, s16  }
0x8e: {  	[smem:$0x3FB4] =	sst s2  }
0x8f: {  	_ = 	snop  }
0x90: {  	(tm) =	ssettm $0x1  }
0x91: {  	s17 =	sld [smem:$0x3FFB];
	_ =	sdelay $0x3  }
0x92: {  	_ =	strace s17  }
0x93: {  	s2 =	sld [smem:$0x3FFC];
	_ =	sdelay $0x3  }
0x94: {  	_ =	strace s2  }
0x95: {  	s2 =	sld [smem:$0x3FFD];
	_ =	sdelay $0x3  }
0x96: {  	_ =	strace s2  }
0x97: {  	_ =	strace $0x8FFFFFFF  }
0x98: {  	s18 =	sld [smem:$0x3FDB];
	_ =	sdelay $0x1  }
0x99: {  	s19 =	simm.s32 $_scs_section_size  }
0x9a: {  	s4 =	simm.s32 $_size__tile_overlayer_lowered;
	s5 =	simm.s32 $_tile_overlayer_lowered  }
0x9b: {  	s22 =	simm.s32 $0x1BFF;
	s21 =	sshll.u32 s5, $0x1;
	s2 =	sadd.s32 s19, s18  }
0x9c: {  	s6 =	simm.s32 $0x0;
	s20 =	sshll.u32 s4, $0x1;
	s4 =	sadd.s32 s21, s2  }
0x9d: {  	[timem:s6], [sflag:s22] =	dma.local [hbm:s4], s20  }
0x9e: {  	_ =	swait.ge [sflag:s22], s20  }
0x9f: {  	s3 =	ssub.s32 $0x0, s20;
	[sflag:s22] =	ssyncset.done $0x0  }
0xa0: {  	[sflag:s22] =	ssyncadd.s32 s3;
	_ =	sdelay $0x1  }
0xa1: {  	s23 =	simm.s32 $0x1B8B  }
0xa2: {  	_ =	swait.ge [sflag:s23], $0x1  }
0xa3: {  	[sflag:s23] =	ssyncset.done $0x0  }
0xa4: {  	s25 =	simm.s32 $0x1B8E;
	s24 =	sld [smem:$0x3FFE];
	[sflag:s23] =	ssyncadd.s32 $0xFFFFFFFF  }
0xa5: {  	s26 =	simm.s32 $execute0_lowered;
	[smem:$0x3FD2] =	sst s25  }
0xa6: {  	s4 =	sshll.u32 s26, $0x1;
	_ =	strace $0x80000052;
	[dreg:$0x1] =	wrdreg $0xFFFFFFFF  }
0xa7: {  	s28 =	simm.s32 $_size_execute0_lowered;
	s2 =	sadd.s32 s2, s4;
	[dreg:$0x0] =	wrdreg $0x0  }
0xa8: {  	s4 =	sshll.u32 s28, $0x1;
	[dreg:$0x2] =	wrdreg s2  }
0xa9: {  	[dreg:$0x3] =	wrdreg s4  }
0xaa: {  	[dreg:$0x4] =	wrdreg $0xC0  }
0xab: {  	_ =	task [dreg:s6], $0x5FFFF  }
0xac: {  	[dreg:$0x1] =	wrdreg $0xFFFFFFFF  }
0xad: {  	[dreg:$0x0] =	wrdreg $0x60  }
0xae: {  	[dreg:$0x2] =	wrdreg s24  }
0xaf: {  	[dreg:$0x3] =	wrdreg $0xA  }
0xb0: {  	_ =	task.clear_ibuf [dreg:s6], $0x4FFFF;
	_ =	strace $0x90000052  }
0xb1: {  	s29 =	simm.s32 $0xA;
	_ =	strace $0x80000054  }
0xb2: {  	_ =	swait.ge [sflag:s29], $0x1  }
0xb3: {  	[sflag:s29] =	ssyncadd.s32 $0xFFFFFFFF  }
0xb4: {  	_ =	strace $0x90000054  }
0xb5: {  	_ =	sfence  }
0xb6: {  	s30 =	sld [smem:$0x0];
	_ =	sdelay $0x2  }
0xb7: {  	s31 =	sshll.u32 s1, $0xD;
	s1 =	sshrl.u32 s1, $0x2  }
0xb8: {  	s3 =	sand.u32 $0x4000, s31;
	s1 =	sadd.s32 s1, s30  }
0xb9: {  	s0 =	sor.u32 s3, s0;
	s1 =	sshll.u32 s1, $0x11  }
0xba: {  	s0 =	sor.u32 s1, s0  }
0xbb: {  	s0 =	sadd.s32 $0x8F2B, s0  }
0xbc: {  	[sflag:s0] =	ssyncadd.remote.s32 $0x1  }
0xbd: {  	_ =	sfence.sel $0xFFFF  }
0xbe: {  	[dreg:$0x0] =	wrdreg $0xFFFFFFFF;
	(pc) =	sbr.abs _section_cstart, $3  }
0xbf: {  	[dreg:$0x1] =	wrdreg $0xFFFFFFFF  }
0xc0: {  	_ =	task.clear_ibuf [dreg:s6], $0x2FFFF;
	_ =	strace $0x9FFFFFFF  }
0xc1: {  	(tm) =	ssettm $0x7FFFFFFF  }
tec
execute0_lowered:
.L_overlay_start_1:
0x0: {  	(tag) =	ssettag $0x1  }
0x1: {  	s0 =	rddreg [dreg:$0x0]  }
0x2: {  	s2 =	simm.s32 $0x0;
	s11 =	stileid.u32;
	s1 =	srdreg.scid  }
0x3: {  	s29 =	simm.s32 $0x100;
	s13 =	simm.s32 $0x8;
	s14 =	simm.s32 $0x80  }
0x4: {  	s15 =	simm.s32 $0x8180;
	s16 =	simm.s32 $0x1;
	s30 =	simm.s32 $0x180  }
0x5: {  	s17 =	simm.s32 $0x2;
	s31 =	simm.s32 $0x4180;
	s18 =	simm.s32 $0x3  }
0x6: {  	[smem:$0x7FF] =	sst s2;
	s3 =	sadd.s32 $0x1A000, s0;
	s4 =	sadd.s32 $0x10200, s0  }
0x7: {  	s6 =	sshll.u32 s11, $0x5;
	s1 =	sand.u32 $0x1, s1;
	s5 =	sadd.s32 $0x6400, s0  }
0x8: {  	s9 =	sshll.u32 s11, $0xC;
	s11 =	sshll.u32 s11, $0x1;
	_ =	strace $0x80000053  }
0x9: {  	s7 =	sadd.s32 s6, s0;
	s8 =	ssub.s32 $0x2, s1;
	s6 =	sadd.s32 $0x6A000, s0  }
0xa: {  	s0 =	sadd.s32 s9, s0;
	s25 =	sshll.u32 s1, $0x4;
	[dreg:$0x2] =	wrdreg s29  }
0xb: {  	s26 =	sshll.u32 s1, $0xB;
	s1 =	sor.u32 s1, s11;
	[dreg:$0x3] =	wrdreg s30  }
0xc: {  	[dreg:$0x4] =	wrdreg s31;
	s10 =	sshrl.u32 s8, $0x1;
	s7 =	sadd.s32 s25, s7  }
0xd: {  	s0 =	sadd.s32 s26, s0;
	s28 =	sor.u32 $0x20, s1;
	s8 =	ssub.s32 s8, s10  }
0xe: {  	s7 =	sadd.s32 $0xF38000, s7;
	s9 =	sadd.s32 $0x7BD000, s0;
	[dreg:$0x7] =	wrdreg s28  }
0xf: {  	s10 =	sadd.s32 $0x684800, s0;
	s8 =	smax.u32 s8, $0x1;
	[dreg:$0x6] =	wrdreg s7  }
0x10: {  	s11 =	sadd.s32 $0x54C000, s0;
	s7 =	simm.s32 $0x0;
	[dreg:$0x5] =	wrdreg s8  }
.LBB2_1:
0x11: {  	[dreg:$0x8] =	wrdreg s7  }
0x12: {  	s8 =	rddreg [dreg:$0x6]  }
0x13: {  	[tilespmem:s2], [sflag:$0x8] =	stream.linear.gather [hbm4b:s8+s2], $0x80, $0x38;
	[tilespmem:$0x18300] =	vst v63  }
0x14: {  	_ =	swait.ge [sflag:s13], $0x80  }
0x15: {  	[sflag:s13] =	ssyncset.done $0x0  }
0x16: {  	s12 =	rddreg [dreg:$0x7];
	[sflag:s13] =	ssyncadd.s32 $0xFFFFFF80  }
0x17: {  	[tilespmem:s14], [sflag:$0x1] =	stream.indirect.gather [hbm4b:s4+s14], $0x1, s2, s14, $0xb8;
	[tilespmem:$0x18300] =	vst v63  }
0x18: {  	s0 =	rddreg [dreg:$0x2];
	p0 =	sgt.u32 s12, $0x270  }
0x19: {  	[tilespmem:s0], [sflag:$0x2] =	stream.indirect.gather [hbm4b:s5+s14], $0x1, s2, s14, $0xb8;
	[tilespmem:$0x18300] =	vst v63  }
0x1a: {  	s0 =	simm.s32 @p0 $0x1  }
0x1b: {  	[tilespmem:s15], [sflag:$0x3] =	stream.indirect.gather [hbm4b:s6+s14], $0x80, s2, s14, $0xb8;
	[tilespmem:$0x18300] =	vst v63  }
0x1c: {  	_ =	swait.ge @p0 [sflag:s0], $0x80  }
0x1d: {  	[sflag:s0] =	ssyncset.done @p0 $0x0  }
0x1e: {  	s1 =	simm.s32 @p0 $0x2;
	[sflag:s0] =	ssyncadd.s32 @p0 $0xFFFFFF80  }
0x1f: {  	_ =	swait.ge @p0 [sflag:s1], $0x80  }
0x20: {  	[sflag:s1] =	ssyncset.done @p0 $0x0  }
0x21: {  	s7 =	simm.s32 @p0 $0x180;
	s0 =	simm.s32 @p0 $0x80;
	[sflag:s1] =	ssyncadd.s32 @p0 $0xFFFFFF80  }
0x22: {  	[tilespmem:s7], [sflag:$0x1] =	stream.indirect.gather @p0 [hbm4b:s3+s0], $0x80, s0, s0, $0xb8;
	[tilespmem:$0x18300] =	vst v63  }
0x23: {  	s22 =	sadd.s32 @!p0 $0x200, s8;
	s1 =	simm.s32 @p0 $0x100;
	s7 =	simm.s32 @p0 $0x4180  }
0x24: {  	[tilespmem:s7], [sflag:$0x2] =	stream.indirect.gather @p0 [hbm4b:s3+s0], $0x80, s1, s0, $0xb8;
	[tilespmem:$0x18300] =	vst v63  }
0x25: {  	s20 =	simm.s32 @!p0 $0x0;
	s21 =	simm.s32 @!p0 $0x8;
	s1 =	simm.s32 @!p0 $0xC180  }
0x26: {  	[tilespmem:s1], [sflag:$0x8] =	stream.linear.gather @!p0 [hbm4b:s22+s20], $0x80, $0x38;
	[tilespmem:$0x18300] =	vst v63  }
0x27: {  	_ =	swait.ge @!p0 [sflag:s21], $0x80  }
0x28: {  	[sflag:s21] =	ssyncset.done @!p0 $0x0  }
0x29: {  	s7 =	simm.s32 @!p0 $0x80;
	s22 =	simm.s32 @!p0 $0xC200;
	[sflag:s21] =	ssyncadd.s32 @!p0 $0xFFFFFF80  }
0x2a: {  	[tilespmem:s22], [sflag:$0x4] =	stream.indirect.gather @!p0 [hbm4b:s4+s7], $0x1, s1, s7, $0xb8;
	[tilespmem:$0x18300] =	vst v63  }
0x2b: {  	s23 =	simm.s32 @!p0 $0xC280  }
0x2c: {  	[tilespmem:s23], [sflag:$0x5] =	stream.indirect.gather @!p0 [hbm4b:s5+s7], $0x1, s1, s7, $0xb8;
	[tilespmem:$0x18300] =	vst v63  }
0x2d: {  	s24 =	simm.s32 @!p0 $0x1;
	s0 =	simm.s32 @!p0 $0x14300  }
0x2e: {  	[tilespmem:s0], [sflag:$0x6] =	stream.indirect.gather @!p0 [hbm4b:s6+s7], $0x80, s1, s7, $0xb8;
	[tilespmem:$0x18300] =	vst v63  }
0x2f: {  	_ =	swait.ge @!p0 [sflag:s24], $0x80  }
0x30: {  	[sflag:s24] =	ssyncset.done @!p0 $0x0  }
0x31: {  	s1 =	simm.s32 @!p0 $0x2;
	[sflag:s24] =	ssyncadd.s32 @!p0 $0xFFFFFF80  }
0x32: {  	_ =	swait.ge @!p0 [sflag:s1], $0x80  }
0x33: {  	[sflag:s1] =	ssyncset.done @!p0 $0x0  }
0x34: {  	s24 =	simm.s32 @!p0 $0x180;
	[sflag:s1] =	ssyncadd.s32 @!p0 $0xFFFFFF80  }
0x35: {  	[tilespmem:s24], [sflag:$0x1] =	stream.indirect.gather @!p0 [hbm4b:s3+s7], $0x80, s7, s7, $0xb8;
	[tilespmem:$0x18300] =	vst v63  }
0x36: {  	s25 =	simm.s32 @!p0 $0x4;
	s1 =	simm.s32 @!p0 $0x100;
	s24 =	simm.s32 @!p0 $0x4180  }
0x37: {  	[tilespmem:s24], [sflag:$0x2] =	stream.indirect.gather @!p0 [hbm4b:s3+s7], $0x80, s1, s7, $0xb8;
	[tilespmem:$0x18300] =	vst v63  }
0x38: {  	_ =	swait.ge @!p0 [sflag:s25], $0x80  }
0x39: {  	[sflag:s25] =	ssyncset.done @!p0 $0x0  }
0x3a: {  	s1 =	simm.s32 @!p0 $0x5;
	[sflag:s25] =	ssyncadd.s32 @!p0 $0xFFFFFF80  }
0x3b: {  	_ =	swait.ge @!p0 [sflag:s1], $0x80  }
0x3c: {  	[sflag:s1] =	ssyncset.done @!p0 $0x0  }
0x3d: {  	s24 =	simm.s32 @!p0 $0xC300;
	[sflag:s1] =	ssyncadd.s32 @!p0 $0xFFFFFF80  }
0x3e: {  	[tilespmem:s24], [sflag:$0x4] =	stream.indirect.gather @!p0 [hbm4b:s3+s7], $0x80, s22, s7, $0xb8;
	[tilespmem:$0x18300] =	vst v63  }
0x3f: {  	s22 =	simm.s32 @!p0 $0x10300  }
0x40: {  	[tilespmem:s22], [sflag:$0x5] =	stream.indirect.gather @!p0 [hbm4b:s3+s7], $0x80, s23, s7, $0xb8;
	[tilespmem:$0x18300] =	vst v63  }
0x41: {  	_ =	swait.ge [sflag:s16], $0x4000  }
0x42: {  	[sflag:s16] =	ssyncset.done $0x0  }
0x43: {  	[sflag:s16] =	ssyncadd.s32 $0xFFFFC000  }
0x44: {  	_ =	swait.ge [sflag:s17], $0x4000  }
0x45: {  	[sflag:s17] =	ssyncset.done $0x0  }
0x46: {  	[sflag:s17] =	ssyncadd.s32 $0xFFFFC000  }
0x47: {  	_ =	swait.ge [sflag:s18], $0x4000  }
0x48: {  	[sflag:s18] =	ssyncset.done $0x0  }
0x49: {  	s28 =	sadd.s32 $0x0, s11;
	s26 =	rddreg [dreg:$0x3];
	[sflag:s18] =	ssyncadd.s32 $0xFFFFC000  }
0x4a: {  	[hbm4b:s28+s2] =	stream.linear.scatter [tilespmem:s26], [sflag:$0x8], $0x4000, $0x38;
	[tilespmem:$0x18300] =	vst v63  }
0x4b: {  	_ =	swait.ge [sflag:s13], $0x4000  }
0x4c: {  	[sflag:s13] =	ssyncset.done $0x0  }
0x4d: {  	s30 =	sadd.s32 $0x0, s10;
	s29 =	rddreg [dreg:$0x4];
	[sflag:s13] =	ssyncadd.s32 $0xFFFFC000  }
0x4e: {  	[hbm4b:s30+s2] =	stream.linear.scatter [tilespmem:s29], [sflag:$0x8], $0x4000, $0x38;
	[tilespmem:$0x18300] =	vst v63  }
0x4f: {  	_ =	swait.ge [sflag:s13], $0x4000  }
0x50: {  	[sflag:s13] =	ssyncset.done $0x0  }
0x51: {  	s31 =	sadd.s32 $0x0, s9;
	[sflag:s13] =	ssyncadd.s32 $0xFFFFC000  }
0x52: {  	[hbm4b:s31+s2] =	stream.linear.scatter [tilespmem:s15], [sflag:$0x8], $0x4000, $0x38;
	[tilespmem:$0x18300] =	vst v63  }
0x53: {  	_ =	swait.ge [sflag:s13], $0x4000  }
0x54: {  	[sflag:s13] =	ssyncset.done $0x0  }
0x55: {  	[sflag:s13] =	ssyncadd.s32 $0xFFFFC000  }
0x56: {  	_ =	swait.ge @!p0 [sflag:s25], $0x4000  }
0x57: {  	[sflag:s25] =	ssyncset.done @!p0 $0x0  }
0x58: {  	[sflag:s25] =	ssyncadd.s32 @!p0 $0xFFFFC000  }
0x59: {  	_ =	swait.ge @!p0 [sflag:s1], $0x4000  }
0x5a: {  	[sflag:s1] =	ssyncset.done @!p0 $0x0  }
0x5b: {  	s7 =	simm.s32 @!p0 $0x6;
	[sflag:s1] =	ssyncadd.s32 @!p0 $0xFFFFC000  }
0x5c: {  	_ =	swait.ge @!p0 [sflag:s7], $0x4000  }
0x5d: {  	s1 =	sadd.s32 @!p0 $0x0, s11;
	[sflag:s7] =	ssyncset.done @!p0 $0x0  }
0x5e: {  	s1 =	sadd.s32 @!p0 $0x10000, s1;
	[sflag:s7] =	ssyncadd.s32 @!p0 $0xFFFFC000  }
0x5f: {  	[hbm4b:s1+s20] =	stream.linear.scatter @!p0 [tilespmem:s24], [sflag:$0x8], $0x4000, $0x38;
	[tilespmem:$0x18300] =	vst v63  }
0x60: {  	_ =	swait.ge @!p0 [sflag:s21], $0x4000  }
0x61: {  	s1 =	sadd.s32 @!p0 $0x0, s10;
	[sflag:s21] =	ssyncset.done @!p0 $0x0  }
0x62: {  	s1 =	sadd.s32 @!p0 $0x10000, s1;
	[sflag:s21] =	ssyncadd.s32 @!p0 $0xFFFFC000  }
0x63: {  	[hbm4b:s1+s20] =	stream.linear.scatter @!p0 [tilespmem:s22], [sflag:$0x8], $0x4000, $0x38;
	[tilespmem:$0x18300] =	vst v63  }
0x64: {  	_ =	swait.ge @!p0 [sflag:s21], $0x4000  }
0x65: {  	s1 =	sadd.s32 @!p0 $0x0, s9;
	[sflag:s21] =	ssyncset.done @!p0 $0x0  }
0x66: {  	s1 =	sadd.s32 @!p0 $0x10000, s1;
	[sflag:s21] =	ssyncadd.s32 @!p0 $0xFFFFC000  }
0x67: {  	[hbm4b:s1+s20] =	stream.linear.scatter @!p0 [tilespmem:s0], [sflag:$0x7], $0x4000, $0x38;
	[tilespmem:$0x18300] =	vst v63  }
0x68: {  	s22 =	smov.u32 s8;
	s0 =	simm.s32 @!p0 $0x7  }
0x69: {  	s21 =	sadd.s32 $0x40, s12;
	s20 =	simm.s32 $0x20000;
	_ =	swait.ge @!p0 [sflag:s0], $0x4000  }
.LBB2_2:
0x6a: {  	[sflag:s0] =	ssyncset.done @!p0 $0x0  }
0x6b: {  	s22 =	sadd.s32 $0x400, s22;
	[sflag:s0] =	ssyncadd.s32 @!p0 $0xFFFFC000  }
0x6c: {  	[tilespmem:s2], [sflag:$0x8] =	stream.linear.gather [hbm4b:s22+s2], $0x80, $0x38;
	[tilespmem:$0x18300] =	vst v63  }
0x6d: {  	_ =	swait.ge [sflag:s13], $0x80  }
0x6e: {  	[sflag:s13] =	ssyncset.done $0x0  }
0x6f: {  	[sflag:s13] =	ssyncadd.s32 $0xFFFFFF80  }
0x70: {  	[tilespmem:s14], [sflag:$0x1] =	stream.indirect.gather [hbm4b:s4+s14], $0x1, s2, s14, $0xb8;
	[tilespmem:$0x18300] =	vst v63  }
0x71: {  	p0 =	sgt.u32 s21, $0x270;
	s8 =	rddreg [dreg:$0x2]  }
0x72: {  	[tilespmem:s8], [sflag:$0x2] =	stream.indirect.gather [hbm4b:s5+s14], $0x1, s2, s14, $0xb8;
	[tilespmem:$0x18300] =	vst v63  }
0x73: {  	s0 =	simm.s32 @p0 $0x1  }
0x74: {  	[tilespmem:s15], [sflag:$0x3] =	stream.indirect.gather [hbm4b:s6+s14], $0x80, s2, s14, $0xb8;
	[tilespmem:$0x18300] =	vst v63  }
0x75: {  	s26 =	smov.u32 s20;
	_ =	swait.ge @p0 [sflag:s0], $0x80  }
0x76: {  	s1 =	sadd.s32 @!p0 s26, s11;
	s7 =	sadd.s32 @!p0 s26, s10;
	[sflag:s0] =	ssyncset.done @p0 $0x0  }
0x77: {  	s25 =	sadd.s32 @!p0 $0x10000, s1;
	s1 =	simm.s32 @p0 $0x2;
	[sflag:s0] =	ssyncadd.s32 @p0 $0xFFFFFF80  }
0x78: {  	s24 =	sadd.s32 @!p0 $0x10000, s7;
	s7 =	sadd.s32 @!p0 s26, s9;
	_ =	swait.ge @p0 [sflag:s1], $0x80  }
0x79: {  	s23 =	sadd.s32 @!p0 $0x10000, s7;
	[sflag:s1] =	ssyncset.done @p0 $0x0  }
0x7a: {  	s7 =	simm.s32 @p0 $0x180;
	s0 =	simm.s32 @p0 $0x80;
	[sflag:s1] =	ssyncadd.s32 @p0 $0xFFFFFF80  }
0x7b: {  	[tilespmem:s7], [sflag:$0x1] =	stream.indirect.gather @p0 [hbm4b:s3+s0], $0x80, s0, s0, $0xb8;
	[tilespmem:$0x18300] =	vst v63  }
0x7c: {  	s29 =	simm.s32 @p0 $0x4180;
	s28 =	simm.s32 @!p0 $0x0;
	s1 =	simm.s32 @p0 $0x100  }
0x7d: {  	[tilespmem:s29], [sflag:$0x2] =	stream.indirect.gather @p0 [hbm4b:s3+s0], $0x80, s1, s0, $0xb8;
	[tilespmem:$0x18300] =	vst v63  }
0x7e: {  	s31 =	simm.s32 @!p0 $0xC180;
	s7 =	sadd.s32 @!p0 $0x200, s22;
	s29 =	simm.s32 @!p0 $0x8  }
0x7f: {  	[tilespmem:s31], [sflag:$0x8] =	stream.linear.gather @!p0 [hbm4b:s7+s28], $0x80, $0x38;
	[tilespmem:$0x18300] =	vst v63  }
0x80: {  	_ =	swait.ge @!p0 [sflag:s29], $0x80  }
0x81: {  	[sflag:s29] =	ssyncset.done @!p0 $0x0  }
0x82: {  	s12 =	simm.s32 @!p0 $0x80;
	s8 =	simm.s32 @!p0 $0xC200;
	[sflag:s29] =	ssyncadd.s32 @!p0 $0xFFFFFF80  }
0x83: {  	[tilespmem:s8], [sflag:$0x4] =	stream.indirect.gather @!p0 [hbm4b:s4+s12], $0x1, s31, s12, $0xb8;
	[tilespmem:$0x18300] =	vst v63  }
0x84: {  	s19 =	simm.s32 @!p0 $0xC280  }
0x85: {  	[tilespmem:s19], [sflag:$0x5] =	stream.indirect.gather @!p0 [hbm4b:s5+s12], $0x1, s31, s12, $0xb8;
	[tilespmem:$0x18300] =	vst v63  }
0x86: {  	s30 =	simm.s32 @!p0 $0x14300;
	s0 =	simm.s32 @!p0 $0x1  }
0x87: {  	[tilespmem:s30], [sflag:$0x6] =	stream.indirect.gather @!p0 [hbm4b:s6+s12], $0x80, s31, s12, $0xb8;
	[tilespmem:$0x18300] =	vst v63  }
0x88: {  	_ =	swait.ge @!p0 [sflag:s0], $0x80  }
0x89: {  	[sflag:s0] =	ssyncset.done @!p0 $0x0  }
0x8a: {  	s1 =	simm.s32 @!p0 $0x2;
	[sflag:s0] =	ssyncadd.s32 @!p0 $0xFFFFFF80  }
0x8b: {  	_ =	swait.ge @!p0 [sflag:s1], $0x80  }
0x8c: {  	[sflag:s1] =	ssyncset.done @!p0 $0x0  }
0x8d: {  	s0 =	simm.s32 @!p0 $0x180;
	[sflag:s1] =	ssyncadd.s32 @!p0 $0xFFFFFF80  }
0x8e: {  	[tilespmem:s0], [sflag:$0x1] =	stream.indirect.gather @!p0 [hbm4b:s3+s12], $0x80, s12, s12, $0xb8;
	[tilespmem:$0x18300] =	vst v63  }
0x8f: {  	s7 =	simm.s32 @!p0 $0x100;
	s31 =	simm.s32 @!p0 $0x4180;
	s1 =	simm.s32 @!p0 $0x4  }
0x90: {  	[tilespmem:s31], [sflag:$0x2] =	stream.indirect.gather @!p0 [hbm4b:s3+s12], $0x80, s7, s12, $0xb8;
	[tilespmem:$0x18300] =	vst v63  }
0x91: {  	_ =	swait.ge @!p0 [sflag:s1], $0x80  }
0x92: {  	[sflag:s1] =	ssyncset.done @!p0 $0x0  }
0x93: {  	s7 =	simm.s32 @!p0 $0x5;
	[sflag:s1] =	ssyncadd.s32 @!p0 $0xFFFFFF80  }
0x94: {  	_ =	swait.ge @!p0 [sflag:s7], $0x80  }
0x95: {  	[sflag:s7] =	ssyncset.done @!p0 $0x0  }
0x96: {  	s0 =	simm.s32 @!p0 $0xC300;
	[sflag:s7] =	ssyncadd.s32 @!p0 $0xFFFFFF80  }
0x97: {  	[tilespmem:s0], [sflag:$0x4] =	stream.indirect.gather @!p0 [hbm4b:s3+s12], $0x80, s8, s12, $0xb8;
	[tilespmem:$0x18300] =	vst v63  }
0x98: {  	s31 =	simm.s32 @!p0 $0x10300  }
0x99: {  	[tilespmem:s31], [sflag:$0x5] =	stream.indirect.gather @!p0 [hbm4b:s3+s12], $0x80, s19, s12, $0xb8;
	[tilespmem:$0x18300] =	vst v63  }
0x9a: {  	_ =	swait.ge [sflag:s16], $0x4000  }
0x9b: {  	[sflag:s16] =	ssyncset.done $0x0  }
0x9c: {  	[sflag:s16] =	ssyncadd.s32 $0xFFFFC000  }
0x9d: {  	_ =	swait.ge [sflag:s17], $0x4000  }
0x9e: {  	[sflag:s17] =	ssyncset.done $0x0  }
0x9f: {  	[sflag:s17] =	ssyncadd.s32 $0xFFFFC000  }
0xa0: {  	_ =	swait.ge [sflag:s18], $0x4000  }
0xa1: {  	[sflag:s18] =	ssyncset.done $0x0  }
0xa2: {  	s19 =	sadd.s32 s26, s11;
	s12 =	rddreg [dreg:$0x3];
	[sflag:s18] =	ssyncadd.s32 $0xFFFFC000  }
0xa3: {  	[hbm4b:s19+s2] =	stream.linear.scatter [tilespmem:s12], [sflag:$0x8], $0x4000, $0x38;
	[tilespmem:$0x18300] =	vst v63  }
0xa4: {  	_ =	swait.ge [sflag:s13], $0x4000  }
0xa5: {  	[sflag:s13] =	ssyncset.done $0x0  }
0xa6: {  	s19 =	sadd.s32 s26, s10;
	s12 =	rddreg [dreg:$0x4];
	[sflag:s13] =	ssyncadd.s32 $0xFFFFC000  }
0xa7: {  	[hbm4b:s19+s2] =	stream.linear.scatter [tilespmem:s12], [sflag:$0x8], $0x4000, $0x38;
	[tilespmem:$0x18300] =	vst v63  }
0xa8: {  	_ =	swait.ge [sflag:s13], $0x4000  }
0xa9: {  	[sflag:s13] =	ssyncset.done $0x0  }
0xaa: {  	s26 =	sadd.s32 s26, s9;
	[sflag:s13] =	ssyncadd.s32 $0xFFFFC000  }
0xab: {  	[hbm4b:s26+s2] =	stream.linear.scatter [tilespmem:s15], [sflag:$0x8], $0x4000, $0x38;
	[tilespmem:$0x18300] =	vst v63  }
0xac: {  	_ =	swait.ge [sflag:s13], $0x4000  }
0xad: {  	[sflag:s13] =	ssyncset.done $0x0  }
0xae: {  	[sflag:s13] =	ssyncadd.s32 $0xFFFFC000  }
0xaf: {  	_ =	swait.ge @!p0 [sflag:s1], $0x4000  }
0xb0: {  	[sflag:s1] =	ssyncset.done @!p0 $0x0  }
0xb1: {  	[sflag:s1] =	ssyncadd.s32 @!p0 $0xFFFFC000  }
0xb2: {  	_ =	swait.ge @!p0 [sflag:s7], $0x4000  }
0xb3: {  	[sflag:s7] =	ssyncset.done @!p0 $0x0  }
0xb4: {  	s1 =	simm.s32 @!p0 $0x6;
	[sflag:s7] =	ssyncadd.s32 @!p0 $0xFFFFC000  }
0xb5: {  	_ =	swait.ge @!p0 [sflag:s1], $0x4000  }
0xb6: {  	[sflag:s1] =	ssyncset.done @!p0 $0x0  }
0xb7: {  	[sflag:s1] =	ssyncadd.s32 @!p0 $0xFFFFC000  }
0xb8: {  	[hbm4b:s25+s28] =	stream.linear.scatter @!p0 [tilespmem:s0], [sflag:$0x8], $0x4000, $0x38;
	[tilespmem:$0x18300] =	vst v63  }
0xb9: {  	_ =	swait.ge @!p0 [sflag:s29], $0x4000  }
0xba: {  	s20 =	sadd.s32 $0x20000, s20;
	[sflag:s29] =	ssyncset.done @!p0 $0x0  }
0xbb: {  	p1 =	sne.s32 s20, $0x140000;
	[sflag:s29] =	ssyncadd.s32 @!p0 $0xFFFFC000  }
0xbc: {  	[hbm4b:s24+s28] =	stream.linear.scatter @!p0 [tilespmem:s31], [sflag:$0x8], $0x4000, $0x38;
	[tilespmem:$0x18300] =	vst v63  }
.Ltmp0:
0xbd: {  	_ =	swait.ge @!p0 [sflag:s29], $0x4000;
	(pc) =	sbr.rel @p1 .LBB2_2-.Ltmp0, $4  }
0xbe: {  	[sflag:s29] =	ssyncset.done @!p0 $0x0  }
0xbf: {  	s0 =	simm.s32 @!p0 $0x7;
	[sflag:s29] =	ssyncadd.s32 @!p0 $0xFFFFC000  }
0xc0: {  	[hbm4b:s23+s28] =	stream.linear.scatter @!p0 [tilespmem:s30], [sflag:$0x7], $0x4000, $0x38;
	[tilespmem:$0x18300] =	vst v63  }
0xc1: {  	s21 =	sadd.s32 $0x40, s21;
	_ =	swait.ge @!p0 [sflag:s0], $0x4000  }
0xc2: {  	s7 =	rddreg [dreg:$0x8]  }
0xc3: {  	s1 =	rddreg [dreg:$0x5];
	s7 =	sadd.s32 $0x1, s7  }
0xc4: {  	p1 =	sne.s32 s7, s1  }
.Ltmp1:
0xc5: {  	_ = 	snop;
	(pc) =	sbr.rel @p1 .LBB2_1-.Ltmp1, $3  }
0xc6: {  	_ =	sdelay $0x1  }
0xc7: {  	[sflag:s0] =	ssyncset.done @!p0 $0x0  }
0xc8: {  	[sflag:s0] =	ssyncadd.s32 @!p0 $0xFFFFC000  }
0xc9: {  	_ =	sfence.sel $0x180000  }
0xca: {  	[bflag:$0x0] =	sbarrier.arrive $0xFFFF  }
0xcb: {  	_ =	strace $0x90000053  }
0xcc: {  	s0 =	stileid.u32;
	[bflag:$0x2] =	sbarrier.arrive $0xFFFF  }
0xcd: {  	p0 =	sne.s32 s0, $0x0;
	s0 =	rddreg [dreg:$0x1]  }
0xce: {  	s0 =	sadd.s32 @!p0 $0x100000, s0  }
0xcf: {  	[sflag:s0] =	ssyncadd.tile.s32 @!p0 $0x1;
	_ =	shalt  }
.Lfunc_end2:
_tile_overlayer_lowered:
.L_overlay_start_2:
0xd0: {  	(tag) =	ssettag $0x2  }
0xd1: {  	s0 =	rddreg [dreg:$0x0];
	s2 =	stileid.u32  }
0xd2: {  	s1 =	rddreg [dreg:$0x1];
	p0 =	sne.s32 s2, $0x0  }
0xd3: {  	s3 =	rddreg [dreg:$0x2];
	[bflag:$0x3] =	sbarrier.arrive $0xFFFF;
	s2 =	simm.s32 @!p0 $0x1C07  }
0xd4: {  	[timem:s3], [sflag:s2] =	dma.local @!p0 [hbm:s0], s1  }
0xd5: {  	s0 =	simm.s32 @!p0 $0x7  }
0xd6: {  	_ =	swait.ge @!p0 [sflag:s0], s1  }
0xd7: {  	s1 =	ssub.s32 @!p0 $0x0, s1;
	[sflag:s0] =	ssyncset.done @!p0 $0x0  }
0xd8: {  	[sflag:s0] =	ssyncadd.s32 @!p0 s1  }
0xd9: {  	[bflag:$0x3] =	sbarrier.arrive $0xFFFF  }
0xda: {  	_ =	shalt  }

</sc_bundles>
